<compile_context>
chip_gen: v7x
topology: tpu7x:2x2x1
jax: 0.10.2.dev20260603
libtpu: 0.0.44.dev20260713+nightly
codegen_flags: <defaults>
</compile_context>

<pallas_src>
import functools

import jax
import jax.numpy as jnp
from jax import lax
from jax.experimental import pallas as pl
from jax.experimental.pallas import tpu as pltpu
from jax.experimental.pallas import tpu_sc as plsc

N = 10000
E = 320000
F_IN = 128
F_OUT = 64
R = 2
NB = 30

NC = 2
NS = 16
NW = NC * NS
CHUNK = 64
CPT = 160
CPG = 4
NGRP = CPT // CPG
EPT = CPT * CHUNK
E_PAD = NW * EPT
ROWS2D = E_PAD // CHUNK
NBUF = 2
ACC_ROWS = 10112
ZROWS = ACC_ROWS // NS
TBL_PAD = 20096
TROWS = TBL_PAD // NS



def _mm_body(att_ref, x_ref, basis_ref, src_ref, typ_ref, h_ref, gidx_ref):
    gidx_ref[...] = typ_ref[...] * N + src_ref[...]
    x = x_ref[...]
    for r in range(R):
        w_r = att_ref[r, 0] * basis_ref[0]
        for b in range(1, NB):
            w_r = w_r + att_ref[r, b] * basis_ref[b]
        h_ref[r * N:(r + 1) * N, :] = jnp.dot(
            x, w_r, preferred_element_type=jnp.float32)


def _build_table(att, x, basis, src2d, typ2d):
    return pl.pallas_call(
        _mm_body,
        out_shape=(jax.ShapeDtypeStruct((TBL_PAD, F_OUT), jnp.float32),
                   jax.ShapeDtypeStruct((ROWS2D, CHUNK), jnp.int32)),
        in_specs=[
            pl.BlockSpec(memory_space=pltpu.SMEM),
            pl.BlockSpec(memory_space=pltpu.VMEM),
            pl.BlockSpec(memory_space=pltpu.VMEM),
            pl.BlockSpec(memory_space=pltpu.VMEM),
            pl.BlockSpec(memory_space=pltpu.VMEM),
        ],
    )(att, x, basis, src2d, typ2d)



def _edge_body(gidx_hbm, dst_hbm, h_hbm, zeros_hbm, out_hbm,
               gidx_g, dst_g, rows_v, table_sp, acc, gsems, asems, isems,
               ssem):
    c = lax.axis_index("c")
    s = lax.axis_index("s")
    w = s * NC + c
    base = w * CPT

    def load_slab(h, slot):
        pltpu.async_copy(gidx_hbm.at[pl.ds(base + h * CPG, CPG)],
                         gidx_g.at[slot], isems.at[slot])
        pltpu.async_copy(dst_hbm.at[pl.ds(base + h * CPG, CPG)],
                         dst_g.at[slot], isems.at[slot])

    def wait_slab(h, slot):
        pltpu.make_async_copy(gidx_hbm.at[pl.ds(base + h * CPG, CPG)],
                              gidx_g.at[slot], isems.at[slot]).wait()
        pltpu.make_async_copy(dst_hbm.at[pl.ds(base + h * CPG, CPG)],
                              dst_g.at[slot], isems.at[slot]).wait()

    load_slab(0, 0)
    load_slab(1, 1)

    pltpu.async_copy(h_hbm.at[pl.ds(s * TROWS, TROWS)],
                     table_sp.at[pl.ds(s * TROWS, TROWS)], ssem)
    pltpu.async_copy(zeros_hbm, acc.at[pl.ds(s * ZROWS, ZROWS)], ssem)
    pltpu.make_async_copy(h_hbm.at[pl.ds(s * TROWS, TROWS)],
                          table_sp.at[pl.ds(s * TROWS, TROWS)], ssem).wait()
    pltpu.make_async_copy(zeros_hbm, acc.at[pl.ds(s * ZROWS, ZROWS)],
                          ssem).wait()

    plsc.subcore_barrier()

    def wait_gather(t, slot, k, b):
        pltpu.make_async_copy(table_sp.at[gidx_g.at[slot, k]],
                              rows_v.at[b], gsems.at[b]).wait()

    def start_gather(t, slot, k, b):
        pltpu.async_copy(table_sp.at[gidx_g.at[slot, k]],
                         rows_v.at[b], gsems.at[b])

    def wait_scatter(t, slot, k, b):
        pltpu.make_async_copy(rows_v.at[b], acc.at[dst_g.at[slot, k]],
                              asems.at[b]).wait()

    def start_scatter(t, slot, k, b):
        pltpu.async_copy(rows_v.at[b], acc.at[dst_g.at[slot, k]],
                         asems.at[b], add=True)

    def sk(t):
        return ((t // CPG) % 2, t % CPG, t % NBUF)

    def turn(t, ph, load_h=None, load_slot=None, wait_h=None,
             wait_slot=None, first=False, last=False):
        slot, k, b = sk(ph)
        pslot, pk, pb = sk(ph - 1) if ph >= 1 else (0, 0, 0)
        nslot, nk, nb = sk(ph + 1)
        if not first:
            wait_scatter(t - 1, pslot, pk, pb)
        if load_h is not None:
            load_slab(load_h, load_slot)
        if wait_h is not None:
            wait_slab(wait_h, wait_slot)
        if not last:
            start_gather(t + 1, nslot, nk, nb)
        wait_gather(t, slot, k, b)
        start_scatter(t, slot, k, b)

    wait_slab(0, 0)
    start_gather(0, 0, 0, 0)
    turn(0, 0, first=True)
    turn(1, 1)
    turn(2, 2)
    turn(3, 3, wait_h=1, wait_slot=1)

    def pair(p, carry):
        t0 = 8 * p + 4
        for half in range(2):
            h = 2 * p + 1 + half
            for k in range(CPG):
                t = t0 + 4 * half + k
                ph = 4 * (1 + half) + k
                turn(t, ph,
                     load_h=(h + 1) if k == 0 else None,
                     load_slot=half if k == 0 else None,
                     wait_h=(h + 1) if k == CPG - 1 else None,
                     wait_slot=half if k == CPG - 1 else None)
        return carry

    lax.fori_loop(0, (NGRP - 2) // 2, pair, 0)

    turn(156, 156)
    turn(157, 157)
    turn(158, 158)
    turn(159, 159, last=True)
    wait_scatter(159, *sk(159))

    plsc.subcore_barrier()
    pltpu.sync_copy(acc.at[pl.ds(s * ZROWS, ZROWS)],
                    out_hbm.at[c].at[pl.ds(s * ZROWS, ZROWS)])


@functools.cache
def _edge_call():
    return pl.kernel(
        _edge_body,
        out_type=jax.ShapeDtypeStruct((NC, ACC_ROWS, F_OUT), jnp.float32),
        mesh=plsc.VectorSubcoreMesh(core_axis_name="c", subcore_axis_name="s",
                                    num_cores=NC, num_subcores=NS),
        compiler_params=pltpu.CompilerParams(use_tc_tiling_on_sc=False),
        scratch_types=[
            pltpu.VMEM((2, CPG, CHUNK), jnp.int32),
            pltpu.VMEM((2, CPG, CHUNK), jnp.int32),
            pltpu.VMEM((NBUF, CHUNK, F_OUT), jnp.float32),
            pltpu.VMEM_SHARED((TBL_PAD, F_OUT), jnp.float32),
            pltpu.VMEM_SHARED((ACC_ROWS, F_OUT), jnp.float32),
            pltpu.SemaphoreType.DMA((NBUF,)),
            pltpu.SemaphoreType.DMA((NBUF,)),
            pltpu.SemaphoreType.DMA((2,)),
            pltpu.SemaphoreType.DMA,
        ],
    )



def _combine_body(p_ref, x_ref, root_ref, bias_ref, o_ref):
    o_ref[...] = (p_ref[0, :N] + p_ref[1, :N]
                  + jnp.dot(x_ref[...], root_ref[...],
                            preferred_element_type=jnp.float32)
                  + bias_ref[...])


def _combine(partials, x, root, bias2d):
    return pl.pallas_call(
        _combine_body,
        out_shape=jax.ShapeDtypeStruct((N, F_OUT), jnp.float32),
    )(partials, x, root, bias2d)



def kernel(x, edge_index, edge_type, basis, att, root, bias):
    src = edge_index[0]
    dst = edge_index[1]
    pad = E_PAD - E
    src_p = jnp.concatenate([src, jnp.zeros((pad,), jnp.int32)])
    typ_p = jnp.concatenate([edge_type, jnp.zeros((pad,), jnp.int32)])
    dst_p = jnp.concatenate(
        [dst, N + (jnp.arange(pad, dtype=jnp.int32) % (ACC_ROWS - N))])
    src2d = src_p.reshape(ROWS2D, CHUNK)
    typ2d = typ_p.reshape(ROWS2D, CHUNK)
    dst2d = dst_p.reshape(ROWS2D, CHUNK)
    zeros = jnp.zeros((ZROWS, F_OUT), jnp.float32)

    table, gidx2d = _build_table(att, x, basis, src2d, typ2d)
    partials = _edge_call()(gidx2d, dst2d, table, zeros)
    return _combine(partials, x, root, bias.reshape(1, F_OUT))

# --- scband reference (transcript-rebuilt; emitter-appended) ---
"""Pipeline reference for scband-graph-network-23922967838770 (READ-ONLY COPY).

The authoritative reference and input builder live on the scoring server;
editing this copy changes nothing except your own understanding.
"""

import jax, jax.numpy as jnp
import numpy as np

N = 10000       # num nodes
E = 320000      # num edges
F_IN = 128      # num_features
F_OUT = 64      # hidden_size
R = 2           # num_relations
NB = 30         # num_bases


def setup_inputs(seed: int = 0) -> dict:
    key = jax.random.key(seed)
    ks = jax.random.split(key, 7)
    x = jax.random.normal(ks[0], (N, F_IN), dtype=jnp.float32)
    edge_index = jax.random.randint(ks[1], (2, E), 0, N, dtype=jnp.int32)
    edge_type = jax.random.randint(ks[2], (E,), 0, R, dtype=jnp.int32)
    # RGCNConv parameters (basis decomposition)
    basis = jax.random.normal(ks[3], (NB, F_IN, F_OUT), dtype=jnp.float32) / np.sqrt(F_IN)
    att = jax.random.normal(ks[4], (R, NB), dtype=jnp.float32) / np.sqrt(NB)
    root = jax.random.normal(ks[5], (F_IN, F_OUT), dtype=jnp.float32) / np.sqrt(F_IN)
    bias = jnp.zeros((F_OUT,), dtype=jnp.float32)
    return {"x": x, "edge_index": edge_index, "edge_type": edge_type,
            "basis": basis, "att": att, "root": root, "bias": bias}


def reference(x, edge_index, edge_type, basis, att, root, bias):
    # Compose per-relation weights from bases: W_r = sum_b att[r,b] * basis[b]
    w = (att @ basis.reshape(NB, F_IN * F_OUT)).reshape(R, F_IN, F_OUT)
    src = edge_index[0]
    dst = edge_index[1]
    out = jnp.zeros((N, F_OUT), dtype=x.dtype)
    for r in range(R):
        h_r = x @ w[r]                                   # [N, F_OUT]
        msg = h_r[src]                                   # gather per edge
        mask = (edge_type == r).astype(x.dtype)[:, None]
        out = out + jax.ops.segment_sum(msg * mask, dst, num_segments=N)
    out = out + x @ root + bias
    return out

if __name__ == "__main__":
    import jax
    _d = setup_inputs()
    print(jax.jit(kernel)(*tuple(_d.values())))

</pallas_src>

<mosaic_0001>
#map = affine_map<(d0, d1) -> (0, 0)>
#map1 = affine_map<(d0, d1) -> (0, 0, 0)>
module attributes {stable_mosaic.version = 14 : i64} {
  func.func @_edge_body(%arg0: i32, %arg1: i32, %arg2: memref<5120x64xi32, #tpu.memory_space<hbm>>, %arg3: memref<5120x64xi32, #tpu.memory_space<hbm>>, %arg4: memref<20096x64xf32, #tpu.memory_space<hbm>>, %arg5: memref<632x64xf32, #tpu.memory_space<hbm>>, %arg6: memref<2x10112x64xf32, #tpu.memory_space<hbm>>, %arg7: memref<2x4x64xi32, #tpu.memory_space<vmem>>, %arg8: memref<2x4x64xi32, #tpu.memory_space<vmem>>, %arg9: memref<2x64x64xf32, #tpu.memory_space<vmem>>, %arg10: memref<20096x64xf32, #tpu.memory_space<vmem_shared>>, %arg11: memref<10112x64xf32, #tpu.memory_space<vmem_shared>>, %arg12: memref<2x!tpu.dma_semaphore, #tpu.memory_space<semaphore_mem>>, %arg13: memref<2x!tpu.dma_semaphore, #tpu.memory_space<semaphore_mem>>, %arg14: memref<2x!tpu.dma_semaphore, #tpu.memory_space<semaphore_mem>>, %arg15: memref<!tpu.dma_semaphore, #tpu.memory_space<semaphore_mem>>) attributes {dimension_semantics = [#tpu.dimension_semantics<core_parallel>, #tpu.dimension_semantics<subcore_parallel>], iteration_bounds = array<i64: 2, 16>, scalar_prefetch = 0 : i64, scratch_operands = 9 : i64, tpu.core_type = #tpu.core_type<sc_vector_subcore>, window_params = [{transform_indices = #map}, {transform_indices = #map}, {transform_indices = #map}, {transform_indices = #map}, {transform_indices = #map1}]} {
    %mul3A = arith.constant 2 : i32
    %mul3A_0 = arith.muli %arg1, %mul3A : i32
    %add3A = arith.addi %mul3A_0, %arg0 : i32
    %mul3A_1 = arith.constant 160 : i32
    %mul3A_2 = arith.muli %add3A, %mul3A_1 : i32
    %add3A_3 = arith.constant 0 : i32
    %add3A_4 = arith.addi %mul3A_2, %add3A_3 : i32
    %dma_start3A = arith.constant 0 : i32
    %dma_start3A_5 = arith.constant 0 : i32
    %dma_start3A_6 = arith.constant 0 : i32
    %dma_start3A_7 = arith.constant 0 : i32
    %dma_start3A_8 = tpu.memref_slice %arg7[%dma_start3A, %dma_start3A_6, %dma_start3A_7] : memref<2x4x64xi32, #tpu.memory_space<vmem>> -> memref<1x4x64xi32, #tpu.memory_space<vmem>>
    %dma_start3A_9 = tpu.memref_squeeze %dma_start3A_8 : memref<1x4x64xi32, #tpu.memory_space<vmem>> -> memref<4x64xi32, #tpu.memory_space<vmem>>
    %dma_start3A_10 = arith.constant 0 : i32
    %dma_start3A_11 = tpu.memref_slice %arg2[%add3A_4, %dma_start3A_10] : memref<5120x64xi32, #tpu.memory_space<hbm>> -> memref<4x64xi32, #tpu.memory_space<hbm>>
    %dma_start3A_12 = tpu.memref_slice %arg14[%dma_start3A_5] : memref<2x!tpu.dma_semaphore, #tpu.memory_space<semaphore_mem>> -> memref<1x!tpu.dma_semaphore, #tpu.memory_space<semaphore_mem>>
    %dma_start3A_13 = tpu.memref_squeeze %dma_start3A_12 : memref<1x!tpu.dma_semaphore, #tpu.memory_space<semaphore_mem>> -> memref<!tpu.dma_semaphore, #tpu.memory_space<semaphore_mem>>
    %dma_start3A_14 = arith.constant 0 : i32
    %dma_start3A_15 = arith.constant 0 : i32
    %dma_start3A_16 = tpu.memref_slice %arg7[%dma_start3A, %dma_start3A_14, %dma_start3A_15] : memref<2x4x64xi32, #tpu.memory_space<vmem>> -> memref<1x4x64xi32, #tpu.memory_space<vmem>>
    %dma_start3A_17 = tpu.memref_squeeze %dma_start3A_16 : memref<1x4x64xi32, #tpu.memory_space<vmem>> -> memref<4x64xi32, #tpu.memory_space<vmem>>
    %dma_start3A_18 = arith.constant 0 : i32
    %dma_start3A_19 = tpu.memref_slice %arg2[%add3A_4, %dma_start3A_18] : memref<5120x64xi32, #tpu.memory_space<hbm>> -> memref<4x64xi32, #tpu.memory_space<hbm>>
    tpu.enqueue_dma source(%dma_start3A_19 : memref<4x64xi32, #tpu.memory_space<hbm>>) target(%dma_start3A_17 : memref<4x64xi32, #tpu.memory_space<vmem>>) target_semaphore(%dma_start3A_13 : memref<!tpu.dma_semaphore, #tpu.memory_space<semaphore_mem>>)
    %add3A_20 = arith.constant 0 : i32
    %add3A_21 = arith.addi %mul3A_2, %add3A_20 : i32
    %dma_start3A_22 = arith.constant 0 : i32
    %dma_start3A_23 = arith.constant 0 : i32
    %dma_start3A_24 = arith.constant 0 : i32
    %dma_start3A_25 = arith.constant 0 : i32
    %dma_start3A_26 = tpu.memref_slice %arg8[%dma_start3A_22, %dma_start3A_24, %dma_start3A_25] : memref<2x4x64xi32, #tpu.memory_space<vmem>> -> memref<1x4x64xi32, #tpu.memory_space<vmem>>
    %dma_start3A_27 = tpu.memref_squeeze %dma_start3A_26 : memref<1x4x64xi32, #tpu.memory_space<vmem>> -> memref<4x64xi32, #tpu.memory_space<vmem>>
    %dma_start3A_28 = arith.constant 0 : i32
    %dma_start3A_29 = tpu.memref_slice %arg3[%add3A_21, %dma_start3A_28] : memref<5120x64xi32, #tpu.memory_space<hbm>> -> memref<4x64xi32, #tpu.memory_space<hbm>>
    %dma_start3A_30 = tpu.memref_slice %arg14[%dma_start3A_23] : memref<2x!tpu.dma_semaphore, #tpu.memory_space<semaphore_mem>> -> memref<1x!tpu.dma_semaphore, #tpu.memory_space<semaphore_mem>>
    %dma_start3A_31 = tpu.memref_squeeze %dma_start3A_30 : memref<1x!tpu.dma_semaphore, #tpu.memory_space<semaphore_mem>> -> memref<!tpu.dma_semaphore, #tpu.memory_space<semaphore_mem>>
    %dma_start3A_32 = arith.constant 0 : i32
    %dma_start3A_33 = arith.constant 0 : i32
    %dma_start3A_34 = tpu.memref_slice %arg8[%dma_start3A_22, %dma_start3A_32, %dma_start3A_33] : memref<2x4x64xi32, #tpu.memory_space<vmem>> -> memref<1x4x64xi32, #tpu.memory_space<vmem>>
    %dma_start3A_35 = tpu.memref_squeeze %dma_start3A_34 : memref<1x4x64xi32, #tpu.memory_space<vmem>> -> memref<4x64xi32, #tpu.memory_space<vmem>>
    %dma_start3A_36 = arith.constant 0 : i32
    %dma_start3A_37 = tpu.memref_slice %arg3[%add3A_21, %dma_start3A_36] : memref<5120x64xi32, #tpu.memory_space<hbm>> -> memref<4x64xi32, #tpu.memory_space<hbm>>
    tpu.enqueue_dma source(%dma_start3A_37 : memref<4x64xi32, #tpu.memory_space<hbm>>) target(%dma_start3A_35 : memref<4x64xi32, #tpu.memory_space<vmem>>) target_semaphore(%dma_start3A_31 : memref<!tpu.dma_semaphore, #tpu.memory_space<semaphore_mem>>)
    %add3A_38 = arith.constant 4 : i32
    %add3A_39 = arith.addi %mul3A_2, %add3A_38 : i32
    %dma_start3A_40 = arith.constant 1 : i32
    %dma_start3A_41 = arith.constant 1 : i32
    %dma_start3A_42 = arith.constant 0 : i32
    %dma_start3A_43 = arith.constant 0 : i32
    %dma_start3A_44 = tpu.memref_slice %arg7[%dma_start3A_40, %dma_start3A_42, %dma_start3A_43] : memref<2x4x64xi32, #tpu.memory_space<vmem>> -> memref<1x4x64xi32, #tpu.memory_space<vmem>>
    %dma_start3A_45 = tpu.memref_squeeze %dma_start3A_44 : memref<1x4x64xi32, #tpu.memory_space<vmem>> -> memref<4x64xi32, #tpu.memory_space<vmem>>
    %dma_start3A_46 = arith.constant 0 : i32
    %dma_start3A_47 = tpu.memref_slice %arg2[%add3A_39, %dma_start3A_46] : memref<5120x64xi32, #tpu.memory_space<hbm>> -> memref<4x64xi32, #tpu.memory_space<hbm>>
    %dma_start3A_48 = tpu.memref_slice %arg14[%dma_start3A_41] : memref<2x!tpu.dma_semaphore, #tpu.memory_space<semaphore_mem>> -> memref<1x!tpu.dma_semaphore, #tpu.memory_space<semaphore_mem>>
    %dma_start3A_49 = tpu.memref_squeeze %dma_start3A_48 : memref<1x!tpu.dma_semaphore, #tpu.memory_space<semaphore_mem>> -> memref<!tpu.dma_semaphore, #tpu.memory_space<semaphore_mem>>
    %dma_start3A_50 = arith.constant 0 : i32
    %dma_start3A_51 = arith.constant 0 : i32
    %dma_start3A_52 = tpu.memref_slice %arg7[%dma_start3A_40, %dma_start3A_50, %dma_start3A_51] : memref<2x4x64xi32, #tpu.memory_space<vmem>> -> memref<1x4x64xi32, #tpu.memory_space<vmem>>
    %dma_start3A_53 = tpu.memref_squeeze %dma_start3A_52 : memref<1x4x64xi32, #tpu.memory_space<vmem>> -> memref<4x64xi32, #tpu.memory_space<vmem>>
    %dma_start3A_54 = arith.constant 0 : i32
    %dma_start3A_55 = tpu.memref_slice %arg2[%add3A_39, %dma_start3A_54] : memref<5120x64xi32, #tpu.memory_space<hbm>> -> memref<4x64xi32, #tpu.memory_space<hbm>>
    tpu.enqueue_dma source(%dma_start3A_55 : memref<4x64xi32, #tpu.memory_space<hbm>>) target(%dma_start3A_53 : memref<4x64xi32, #tpu.memory_space<vmem>>) target_semaphore(%dma_start3A_49 : memref<!tpu.dma_semaphore, #tpu.memory_space<semaphore_mem>>)
    %add3A_56 = arith.constant 4 : i32
    %add3A_57 = arith.addi %mul3A_2, %add3A_56 : i32
    %dma_start3A_58 = arith.constant 1 : i32
    %dma_start3A_59 = arith.constant 1 : i32
    %dma_start3A_60 = arith.constant 0 : i32
    %dma_start3A_61 = arith.constant 0 : i32
    %dma_start3A_62 = tpu.memref_slice %arg8[%dma_start3A_58, %dma_start3A_60, %dma_start3A_61] : memref<2x4x64xi32, #tpu.memory_space<vmem>> -> memref<1x4x64xi32, #tpu.memory_space<vmem>>
    %dma_start3A_63 = tpu.memref_squeeze %dma_start3A_62 : memref<1x4x64xi32, #tpu.memory_space<vmem>> -> memref<4x64xi32, #tpu.memory_space<vmem>>
    %dma_start3A_64 = arith.constant 0 : i32
    %dma_start3A_65 = tpu.memref_slice %arg3[%add3A_57, %dma_start3A_64] : memref<5120x64xi32, #tpu.memory_space<hbm>> -> memref<4x64xi32, #tpu.memory_space<hbm>>
    %dma_start3A_66 = tpu.memref_slice %arg14[%dma_start3A_59] : memref<2x!tpu.dma_semaphore, #tpu.memory_space<semaphore_mem>> -> memref<1x!tpu.dma_semaphore, #tpu.memory_space<semaphore_mem>>
    %dma_start3A_67 = tpu.memref_squeeze %dma_start3A_66 : memref<1x!tpu.dma_semaphore, #tpu.memory_space<semaphore_mem>> -> memref<!tpu.dma_semaphore, #tpu.memory_space<semaphore_mem>>
    %dma_start3A_68 = arith.constant 0 : i32
    %dma_start3A_69 = arith.constant 0 : i32
    %dma_start3A_70 = tpu.memref_slice %arg8[%dma_start3A_58, %dma_start3A_68, %dma_start3A_69] : memref<2x4x64xi32, #tpu.memory_space<vmem>> -> memref<1x4x64xi32, #tpu.memory_space<vmem>>
    %dma_start3A_71 = tpu.memref_squeeze %dma_start3A_70 : memref<1x4x64xi32, #tpu.memory_space<vmem>> -> memref<4x64xi32, #tpu.memory_space<vmem>>
    %dma_start3A_72 = arith.constant 0 : i32
    %dma_start3A_73 = tpu.memref_slice %arg3[%add3A_57, %dma_start3A_72] : memref<5120x64xi32, #tpu.memory_space<hbm>> -> memref<4x64xi32, #tpu.memory_space<hbm>>
    tpu.enqueue_dma source(%dma_start3A_73 : memref<4x64xi32, #tpu.memory_space<hbm>>) target(%dma_start3A_71 : memref<4x64xi32, #tpu.memory_space<vmem>>) target_semaphore(%dma_start3A_67 : memref<!tpu.dma_semaphore, #tpu.memory_space<semaphore_mem>>)
    %mul3A_74 = arith.constant 1256 : i32
    %mul3A_75 = arith.muli %arg1, %mul3A_74 : i32
    %mul3A_76 = arith.constant 1256 : i32
    %mul3A_77 = arith.muli %arg1, %mul3A_76 : i32
    %dma_start3A_78 = arith.constant 0 : i32
    %dma_start3A_79 = tpu.memref_slice %arg10[%mul3A_77, %dma_start3A_78] : memref<20096x64xf32, #tpu.memory_space<vmem_shared>> -> memref<1256x64xf32, #tpu.memory_space<vmem_shared>>
    %dma_start3A_80 = arith.constant 0 : i32
    %dma_start3A_81 = tpu.memref_slice %arg4[%mul3A_75, %dma_start3A_80] : memref<20096x64xf32, #tpu.memory_space<hbm>> -> memref<1256x64xf32, #tpu.memory_space<hbm>>
    tpu.enqueue_dma source(%dma_start3A_81 : memref<1256x64xf32, #tpu.memory_space<hbm>>) target(%dma_start3A_79 : memref<1256x64xf32, #tpu.memory_space<vmem_shared>>) target_semaphore(%arg15 : memref<!tpu.dma_semaphore, #tpu.memory_space<semaphore_mem>>)
    %mul3A_82 = arith.constant 632 : i32
    %mul3A_83 = arith.muli %arg1, %mul3A_82 : i32
    %dma_start3A_84 = arith.constant 0 : i32
    %dma_start3A_85 = tpu.memref_slice %arg11[%mul3A_83, %dma_start3A_84] : memref<10112x64xf32, #tpu.memory_space<vmem_shared>> -> memref<632x64xf32, #tpu.memory_space<vmem_shared>>
    tpu.enqueue_dma source(%arg5 : memref<632x64xf32, #tpu.memory_space<hbm>>) target(%dma_start3A_85 : memref<632x64xf32, #tpu.memory_space<vmem_shared>>) target_semaphore(%arg15 : memref<!tpu.dma_semaphore, #tpu.memory_space<semaphore_mem>>)
    %mul3A_86 = arith.constant 1256 : i32
    %mul3A_87 = arith.muli %arg1, %mul3A_86 : i32
    %mul3A_88 = arith.constant 1256 : i32
    %mul3A_89 = arith.muli %arg1, %mul3A_88 : i32
    %dma_wait3A = arith.constant 0 : i32
    %dma_wait3A_90 = tpu.memref_slice %arg10[%mul3A_89, %dma_wait3A] : memref<20096x64xf32, #tpu.memory_space<vmem_shared>> -> memref<1256x64xf32, #tpu.memory_space<vmem_shared>>
    %dma_wait3A_91 = arith.constant 0 : i32
    %dma_wait3A_92 = tpu.memref_slice %arg4[%mul3A_87, %dma_wait3A_91] : memref<20096x64xf32, #tpu.memory_space<hbm>> -> memref<1256x64xf32, #tpu.memory_space<hbm>>
    tpu.wait_dma2 semaphore(%arg15 : memref<!tpu.dma_semaphore, #tpu.memory_space<semaphore_mem>>) src(%dma_wait3A_92 : memref<1256x64xf32, #tpu.memory_space<hbm>>) dst(%dma_wait3A_90 : memref<1256x64xf32, #tpu.memory_space<vmem_shared>>)
    %mul3A_93 = arith.constant 632 : i32
    %mul3A_94 = arith.muli %arg1, %mul3A_93 : i32
    %dma_wait3A_95 = arith.constant 0 : i32
    %dma_wait3A_96 = tpu.memref_slice %arg11[%mul3A_94, %dma_wait3A_95] : memref<10112x64xf32, #tpu.memory_space<vmem_shared>> -> memref<632x64xf32, #tpu.memory_space<vmem_shared>>
    tpu.wait_dma2 semaphore(%arg15 : memref<!tpu.dma_semaphore, #tpu.memory_space<semaphore_mem>>) src(%arg5 : memref<632x64xf32, #tpu.memory_space<hbm>>) dst(%dma_wait3A_96 : memref<632x64xf32, #tpu.memory_space<vmem_shared>>)
    %barrier3A = arith.constant 0 : index
    tpu.barrier barrier_id(%barrier3A)
    %add3A_97 = arith.constant 0 : i32
    %add3A_98 = arith.addi %mul3A_2, %add3A_97 : i32
    %dma_wait3A_99 = arith.constant 0 : i32
    %dma_wait3A_100 = arith.constant 0 : i32
    %dma_wait3A_101 = arith.constant 0 : i32
    %dma_wait3A_102 = arith.constant 0 : i32
    %dma_wait3A_103 = tpu.memref_slice %arg7[%dma_wait3A_99, %dma_wait3A_101, %dma_wait3A_102] : memref<2x4x64xi32, #tpu.memory_space<vmem>> -> memref<1x4x64xi32, #tpu.memory_space<vmem>>
    %dma_wait3A_104 = tpu.memref_squeeze %dma_wait3A_103 : memref<1x4x64xi32, #tpu.memory_space<vmem>> -> memref<4x64xi32, #tpu.memory_space<vmem>>
    %dma_wait3A_105 = arith.constant 0 : i32
    %dma_wait3A_106 = tpu.memref_slice %arg2[%add3A_98, %dma_wait3A_105] : memref<5120x64xi32, #tpu.memory_space<hbm>> -> memref<4x64xi32, #tpu.memory_space<hbm>>
    %dma_wait3A_107 = tpu.memref_slice %arg14[%dma_wait3A_100] : memref<2x!tpu.dma_semaphore, #tpu.memory_space<semaphore_mem>> -> memref<1x!tpu.dma_semaphore, #tpu.memory_space<semaphore_mem>>
    %dma_wait3A_108 = tpu.memref_squeeze %dma_wait3A_107 : memref<1x!tpu.dma_semaphore, #tpu.memory_space<semaphore_mem>> -> memref<!tpu.dma_semaphore, #tpu.memory_space<semaphore_mem>>
    %dma_wait3A_109 = arith.constant 0 : i32
    %dma_wait3A_110 = arith.constant 0 : i32
    %dma_wait3A_111 = tpu.memref_slice %arg7[%dma_wait3A_99, %dma_wait3A_109, %dma_wait3A_110] : memref<2x4x64xi32, #tpu.memory_space<vmem>> -> memref<1x4x64xi32, #tpu.memory_space<vmem>>
    %dma_wait3A_112 = tpu.memref_squeeze %dma_wait3A_111 : memref<1x4x64xi32, #tpu.memory_space<vmem>> -> memref<4x64xi32, #tpu.memory_space<vmem>>
    %dma_wait3A_113 = arith.constant 0 : i32
    %dma_wait3A_114 = tpu.memref_slice %arg2[%add3A_98, %dma_wait3A_113] : memref<5120x64xi32, #tpu.memory_space<hbm>> -> memref<4x64xi32, #tpu.memory_space<hbm>>
    tpu.wait_dma2 semaphore(%dma_wait3A_108 : memref<!tpu.dma_semaphore, #tpu.memory_space<semaphore_mem>>) src(%dma_wait3A_114 : memref<4x64xi32, #tpu.memory_space<hbm>>) dst(%dma_wait3A_112 : memref<4x64xi32, #tpu.memory_space<vmem>>)
    %add3A_115 = arith.constant 0 : i32
    %add3A_116 = arith.addi %mul3A_2, %add3A_115 : i32
    %dma_wait3A_117 = arith.constant 0 : i32
    %dma_wait3A_118 = arith.constant 0 : i32
    %dma_wait3A_119 = arith.constant 0 : i32
    %dma_wait3A_120 = arith.constant 0 : i32
    %dma_wait3A_121 = tpu.memref_slice %arg8[%dma_wait3A_117, %dma_wait3A_119, %dma_wait3A_120] : memref<2x4x64xi32, #tpu.memory_space<vmem>> -> memref<1x4x64xi32, #tpu.memory_space<vmem>>
    %dma_wait3A_122 = tpu.memref_squeeze %dma_wait3A_121 : memref<1x4x64xi32, #tpu.memory_space<vmem>> -> memref<4x64xi32, #tpu.memory_space<vmem>>
    %dma_wait3A_123 = arith.constant 0 : i32
    %dma_wait3A_124 = tpu.memref_slice %arg3[%add3A_116, %dma_wait3A_123] : memref<5120x64xi32, #tpu.memory_space<hbm>> -> memref<4x64xi32, #tpu.memory_space<hbm>>
    %dma_wait3A_125 = tpu.memref_slice %arg14[%dma_wait3A_118] : memref<2x!tpu.dma_semaphore, #tpu.memory_space<semaphore_mem>> -> memref<1x!tpu.dma_semaphore, #tpu.memory_space<semaphore_mem>>
    %dma_wait3A_126 = tpu.memref_squeeze %dma_wait3A_125 : memref<1x!tpu.dma_semaphore, #tpu.memory_space<semaphore_mem>> -> memref<!tpu.dma_semaphore, #tpu.memory_space<semaphore_mem>>
    %dma_wait3A_127 = arith.constant 0 : i32
    %dma_wait3A_128 = arith.constant 0 : i32
    %dma_wait3A_129 = tpu.memref_slice %arg8[%dma_wait3A_117, %dma_wait3A_127, %dma_wait3A_128] : memref<2x4x64xi32, #tpu.memory_space<vmem>> -> memref<1x4x64xi32, #tpu.memory_space<vmem>>
    %dma_wait3A_130 = tpu.memref_squeeze %dma_wait3A_129 : memref<1x4x64xi32, #tpu.memory_space<vmem>> -> memref<4x64xi32, #tpu.memory_space<vmem>>
    %dma_wait3A_131 = arith.constant 0 : i32
    %dma_wait3A_132 = tpu.memref_slice %arg3[%add3A_116, %dma_wait3A_131] : memref<5120x64xi32, #tpu.memory_space<hbm>> -> memref<4x64xi32, #tpu.memory_space<hbm>>
    tpu.wait_dma2 semaphore(%dma_wait3A_126 : memref<!tpu.dma_semaphore, #tpu.memory_space<semaphore_mem>>) src(%dma_wait3A_132 : memref<4x64xi32, #tpu.memory_space<hbm>>) dst(%dma_wait3A_130 : memref<4x64xi32, #tpu.memory_space<vmem>>)
    %dma_start3A_133 = arith.constant 0 : i32
    %dma_start3A_134 = arith.constant 0 : i32
    %dma_start3A_135 = arith.constant 0 : i32
    %dma_start3A_136 = arith.constant 0 : i32
    %dma_start3A_137 = arith.constant 0 : i32
    %dma_start3A_138 = arith.constant 0 : i32
    %dma_start3A_139 = tpu.memref_slice %arg9[%dma_start3A_135, %dma_start3A_137, %dma_start3A_138] : memref<2x64x64xf32, #tpu.memory_space<vmem>> -> memref<1x64x64xf32, #tpu.memory_space<vmem>>
    %dma_start3A_140 = tpu.memref_squeeze %dma_start3A_139 : memref<1x64x64xf32, #tpu.memory_space<vmem>> -> memref<64x64xf32, #tpu.memory_space<vmem>>
    %dma_start3A_141 = arith.constant 0 : i32
    %dma_start3A_142 = tpu.memref_slice %arg7[%dma_start3A_133, %dma_start3A_134, %dma_start3A_141] : memref<2x4x64xi32, #tpu.memory_space<vmem>> -> memref<1x1x64xi32, #tpu.memory_space<vmem>>
    %dma_start3A_143 = tpu.memref_squeeze %dma_start3A_142 : memref<1x1x64xi32, #tpu.memory_space<vmem>> -> memref<64xi32, #tpu.memory_space<vmem>>
    %dma_start3A_144 = arith.constant 0 : i32
    %dma_start3A_145 = arith.constant 0 : i32
    %dma_start3A_146 = tpu.memref_slice %arg10[%dma_start3A_144, %dma_start3A_145] : memref<20096x64xf32, #tpu.memory_space<vmem_shared>> -> memref<20096x64xf32, #tpu.memory_space<vmem_shared>>
    %dma_start3A_147 = tpu.memref_slice %arg12[%dma_start3A_136] : memref<2x!tpu.dma_semaphore, #tpu.memory_space<semaphore_mem>> -> memref<1x!tpu.dma_semaphore, #tpu.memory_space<semaphore_mem>>
    %dma_start3A_148 = tpu.memref_squeeze %dma_start3A_147 : memref<1x!tpu.dma_semaphore, #tpu.memory_space<semaphore_mem>> -> memref<!tpu.dma_semaphore, #tpu.memory_space<semaphore_mem>>
    tpu.enqueue_indirect_dma source(%dma_start3A_146 : memref<20096x64xf32, #tpu.memory_space<vmem_shared>>) target(%dma_start3A_140 : memref<64x64xf32, #tpu.memory_space<vmem>>) offsets(%dma_start3A_143 : memref<64xi32, #tpu.memory_space<vmem>>) semaphore(%dma_start3A_148 : memref<!tpu.dma_semaphore, #tpu.memory_space<semaphore_mem>>)
    %dma_start3A_149 = arith.constant 0 : i32
    %dma_start3A_150 = arith.constant 1 : i32
    %dma_start3A_151 = arith.constant 1 : i32
    %dma_start3A_152 = arith.constant 1 : i32
    %dma_start3A_153 = arith.constant 0 : i32
    %dma_start3A_154 = arith.constant 0 : i32
    %dma_start3A_155 = tpu.memref_slice %arg9[%dma_start3A_151, %dma_start3A_153, %dma_start3A_154] : memref<2x64x64xf32, #tpu.memory_space<vmem>> -> memref<1x64x64xf32, #tpu.memory_space<vmem>>
    %dma_start3A_156 = tpu.memref_squeeze %dma_start3A_155 : memref<1x64x64xf32, #tpu.memory_space<vmem>> -> memref<64x64xf32, #tpu.memory_space<vmem>>
    %dma_start3A_157 = arith.constant 0 : i32
    %dma_start3A_158 = tpu.memref_slice %arg7[%dma_start3A_149, %dma_start3A_150, %dma_start3A_157] : memref<2x4x64xi32, #tpu.memory_space<vmem>> -> memref<1x1x64xi32, #tpu.memory_space<vmem>>
    %dma_start3A_159 = tpu.memref_squeeze %dma_start3A_158 : memref<1x1x64xi32, #tpu.memory_space<vmem>> -> memref<64xi32, #tpu.memory_space<vmem>>
    %dma_start3A_160 = arith.constant 0 : i32
    %dma_start3A_161 = arith.constant 0 : i32
    %dma_start3A_162 = tpu.memref_slice %arg10[%dma_start3A_160, %dma_start3A_161] : memref<20096x64xf32, #tpu.memory_space<vmem_shared>> -> memref<20096x64xf32, #tpu.memory_space<vmem_shared>>
    %dma_start3A_163 = tpu.memref_slice %arg12[%dma_start3A_152] : memref<2x!tpu.dma_semaphore, #tpu.memory_space<semaphore_mem>> -> memref<1x!tpu.dma_semaphore, #tpu.memory_space<semaphore_mem>>
    %dma_start3A_164 = tpu.memref_squeeze %dma_start3A_163 : memref<1x!tpu.dma_semaphore, #tpu.memory_space<semaphore_mem>> -> memref<!tpu.dma_semaphore, #tpu.memory_space<semaphore_mem>>
    tpu.enqueue_indirect_dma source(%dma_start3A_162 : memref<20096x64xf32, #tpu.memory_space<vmem_shared>>) target(%dma_start3A_156 : memref<64x64xf32, #tpu.memory_space<vmem>>) offsets(%dma_start3A_159 : memref<64xi32, #tpu.memory_space<vmem>>) semaphore(%dma_start3A_164 : memref<!tpu.dma_semaphore, #tpu.memory_space<semaphore_mem>>)
    %dma_wait3A_165 = arith.constant 0 : i32
    %dma_wait3A_166 = arith.constant 0 : i32
    %dma_wait3A_167 = arith.constant 0 : i32
    %dma_wait3A_168 = arith.constant 0 : i32
    %dma_wait3A_169 = arith.constant 0 : i32
    %dma_wait3A_170 = arith.constant 0 : i32
    %dma_wait3A_171 = tpu.memref_slice %arg9[%dma_wait3A_167, %dma_wait3A_169, %dma_wait3A_170] : memref<2x64x64xf32, #tpu.memory_space<vmem>> -> memref<1x64x64xf32, #tpu.memory_space<vmem>>
    %dma_wait3A_172 = tpu.memref_squeeze %dma_wait3A_171 : memref<1x64x64xf32, #tpu.memory_space<vmem>> -> memref<64x64xf32, #tpu.memory_space<vmem>>
    %dma_wait3A_173 = arith.constant 0 : i32
    %dma_wait3A_174 = tpu.memref_slice %arg7[%dma_wait3A_165, %dma_wait3A_166, %dma_wait3A_173] : memref<2x4x64xi32, #tpu.memory_space<vmem>> -> memref<1x1x64xi32, #tpu.memory_space<vmem>>
    %dma_wait3A_175 = tpu.memref_squeeze %dma_wait3A_174 : memref<1x1x64xi32, #tpu.memory_space<vmem>> -> memref<64xi32, #tpu.memory_space<vmem>>
    %dma_wait3A_176 = arith.constant 0 : i32
    %dma_wait3A_177 = arith.constant 0 : i32
    %dma_wait3A_178 = tpu.memref_slice %arg10[%dma_wait3A_176, %dma_wait3A_177] : memref<20096x64xf32, #tpu.memory_space<vmem_shared>> -> memref<20096x64xf32, #tpu.memory_space<vmem_shared>>
    %dma_wait3A_179 = tpu.memref_slice %arg12[%dma_wait3A_168] : memref<2x!tpu.dma_semaphore, #tpu.memory_space<semaphore_mem>> -> memref<1x!tpu.dma_semaphore, #tpu.memory_space<semaphore_mem>>
    %dma_wait3A_180 = tpu.memref_squeeze %dma_wait3A_179 : memref<1x!tpu.dma_semaphore, #tpu.memory_space<semaphore_mem>> -> memref<!tpu.dma_semaphore, #tpu.memory_space<semaphore_mem>>
    tpu.wait_indirect_dma semaphore(%dma_wait3A_180 : memref<!tpu.dma_semaphore, #tpu.memory_space<semaphore_mem>>) src(%dma_wait3A_178 : memref<20096x64xf32, #tpu.memory_space<vmem_shared>>) dst(%dma_wait3A_172 : memref<64x64xf32, #tpu.memory_space<vmem>>)
    %dma_start3A_181 = arith.constant 0 : i32
    %dma_start3A_182 = arith.constant 0 : i32
    %dma_start3A_183 = arith.constant 0 : i32
    %dma_start3A_184 = arith.constant 0 : i32
    %dma_start3A_185 = arith.constant 0 : i32
    %dma_start3A_186 = arith.constant 0 : i32
    %dma_start3A_187 = tpu.memref_slice %arg9[%dma_start3A_181, %dma_start3A_185, %dma_start3A_186] : memref<2x64x64xf32, #tpu.memory_space<vmem>> -> memref<1x64x64xf32, #tpu.memory_space<vmem>>
    %dma_start3A_188 = tpu.memref_squeeze %dma_start3A_187 : memref<1x64x64xf32, #tpu.memory_space<vmem>> -> memref<64x64xf32, #tpu.memory_space<vmem>>
    %dma_start3A_189 = arith.constant 0 : i32
    %dma_start3A_190 = tpu.memref_slice %arg8[%dma_start3A_182, %dma_start3A_183, %dma_start3A_189] : memref<2x4x64xi32, #tpu.memory_space<vmem>> -> memref<1x1x64xi32, #tpu.memory_space<vmem>>
    %dma_start3A_191 = tpu.memref_squeeze %dma_start3A_190 : memref<1x1x64xi32, #tpu.memory_space<vmem>> -> memref<64xi32, #tpu.memory_space<vmem>>
    %dma_start3A_192 = arith.constant 0 : i32
    %dma_start3A_193 = arith.constant 0 : i32
    %dma_start3A_194 = tpu.memref_slice %arg11[%dma_start3A_192, %dma_start3A_193] : memref<10112x64xf32, #tpu.memory_space<vmem_shared>> -> memref<10112x64xf32, #tpu.memory_space<vmem_shared>>
    %dma_start3A_195 = tpu.memref_slice %arg13[%dma_start3A_184] : memref<2x!tpu.dma_semaphore, #tpu.memory_space<semaphore_mem>> -> memref<1x!tpu.dma_semaphore, #tpu.memory_space<semaphore_mem>>
    %dma_start3A_196 = tpu.memref_squeeze %dma_start3A_195 : memref<1x!tpu.dma_semaphore, #tpu.memory_space<semaphore_mem>> -> memref<!tpu.dma_semaphore, #tpu.memory_space<semaphore_mem>>
    tpu.enqueue_indirect_dma source(%dma_start3A_188 : memref<64x64xf32, #tpu.memory_space<vmem>>) target(%dma_start3A_194 : memref<10112x64xf32, #tpu.memory_space<vmem_shared>>) offsets(%dma_start3A_191 : memref<64xi32, #tpu.memory_space<vmem>>) semaphore(%dma_start3A_196 : memref<!tpu.dma_semaphore, #tpu.memory_space<semaphore_mem>>) {add = true}
    %dma_wait3A_197 = arith.constant 0 : i32
    %dma_wait3A_198 = arith.constant 0 : i32
    %dma_wait3A_199 = arith.constant 0 : i32
    %dma_wait3A_200 = arith.constant 0 : i32
    %dma_wait3A_201 = arith.constant 0 : i32
    %dma_wait3A_202 = arith.constant 0 : i32
    %dma_wait3A_203 = tpu.memref_slice %arg9[%dma_wait3A_197, %dma_wait3A_201, %dma_wait3A_202] : memref<2x64x64xf32, #tpu.memory_space<vmem>> -> memref<1x64x64xf32, #tpu.memory_space<vmem>>
    %dma_wait3A_204 = tpu.memref_squeeze %dma_wait3A_203 : memref<1x64x64xf32, #tpu.memory_space<vmem>> -> memref<64x64xf32, #tpu.memory_space<vmem>>
    %dma_wait3A_205 = arith.constant 0 : i32
    %dma_wait3A_206 = tpu.memref_slice %arg8[%dma_wait3A_198, %dma_wait3A_199, %dma_wait3A_205] : memref<2x4x64xi32, #tpu.memory_space<vmem>> -> memref<1x1x64xi32, #tpu.memory_space<vmem>>
    %dma_wait3A_207 = tpu.memref_squeeze %dma_wait3A_206 : memref<1x1x64xi32, #tpu.memory_space<vmem>> -> memref<64xi32, #tpu.memory_space<vmem>>
    %dma_wait3A_208 = arith.constant 0 : i32
    %dma_wait3A_209 = arith.constant 0 : i32
    %dma_wait3A_210 = tpu.memref_slice %arg11[%dma_wait3A_208, %dma_wait3A_209] : memref<10112x64xf32, #tpu.memory_space<vmem_shared>> -> memref<10112x64xf32, #tpu.memory_space<vmem_shared>>
    %dma_wait3A_211 = tpu.memref_slice %arg13[%dma_wait3A_200] : memref<2x!tpu.dma_semaphore, #tpu.memory_space<semaphore_mem>> -> memref<1x!tpu.dma_semaphore, #tpu.memory_space<semaphore_mem>>
    %dma_wait3A_212 = tpu.memref_squeeze %dma_wait3A_211 : memref<1x!tpu.dma_semaphore, #tpu.memory_space<semaphore_mem>> -> memref<!tpu.dma_semaphore, #tpu.memory_space<semaphore_mem>>
    tpu.wait_indirect_dma semaphore(%dma_wait3A_212 : memref<!tpu.dma_semaphore, #tpu.memory_space<semaphore_mem>>) src(%dma_wait3A_204 : memref<64x64xf32, #tpu.memory_space<vmem>>) dst(%dma_wait3A_210 : memref<10112x64xf32, #tpu.memory_space<vmem_shared>>)
    %dma_start3A_213 = arith.constant 0 : i32
    %dma_start3A_214 = arith.constant 2 : i32
    %dma_start3A_215 = arith.constant 0 : i32
    %dma_start3A_216 = arith.constant 0 : i32
    %dma_start3A_217 = arith.constant 0 : i32
    %dma_start3A_218 = arith.constant 0 : i32
    %dma_start3A_219 = tpu.memref_slice %arg9[%dma_start3A_215, %dma_start3A_217, %dma_start3A_218] : memref<2x64x64xf32, #tpu.memory_space<vmem>> -> memref<1x64x64xf32, #tpu.memory_space<vmem>>
    %dma_start3A_220 = tpu.memref_squeeze %dma_start3A_219 : memref<1x64x64xf32, #tpu.memory_space<vmem>> -> memref<64x64xf32, #tpu.memory_space<vmem>>
    %dma_start3A_221 = arith.constant 0 : i32
    %dma_start3A_222 = tpu.memref_slice %arg7[%dma_start3A_213, %dma_start3A_214, %dma_start3A_221] : memref<2x4x64xi32, #tpu.memory_space<vmem>> -> memref<1x1x64xi32, #tpu.memory_space<vmem>>
    %dma_start3A_223 = tpu.memref_squeeze %dma_start3A_222 : memref<1x1x64xi32, #tpu.memory_space<vmem>> -> memref<64xi32, #tpu.memory_space<vmem>>
    %dma_start3A_224 = arith.constant 0 : i32
    %dma_start3A_225 = arith.constant 0 : i32
    %dma_start3A_226 = tpu.memref_slice %arg10[%dma_start3A_224, %dma_start3A_225] : memref<20096x64xf32, #tpu.memory_space<vmem_shared>> -> memref<20096x64xf32, #tpu.memory_space<vmem_shared>>
    %dma_start3A_227 = tpu.memref_slice %arg12[%dma_start3A_216] : memref<2x!tpu.dma_semaphore, #tpu.memory_space<semaphore_mem>> -> memref<1x!tpu.dma_semaphore, #tpu.memory_space<semaphore_mem>>
    %dma_start3A_228 = tpu.memref_squeeze %dma_start3A_227 : memref<1x!tpu.dma_semaphore, #tpu.memory_space<semaphore_mem>> -> memref<!tpu.dma_semaphore, #tpu.memory_space<semaphore_mem>>
    tpu.enqueue_indirect_dma source(%dma_start3A_226 : memref<20096x64xf32, #tpu.memory_space<vmem_shared>>) target(%dma_start3A_220 : memref<64x64xf32, #tpu.memory_space<vmem>>) offsets(%dma_start3A_223 : memref<64xi32, #tpu.memory_space<vmem>>) semaphore(%dma_start3A_228 : memref<!tpu.dma_semaphore, #tpu.memory_space<semaphore_mem>>)
    %dma_wait3A_229 = arith.constant 0 : i32
    %dma_wait3A_230 = arith.constant 1 : i32
    %dma_wait3A_231 = arith.constant 1 : i32
    %dma_wait3A_232 = arith.constant 1 : i32
    %dma_wait3A_233 = arith.constant 0 : i32
    %dma_wait3A_234 = arith.constant 0 : i32
    %dma_wait3A_235 = tpu.memref_slice %arg9[%dma_wait3A_231, %dma_wait3A_233, %dma_wait3A_234] : memref<2x64x64xf32, #tpu.memory_space<vmem>> -> memref<1x64x64xf32, #tpu.memory_space<vmem>>
    %dma_wait3A_236 = tpu.memref_squeeze %dma_wait3A_235 : memref<1x64x64xf32, #tpu.memory_space<vmem>> -> memref<64x64xf32, #tpu.memory_space<vmem>>
    %dma_wait3A_237 = arith.constant 0 : i32
    %dma_wait3A_238 = tpu.memref_slice %arg7[%dma_wait3A_229, %dma_wait3A_230, %dma_wait3A_237] : memref<2x4x64xi32, #tpu.memory_space<vmem>> -> memref<1x1x64xi32, #tpu.memory_space<vmem>>
    %dma_wait3A_239 = tpu.memref_squeeze %dma_wait3A_238 : memref<1x1x64xi32, #tpu.memory_space<vmem>> -> memref<64xi32, #tpu.memory_space<vmem>>
    %dma_wait3A_240 = arith.constant 0 : i32
    %dma_wait3A_241 = arith.constant 0 : i32
    %dma_wait3A_242 = tpu.memref_slice %arg10[%dma_wait3A_240, %dma_wait3A_241] : memref<20096x64xf32, #tpu.memory_space<vmem_shared>> -> memref<20096x64xf32, #tpu.memory_space<vmem_shared>>
    %dma_wait3A_243 = tpu.memref_slice %arg12[%dma_wait3A_232] : memref<2x!tpu.dma_semaphore, #tpu.memory_space<semaphore_mem>> -> memref<1x!tpu.dma_semaphore, #tpu.memory_space<semaphore_mem>>
    %dma_wait3A_244 = tpu.memref_squeeze %dma_wait3A_243 : memref<1x!tpu.dma_semaphore, #tpu.memory_space<semaphore_mem>> -> memref<!tpu.dma_semaphore, #tpu.memory_space<semaphore_mem>>
    tpu.wait_indirect_dma semaphore(%dma_wait3A_244 : memref<!tpu.dma_semaphore, #tpu.memory_space<semaphore_mem>>) src(%dma_wait3A_242 : memref<20096x64xf32, #tpu.memory_space<vmem_shared>>) dst(%dma_wait3A_236 : memref<64x64xf32, #tpu.memory_space<vmem>>)
    %dma_start3A_245 = arith.constant 1 : i32
    %dma_start3A_246 = arith.constant 0 : i32
    %dma_start3A_247 = arith.constant 1 : i32
    %dma_start3A_248 = arith.constant 1 : i32
    %dma_start3A_249 = arith.constant 0 : i32
    %dma_start3A_250 = arith.constant 0 : i32
    %dma_start3A_251 = tpu.memref_slice %arg9[%dma_start3A_245, %dma_start3A_249, %dma_start3A_250] : memref<2x64x64xf32, #tpu.memory_space<vmem>> -> memref<1x64x64xf32, #tpu.memory_space<vmem>>
    %dma_start3A_252 = tpu.memref_squeeze %dma_start3A_251 : memref<1x64x64xf32, #tpu.memory_space<vmem>> -> memref<64x64xf32, #tpu.memory_space<vmem>>
    %dma_start3A_253 = arith.constant 0 : i32
    %dma_start3A_254 = tpu.memref_slice %arg8[%dma_start3A_246, %dma_start3A_247, %dma_start3A_253] : memref<2x4x64xi32, #tpu.memory_space<vmem>> -> memref<1x1x64xi32, #tpu.memory_space<vmem>>
    %dma_start3A_255 = tpu.memref_squeeze %dma_start3A_254 : memref<1x1x64xi32, #tpu.memory_space<vmem>> -> memref<64xi32, #tpu.memory_space<vmem>>
    %dma_start3A_256 = arith.constant 0 : i32
    %dma_start3A_257 = arith.constant 0 : i32
    %dma_start3A_258 = tpu.memref_slice %arg11[%dma_start3A_256, %dma_start3A_257] : memref<10112x64xf32, #tpu.memory_space<vmem_shared>> -> memref<10112x64xf32, #tpu.memory_space<vmem_shared>>
    %dma_start3A_259 = tpu.memref_slice %arg13[%dma_start3A_248] : memref<2x!tpu.dma_semaphore, #tpu.memory_space<semaphore_mem>> -> memref<1x!tpu.dma_semaphore, #tpu.memory_space<semaphore_mem>>
    %dma_start3A_260 = tpu.memref_squeeze %dma_start3A_259 : memref<1x!tpu.dma_semaphore, #tpu.memory_space<semaphore_mem>> -> memref<!tpu.dma_semaphore, #tpu.memory_space<semaphore_mem>>
    tpu.enqueue_indirect_dma source(%dma_start3A_252 : memref<64x64xf32, #tpu.memory_space<vmem>>) target(%dma_start3A_258 : memref<10112x64xf32, #tpu.memory_space<vmem_shared>>) offsets(%dma_start3A_255 : memref<64xi32, #tpu.memory_space<vmem>>) semaphore(%dma_start3A_260 : memref<!tpu.dma_semaphore, #tpu.memory_space<semaphore_mem>>) {add = true}
    %dma_wait3A_261 = arith.constant 1 : i32
    %dma_wait3A_262 = arith.constant 0 : i32
    %dma_wait3A_263 = arith.constant 1 : i32
    %dma_wait3A_264 = arith.constant 1 : i32
    %dma_wait3A_265 = arith.constant 0 : i32
    %dma_wait3A_266 = arith.constant 0 : i32
    %dma_wait3A_267 = tpu.memref_slice %arg9[%dma_wait3A_261, %dma_wait3A_265, %dma_wait3A_266] : memref<2x64x64xf32, #tpu.memory_space<vmem>> -> memref<1x64x64xf32, #tpu.memory_space<vmem>>
    %dma_wait3A_268 = tpu.memref_squeeze %dma_wait3A_267 : memref<1x64x64xf32, #tpu.memory_space<vmem>> -> memref<64x64xf32, #tpu.memory_space<vmem>>
    %dma_wait3A_269 = arith.constant 0 : i32
    %dma_wait3A_270 = tpu.memref_slice %arg8[%dma_wait3A_262, %dma_wait3A_263, %dma_wait3A_269] : memref<2x4x64xi32, #tpu.memory_space<vmem>> -> memref<1x1x64xi32, #tpu.memory_space<vmem>>
    %dma_wait3A_271 = tpu.memref_squeeze %dma_wait3A_270 : memref<1x1x64xi32, #tpu.memory_space<vmem>> -> memref<64xi32, #tpu.memory_space<vmem>>
    %dma_wait3A_272 = arith.constant 0 : i32
    %dma_wait3A_273 = arith.constant 0 : i32
    %dma_wait3A_274 = tpu.memref_slice %arg11[%dma_wait3A_272, %dma_wait3A_273] : memref<10112x64xf32, #tpu.memory_space<vmem_shared>> -> memref<10112x64xf32, #tpu.memory_space<vmem_shared>>
    %dma_wait3A_275 = tpu.memref_slice %arg13[%dma_wait3A_264] : memref<2x!tpu.dma_semaphore, #tpu.memory_space<semaphore_mem>> -> memref<1x!tpu.dma_semaphore, #tpu.memory_space<semaphore_mem>>
    %dma_wait3A_276 = tpu.memref_squeeze %dma_wait3A_275 : memref<1x!tpu.dma_semaphore, #tpu.memory_space<semaphore_mem>> -> memref<!tpu.dma_semaphore, #tpu.memory_space<semaphore_mem>>
    tpu.wait_indirect_dma semaphore(%dma_wait3A_276 : memref<!tpu.dma_semaphore, #tpu.memory_space<semaphore_mem>>) src(%dma_wait3A_268 : memref<64x64xf32, #tpu.memory_space<vmem>>) dst(%dma_wait3A_274 : memref<10112x64xf32, #tpu.memory_space<vmem_shared>>)
    %dma_start3A_277 = arith.constant 0 : i32
    %dma_start3A_278 = arith.constant 3 : i32
    %dma_start3A_279 = arith.constant 1 : i32
    %dma_start3A_280 = arith.constant 1 : i32
    %dma_start3A_281 = arith.constant 0 : i32
    %dma_start3A_282 = arith.constant 0 : i32
    %dma_start3A_283 = tpu.memref_slice %arg9[%dma_start3A_279, %dma_start3A_281, %dma_start3A_282] : memref<2x64x64xf32, #tpu.memory_space<vmem>> -> memref<1x64x64xf32, #tpu.memory_space<vmem>>
    %dma_start3A_284 = tpu.memref_squeeze %dma_start3A_283 : memref<1x64x64xf32, #tpu.memory_space<vmem>> -> memref<64x64xf32, #tpu.memory_space<vmem>>
    %dma_start3A_285 = arith.constant 0 : i32
    %dma_start3A_286 = tpu.memref_slice %arg7[%dma_start3A_277, %dma_start3A_278, %dma_start3A_285] : memref<2x4x64xi32, #tpu.memory_space<vmem>> -> memref<1x1x64xi32, #tpu.memory_space<vmem>>
    %dma_start3A_287 = tpu.memref_squeeze %dma_start3A_286 : memref<1x1x64xi32, #tpu.memory_space<vmem>> -> memref<64xi32, #tpu.memory_space<vmem>>
    %dma_start3A_288 = arith.constant 0 : i32
    %dma_start3A_289 = arith.constant 0 : i32
    %dma_start3A_290 = tpu.memref_slice %arg10[%dma_start3A_288, %dma_start3A_289] : memref<20096x64xf32, #tpu.memory_space<vmem_shared>> -> memref<20096x64xf32, #tpu.memory_space<vmem_shared>>
    %dma_start3A_291 = tpu.memref_slice %arg12[%dma_start3A_280] : memref<2x!tpu.dma_semaphore, #tpu.memory_space<semaphore_mem>> -> memref<1x!tpu.dma_semaphore, #tpu.memory_space<semaphore_mem>>
    %dma_start3A_292 = tpu.memref_squeeze %dma_start3A_291 : memref<1x!tpu.dma_semaphore, #tpu.memory_space<semaphore_mem>> -> memref<!tpu.dma_semaphore, #tpu.memory_space<semaphore_mem>>
    tpu.enqueue_indirect_dma source(%dma_start3A_290 : memref<20096x64xf32, #tpu.memory_space<vmem_shared>>) target(%dma_start3A_284 : memref<64x64xf32, #tpu.memory_space<vmem>>) offsets(%dma_start3A_287 : memref<64xi32, #tpu.memory_space<vmem>>) semaphore(%dma_start3A_292 : memref<!tpu.dma_semaphore, #tpu.memory_space<semaphore_mem>>)
    %dma_wait3A_293 = arith.constant 0 : i32
    %dma_wait3A_294 = arith.constant 2 : i32
    %dma_wait3A_295 = arith.constant 0 : i32
    %dma_wait3A_296 = arith.constant 0 : i32
    %dma_wait3A_297 = arith.constant 0 : i32
    %dma_wait3A_298 = arith.constant 0 : i32
    %dma_wait3A_299 = tpu.memref_slice %arg9[%dma_wait3A_295, %dma_wait3A_297, %dma_wait3A_298] : memref<2x64x64xf32, #tpu.memory_space<vmem>> -> memref<1x64x64xf32, #tpu.memory_space<vmem>>
    %dma_wait3A_300 = tpu.memref_squeeze %dma_wait3A_299 : memref<1x64x64xf32, #tpu.memory_space<vmem>> -> memref<64x64xf32, #tpu.memory_space<vmem>>
    %dma_wait3A_301 = arith.constant 0 : i32
    %dma_wait3A_302 = tpu.memref_slice %arg7[%dma_wait3A_293, %dma_wait3A_294, %dma_wait3A_301] : memref<2x4x64xi32, #tpu.memory_space<vmem>> -> memref<1x1x64xi32, #tpu.memory_space<vmem>>
    %dma_wait3A_303 = tpu.memref_squeeze %dma_wait3A_302 : memref<1x1x64xi32, #tpu.memory_space<vmem>> -> memref<64xi32, #tpu.memory_space<vmem>>
    %dma_wait3A_304 = arith.constant 0 : i32
    %dma_wait3A_305 = arith.constant 0 : i32
    %dma_wait3A_306 = tpu.memref_slice %arg10[%dma_wait3A_304, %dma_wait3A_305] : memref<20096x64xf32, #tpu.memory_space<vmem_shared>> -> memref<20096x64xf32, #tpu.memory_space<vmem_shared>>
    %dma_wait3A_307 = tpu.memref_slice %arg12[%dma_wait3A_296] : memref<2x!tpu.dma_semaphore, #tpu.memory_space<semaphore_mem>> -> memref<1x!tpu.dma_semaphore, #tpu.memory_space<semaphore_mem>>
    %dma_wait3A_308 = tpu.memref_squeeze %dma_wait3A_307 : memref<1x!tpu.dma_semaphore, #tpu.memory_space<semaphore_mem>> -> memref<!tpu.dma_semaphore, #tpu.memory_space<semaphore_mem>>
    tpu.wait_indirect_dma semaphore(%dma_wait3A_308 : memref<!tpu.dma_semaphore, #tpu.memory_space<semaphore_mem>>) src(%dma_wait3A_306 : memref<20096x64xf32, #tpu.memory_space<vmem_shared>>) dst(%dma_wait3A_300 : memref<64x64xf32, #tpu.memory_space<vmem>>)
    %dma_start3A_309 = arith.constant 0 : i32
    %dma_start3A_310 = arith.constant 0 : i32
    %dma_start3A_311 = arith.constant 2 : i32
    %dma_start3A_312 = arith.constant 0 : i32
    %dma_start3A_313 = arith.constant 0 : i32
    %dma_start3A_314 = arith.constant 0 : i32
    %dma_start3A_315 = tpu.memref_slice %arg9[%dma_start3A_309, %dma_start3A_313, %dma_start3A_314] : memref<2x64x64xf32, #tpu.memory_space<vmem>> -> memref<1x64x64xf32, #tpu.memory_space<vmem>>
    %dma_start3A_316 = tpu.memref_squeeze %dma_start3A_315 : memref<1x64x64xf32, #tpu.memory_space<vmem>> -> memref<64x64xf32, #tpu.memory_space<vmem>>
    %dma_start3A_317 = arith.constant 0 : i32
    %dma_start3A_318 = tpu.memref_slice %arg8[%dma_start3A_310, %dma_start3A_311, %dma_start3A_317] : memref<2x4x64xi32, #tpu.memory_space<vmem>> -> memref<1x1x64xi32, #tpu.memory_space<vmem>>
    %dma_start3A_319 = tpu.memref_squeeze %dma_start3A_318 : memref<1x1x64xi32, #tpu.memory_space<vmem>> -> memref<64xi32, #tpu.memory_space<vmem>>
    %dma_start3A_320 = arith.constant 0 : i32
    %dma_start3A_321 = arith.constant 0 : i32
    %dma_start3A_322 = tpu.memref_slice %arg11[%dma_start3A_320, %dma_start3A_321] : memref<10112x64xf32, #tpu.memory_space<vmem_shared>> -> memref<10112x64xf32, #tpu.memory_space<vmem_shared>>
    %dma_start3A_323 = tpu.memref_slice %arg13[%dma_start3A_312] : memref<2x!tpu.dma_semaphore, #tpu.memory_space<semaphore_mem>> -> memref<1x!tpu.dma_semaphore, #tpu.memory_space<semaphore_mem>>
    %dma_start3A_324 = tpu.memref_squeeze %dma_start3A_323 : memref<1x!tpu.dma_semaphore, #tpu.memory_space<semaphore_mem>> -> memref<!tpu.dma_semaphore, #tpu.memory_space<semaphore_mem>>
    tpu.enqueue_indirect_dma source(%dma_start3A_316 : memref<64x64xf32, #tpu.memory_space<vmem>>) target(%dma_start3A_322 : memref<10112x64xf32, #tpu.memory_space<vmem_shared>>) offsets(%dma_start3A_319 : memref<64xi32, #tpu.memory_space<vmem>>) semaphore(%dma_start3A_324 : memref<!tpu.dma_semaphore, #tpu.memory_space<semaphore_mem>>) {add = true}
    %dma_wait3A_325 = arith.constant 0 : i32
    %dma_wait3A_326 = arith.constant 0 : i32
    %dma_wait3A_327 = arith.constant 2 : i32
    %dma_wait3A_328 = arith.constant 0 : i32
    %dma_wait3A_329 = arith.constant 0 : i32
    %dma_wait3A_330 = arith.constant 0 : i32
    %dma_wait3A_331 = tpu.memref_slice %arg9[%dma_wait3A_325, %dma_wait3A_329, %dma_wait3A_330] : memref<2x64x64xf32, #tpu.memory_space<vmem>> -> memref<1x64x64xf32, #tpu.memory_space<vmem>>
    %dma_wait3A_332 = tpu.memref_squeeze %dma_wait3A_331 : memref<1x64x64xf32, #tpu.memory_space<vmem>> -> memref<64x64xf32, #tpu.memory_space<vmem>>
    %dma_wait3A_333 = arith.constant 0 : i32
    %dma_wait3A_334 = tpu.memref_slice %arg8[%dma_wait3A_326, %dma_wait3A_327, %dma_wait3A_333] : memref<2x4x64xi32, #tpu.memory_space<vmem>> -> memref<1x1x64xi32, #tpu.memory_space<vmem>>
    %dma_wait3A_335 = tpu.memref_squeeze %dma_wait3A_334 : memref<1x1x64xi32, #tpu.memory_space<vmem>> -> memref<64xi32, #tpu.memory_space<vmem>>
    %dma_wait3A_336 = arith.constant 0 : i32
    %dma_wait3A_337 = arith.constant 0 : i32
    %dma_wait3A_338 = tpu.memref_slice %arg11[%dma_wait3A_336, %dma_wait3A_337] : memref<10112x64xf32, #tpu.memory_space<vmem_shared>> -> memref<10112x64xf32, #tpu.memory_space<vmem_shared>>
    %dma_wait3A_339 = tpu.memref_slice %arg13[%dma_wait3A_328] : memref<2x!tpu.dma_semaphore, #tpu.memory_space<semaphore_mem>> -> memref<1x!tpu.dma_semaphore, #tpu.memory_space<semaphore_mem>>
    %dma_wait3A_340 = tpu.memref_squeeze %dma_wait3A_339 : memref<1x!tpu.dma_semaphore, #tpu.memory_space<semaphore_mem>> -> memref<!tpu.dma_semaphore, #tpu.memory_space<semaphore_mem>>
    tpu.wait_indirect_dma semaphore(%dma_wait3A_340 : memref<!tpu.dma_semaphore, #tpu.memory_space<semaphore_mem>>) src(%dma_wait3A_332 : memref<64x64xf32, #tpu.memory_space<vmem>>) dst(%dma_wait3A_338 : memref<10112x64xf32, #tpu.memory_space<vmem_shared>>)
    %add3A_341 = arith.constant 4 : i32
    %add3A_342 = arith.addi %mul3A_2, %add3A_341 : i32
    %dma_wait3A_343 = arith.constant 1 : i32
    %dma_wait3A_344 = arith.constant 1 : i32
    %dma_wait3A_345 = arith.constant 0 : i32
    %dma_wait3A_346 = arith.constant 0 : i32
    %dma_wait3A_347 = tpu.memref_slice %arg7[%dma_wait3A_343, %dma_wait3A_345, %dma_wait3A_346] : memref<2x4x64xi32, #tpu.memory_space<vmem>> -> memref<1x4x64xi32, #tpu.memory_space<vmem>>
    %dma_wait3A_348 = tpu.memref_squeeze %dma_wait3A_347 : memref<1x4x64xi32, #tpu.memory_space<vmem>> -> memref<4x64xi32, #tpu.memory_space<vmem>>
    %dma_wait3A_349 = arith.constant 0 : i32
    %dma_wait3A_350 = tpu.memref_slice %arg2[%add3A_342, %dma_wait3A_349] : memref<5120x64xi32, #tpu.memory_space<hbm>> -> memref<4x64xi32, #tpu.memory_space<hbm>>
    %dma_wait3A_351 = tpu.memref_slice %arg14[%dma_wait3A_344] : memref<2x!tpu.dma_semaphore, #tpu.memory_space<semaphore_mem>> -> memref<1x!tpu.dma_semaphore, #tpu.memory_space<semaphore_mem>>
    %dma_wait3A_352 = tpu.memref_squeeze %dma_wait3A_351 : memref<1x!tpu.dma_semaphore, #tpu.memory_space<semaphore_mem>> -> memref<!tpu.dma_semaphore, #tpu.memory_space<semaphore_mem>>
    %dma_wait3A_353 = arith.constant 0 : i32
    %dma_wait3A_354 = arith.constant 0 : i32
    %dma_wait3A_355 = tpu.memref_slice %arg7[%dma_wait3A_343, %dma_wait3A_353, %dma_wait3A_354] : memref<2x4x64xi32, #tpu.memory_space<vmem>> -> memref<1x4x64xi32, #tpu.memory_space<vmem>>
    %dma_wait3A_356 = tpu.memref_squeeze %dma_wait3A_355 : memref<1x4x64xi32, #tpu.memory_space<vmem>> -> memref<4x64xi32, #tpu.memory_space<vmem>>
    %dma_wait3A_357 = arith.constant 0 : i32
    %dma_wait3A_358 = tpu.memref_slice %arg2[%add3A_342, %dma_wait3A_357] : memref<5120x64xi32, #tpu.memory_space<hbm>> -> memref<4x64xi32, #tpu.memory_space<hbm>>
    tpu.wait_dma2 semaphore(%dma_wait3A_352 : memref<!tpu.dma_semaphore, #tpu.memory_space<semaphore_mem>>) src(%dma_wait3A_358 : memref<4x64xi32, #tpu.memory_space<hbm>>) dst(%dma_wait3A_356 : memref<4x64xi32, #tpu.memory_space<vmem>>)
    %add3A_359 = arith.constant 4 : i32
    %add3A_360 = arith.addi %mul3A_2, %add3A_359 : i32
    %dma_wait3A_361 = arith.constant 1 : i32
    %dma_wait3A_362 = arith.constant 1 : i32
    %dma_wait3A_363 = arith.constant 0 : i32
    %dma_wait3A_364 = arith.constant 0 : i32
    %dma_wait3A_365 = tpu.memref_slice %arg8[%dma_wait3A_361, %dma_wait3A_363, %dma_wait3A_364] : memref<2x4x64xi32, #tpu.memory_space<vmem>> -> memref<1x4x64xi32, #tpu.memory_space<vmem>>
    %dma_wait3A_366 = tpu.memref_squeeze %dma_wait3A_365 : memref<1x4x64xi32, #tpu.memory_space<vmem>> -> memref<4x64xi32, #tpu.memory_space<vmem>>
    %dma_wait3A_367 = arith.constant 0 : i32
    %dma_wait3A_368 = tpu.memref_slice %arg3[%add3A_360, %dma_wait3A_367] : memref<5120x64xi32, #tpu.memory_space<hbm>> -> memref<4x64xi32, #tpu.memory_space<hbm>>
    %dma_wait3A_369 = tpu.memref_slice %arg14[%dma_wait3A_362] : memref<2x!tpu.dma_semaphore, #tpu.memory_space<semaphore_mem>> -> memref<1x!tpu.dma_semaphore, #tpu.memory_space<semaphore_mem>>
    %dma_wait3A_370 = tpu.memref_squeeze %dma_wait3A_369 : memref<1x!tpu.dma_semaphore, #tpu.memory_space<semaphore_mem>> -> memref<!tpu.dma_semaphore, #tpu.memory_space<semaphore_mem>>
    %dma_wait3A_371 = arith.constant 0 : i32
    %dma_wait3A_372 = arith.constant 0 : i32
    %dma_wait3A_373 = tpu.memref_slice %arg8[%dma_wait3A_361, %dma_wait3A_371, %dma_wait3A_372] : memref<2x4x64xi32, #tpu.memory_space<vmem>> -> memref<1x4x64xi32, #tpu.memory_space<vmem>>
    %dma_wait3A_374 = tpu.memref_squeeze %dma_wait3A_373 : memref<1x4x64xi32, #tpu.memory_space<vmem>> -> memref<4x64xi32, #tpu.memory_space<vmem>>
    %dma_wait3A_375 = arith.constant 0 : i32
    %dma_wait3A_376 = tpu.memref_slice %arg3[%add3A_360, %dma_wait3A_375] : memref<5120x64xi32, #tpu.memory_space<hbm>> -> memref<4x64xi32, #tpu.memory_space<hbm>>
    tpu.wait_dma2 semaphore(%dma_wait3A_370 : memref<!tpu.dma_semaphore, #tpu.memory_space<semaphore_mem>>) src(%dma_wait3A_376 : memref<4x64xi32, #tpu.memory_space<hbm>>) dst(%dma_wait3A_374 : memref<4x64xi32, #tpu.memory_space<vmem>>)
    %dma_start3A_377 = arith.constant 1 : i32
    %dma_start3A_378 = arith.constant 0 : i32
    %dma_start3A_379 = arith.constant 0 : i32
    %dma_start3A_380 = arith.constant 0 : i32
    %dma_start3A_381 = arith.constant 0 : i32
    %dma_start3A_382 = arith.constant 0 : i32
    %dma_start3A_383 = tpu.memref_slice %arg9[%dma_start3A_379, %dma_start3A_381, %dma_start3A_382] : memref<2x64x64xf32, #tpu.memory_space<vmem>> -> memref<1x64x64xf32, #tpu.memory_space<vmem>>
    %dma_start3A_384 = tpu.memref_squeeze %dma_start3A_383 : memref<1x64x64xf32, #tpu.memory_space<vmem>> -> memref<64x64xf32, #tpu.memory_space<vmem>>
    %dma_start3A_385 = arith.constant 0 : i32
    %dma_start3A_386 = tpu.memref_slice %arg7[%dma_start3A_377, %dma_start3A_378, %dma_start3A_385] : memref<2x4x64xi32, #tpu.memory_space<vmem>> -> memref<1x1x64xi32, #tpu.memory_space<vmem>>
    %dma_start3A_387 = tpu.memref_squeeze %dma_start3A_386 : memref<1x1x64xi32, #tpu.memory_space<vmem>> -> memref<64xi32, #tpu.memory_space<vmem>>
    %dma_start3A_388 = arith.constant 0 : i32
    %dma_start3A_389 = arith.constant 0 : i32
    %dma_start3A_390 = tpu.memref_slice %arg10[%dma_start3A_388, %dma_start3A_389] : memref<20096x64xf32, #tpu.memory_space<vmem_shared>> -> memref<20096x64xf32, #tpu.memory_space<vmem_shared>>
    %dma_start3A_391 = tpu.memref_slice %arg12[%dma_start3A_380] : memref<2x!tpu.dma_semaphore, #tpu.memory_space<semaphore_mem>> -> memref<1x!tpu.dma_semaphore, #tpu.memory_space<semaphore_mem>>
    %dma_start3A_392 = tpu.memref_squeeze %dma_start3A_391 : memref<1x!tpu.dma_semaphore, #tpu.memory_space<semaphore_mem>> -> memref<!tpu.dma_semaphore, #tpu.memory_space<semaphore_mem>>
    tpu.enqueue_indirect_dma source(%dma_start3A_390 : memref<20096x64xf32, #tpu.memory_space<vmem_shared>>) target(%dma_start3A_384 : memref<64x64xf32, #tpu.memory_space<vmem>>) offsets(%dma_start3A_387 : memref<64xi32, #tpu.memory_space<vmem>>) semaphore(%dma_start3A_392 : memref<!tpu.dma_semaphore, #tpu.memory_space<semaphore_mem>>)
    %dma_wait3A_393 = arith.constant 0 : i32
    %dma_wait3A_394 = arith.constant 3 : i32
    %dma_wait3A_395 = arith.constant 1 : i32
    %dma_wait3A_396 = arith.constant 1 : i32
    %dma_wait3A_397 = arith.constant 0 : i32
    %dma_wait3A_398 = arith.constant 0 : i32
    %dma_wait3A_399 = tpu.memref_slice %arg9[%dma_wait3A_395, %dma_wait3A_397, %dma_wait3A_398] : memref<2x64x64xf32, #tpu.memory_space<vmem>> -> memref<1x64x64xf32, #tpu.memory_space<vmem>>
    %dma_wait3A_400 = tpu.memref_squeeze %dma_wait3A_399 : memref<1x64x64xf32, #tpu.memory_space<vmem>> -> memref<64x64xf32, #tpu.memory_space<vmem>>
    %dma_wait3A_401 = arith.constant 0 : i32
    %dma_wait3A_402 = tpu.memref_slice %arg7[%dma_wait3A_393, %dma_wait3A_394, %dma_wait3A_401] : memref<2x4x64xi32, #tpu.memory_space<vmem>> -> memref<1x1x64xi32, #tpu.memory_space<vmem>>
    %dma_wait3A_403 = tpu.memref_squeeze %dma_wait3A_402 : memref<1x1x64xi32, #tpu.memory_space<vmem>> -> memref<64xi32, #tpu.memory_space<vmem>>
    %dma_wait3A_404 = arith.constant 0 : i32
    %dma_wait3A_405 = arith.constant 0 : i32
    %dma_wait3A_406 = tpu.memref_slice %arg10[%dma_wait3A_404, %dma_wait3A_405] : memref<20096x64xf32, #tpu.memory_space<vmem_shared>> -> memref<20096x64xf32, #tpu.memory_space<vmem_shared>>
    %dma_wait3A_407 = tpu.memref_slice %arg12[%dma_wait3A_396] : memref<2x!tpu.dma_semaphore, #tpu.memory_space<semaphore_mem>> -> memref<1x!tpu.dma_semaphore, #tpu.memory_space<semaphore_mem>>
    %dma_wait3A_408 = tpu.memref_squeeze %dma_wait3A_407 : memref<1x!tpu.dma_semaphore, #tpu.memory_space<semaphore_mem>> -> memref<!tpu.dma_semaphore, #tpu.memory_space<semaphore_mem>>
    tpu.wait_indirect_dma semaphore(%dma_wait3A_408 : memref<!tpu.dma_semaphore, #tpu.memory_space<semaphore_mem>>) src(%dma_wait3A_406 : memref<20096x64xf32, #tpu.memory_space<vmem_shared>>) dst(%dma_wait3A_400 : memref<64x64xf32, #tpu.memory_space<vmem>>)
    %dma_start3A_409 = arith.constant 1 : i32
    %dma_start3A_410 = arith.constant 0 : i32
    %dma_start3A_411 = arith.constant 3 : i32
    %dma_start3A_412 = arith.constant 1 : i32
    %dma_start3A_413 = arith.constant 0 : i32
    %dma_start3A_414 = arith.constant 0 : i32
    %dma_start3A_415 = tpu.memref_slice %arg9[%dma_start3A_409, %dma_start3A_413, %dma_start3A_414] : memref<2x64x64xf32, #tpu.memory_space<vmem>> -> memref<1x64x64xf32, #tpu.memory_space<vmem>>
    %dma_start3A_416 = tpu.memref_squeeze %dma_start3A_415 : memref<1x64x64xf32, #tpu.memory_space<vmem>> -> memref<64x64xf32, #tpu.memory_space<vmem>>
    %dma_start3A_417 = arith.constant 0 : i32
    %dma_start3A_418 = tpu.memref_slice %arg8[%dma_start3A_410, %dma_start3A_411, %dma_start3A_417] : memref<2x4x64xi32, #tpu.memory_space<vmem>> -> memref<1x1x64xi32, #tpu.memory_space<vmem>>
    %dma_start3A_419 = tpu.memref_squeeze %dma_start3A_418 : memref<1x1x64xi32, #tpu.memory_space<vmem>> -> memref<64xi32, #tpu.memory_space<vmem>>
    %dma_start3A_420 = arith.constant 0 : i32
    %dma_start3A_421 = arith.constant 0 : i32
    %dma_start3A_422 = tpu.memref_slice %arg11[%dma_start3A_420, %dma_start3A_421] : memref<10112x64xf32, #tpu.memory_space<vmem_shared>> -> memref<10112x64xf32, #tpu.memory_space<vmem_shared>>
    %dma_start3A_423 = tpu.memref_slice %arg13[%dma_start3A_412] : memref<2x!tpu.dma_semaphore, #tpu.memory_space<semaphore_mem>> -> memref<1x!tpu.dma_semaphore, #tpu.memory_space<semaphore_mem>>
    %dma_start3A_424 = tpu.memref_squeeze %dma_start3A_423 : memref<1x!tpu.dma_semaphore, #tpu.memory_space<semaphore_mem>> -> memref<!tpu.dma_semaphore, #tpu.memory_space<semaphore_mem>>
    tpu.enqueue_indirect_dma source(%dma_start3A_416 : memref<64x64xf32, #tpu.memory_space<vmem>>) target(%dma_start3A_422 : memref<10112x64xf32, #tpu.memory_space<vmem_shared>>) offsets(%dma_start3A_419 : memref<64xi32, #tpu.memory_space<vmem>>) semaphore(%dma_start3A_424 : memref<!tpu.dma_semaphore, #tpu.memory_space<semaphore_mem>>) {add = true}
    %scan3A = arith.constant 0 : i32
    %scan3A_425 = arith.constant 0 : i32
    %scan3A_426 = arith.constant 19 : i32
    %scan3A_427 = arith.addi %scan3A_425, %scan3A_426 : i32
    %scan3A_428 = arith.constant 1 : i32
    scf.for %scan3A_691 = %scan3A_425 to %scan3A_427 step %scan3A_428  : i32 {
      %mul3A_692 = arith.constant 8 : i32
      %mul3A_693 = arith.muli %mul3A_692, %scan3A_691 : i32
      %add3A_694 = arith.constant 4 : i32
      %add3A_695 = arith.addi %mul3A_693, %add3A_694 : i32
      %mul3A_696 = arith.constant 2 : i32
      %mul3A_697 = arith.muli %mul3A_696, %scan3A_691 : i32
      %add3A_698 = arith.constant 1 : i32
      %add3A_699 = arith.addi %mul3A_697, %add3A_698 : i32
      %add3A_700 = arith.constant 0 : i32
      %add3A_701 = arith.addi %add3A_699, %add3A_700 : i32
      %add3A_702 = arith.constant 0 : i32
      %add3A_703 = arith.addi %add3A_695, %add3A_702 : i32
      %add3A_704 = arith.constant 0 : i32
      %add3A_705 = arith.addi %add3A_703, %add3A_704 : i32
      %add3A_706 = arith.constant 1 : i32
      %add3A_707 = arith.addi %add3A_701, %add3A_706 : i32
      %sub3A = arith.constant 1 : i32
      %sub3A_708 = arith.subi %add3A_705, %sub3A : i32
      %dma_wait3A_709 = arith.constant 1 : i32
      %dma_wait3A_710 = arith.constant 0 : i32
      %dma_wait3A_711 = arith.constant 3 : i32
      %dma_wait3A_712 = arith.constant 1 : i32
      %dma_wait3A_713 = arith.constant 0 : i32
      %dma_wait3A_714 = arith.constant 0 : i32
      %dma_wait3A_715 = tpu.memref_slice %arg9[%dma_wait3A_709, %dma_wait3A_713, %dma_wait3A_714] : memref<2x64x64xf32, #tpu.memory_space<vmem>> -> memref<1x64x64xf32, #tpu.memory_space<vmem>>
      %dma_wait3A_716 = tpu.memref_squeeze %dma_wait3A_715 : memref<1x64x64xf32, #tpu.memory_space<vmem>> -> memref<64x64xf32, #tpu.memory_space<vmem>>
      %dma_wait3A_717 = arith.constant 0 : i32
      %dma_wait3A_718 = tpu.memref_slice %arg8[%dma_wait3A_710, %dma_wait3A_711, %dma_wait3A_717] : memref<2x4x64xi32, #tpu.memory_space<vmem>> -> memref<1x1x64xi32, #tpu.memory_space<vmem>>
      %dma_wait3A_719 = tpu.memref_squeeze %dma_wait3A_718 : memref<1x1x64xi32, #tpu.memory_space<vmem>> -> memref<64xi32, #tpu.memory_space<vmem>>
      %dma_wait3A_720 = arith.constant 0 : i32
      %dma_wait3A_721 = arith.constant 0 : i32
      %dma_wait3A_722 = tpu.memref_slice %arg11[%dma_wait3A_720, %dma_wait3A_721] : memref<10112x64xf32, #tpu.memory_space<vmem_shared>> -> memref<10112x64xf32, #tpu.memory_space<vmem_shared>>
      %dma_wait3A_723 = tpu.memref_slice %arg13[%dma_wait3A_712] : memref<2x!tpu.dma_semaphore, #tpu.memory_space<semaphore_mem>> -> memref<1x!tpu.dma_semaphore, #tpu.memory_space<semaphore_mem>>
      %dma_wait3A_724 = tpu.memref_squeeze %dma_wait3A_723 : memref<1x!tpu.dma_semaphore, #tpu.memory_space<semaphore_mem>> -> memref<!tpu.dma_semaphore, #tpu.memory_space<semaphore_mem>>
      tpu.wait_indirect_dma semaphore(%dma_wait3A_724 : memref<!tpu.dma_semaphore, #tpu.memory_space<semaphore_mem>>) src(%dma_wait3A_716 : memref<64x64xf32, #tpu.memory_space<vmem>>) dst(%dma_wait3A_722 : memref<10112x64xf32, #tpu.memory_space<vmem_shared>>)
      %mul3A_725 = arith.constant 4 : i32
      %mul3A_726 = arith.muli %add3A_707, %mul3A_725 : i32
      %add3A_727 = arith.addi %mul3A_2, %mul3A_726 : i32
      %dma_start3A_728 = arith.constant 0 : i32
      %dma_start3A_729 = arith.constant 0 : i32
      %dma_start3A_730 = arith.constant 0 : i32
      %dma_start3A_731 = arith.constant 0 : i32
      %dma_start3A_732 = tpu.memref_slice %arg7[%dma_start3A_728, %dma_start3A_730, %dma_start3A_731] : memref<2x4x64xi32, #tpu.memory_space<vmem>> -> memref<1x4x64xi32, #tpu.memory_space<vmem>>
      %dma_start3A_733 = tpu.memref_squeeze %dma_start3A_732 : memref<1x4x64xi32, #tpu.memory_space<vmem>> -> memref<4x64xi32, #tpu.memory_space<vmem>>
      %dma_start3A_734 = arith.constant 0 : i32
      %dma_start3A_735 = tpu.memref_slice %arg2[%add3A_727, %dma_start3A_734] : memref<5120x64xi32, #tpu.memory_space<hbm>> -> memref<4x64xi32, #tpu.memory_space<hbm>>
      %dma_start3A_736 = tpu.memref_slice %arg14[%dma_start3A_729] : memref<2x!tpu.dma_semaphore, #tpu.memory_space<semaphore_mem>> -> memref<1x!tpu.dma_semaphore, #tpu.memory_space<semaphore_mem>>
      %dma_start3A_737 = tpu.memref_squeeze %dma_start3A_736 : memref<1x!tpu.dma_semaphore, #tpu.memory_space<semaphore_mem>> -> memref<!tpu.dma_semaphore, #tpu.memory_space<semaphore_mem>>
      %dma_start3A_738 = arith.constant 0 : i32
      %dma_start3A_739 = arith.constant 0 : i32
      %dma_start3A_740 = tpu.memref_slice %arg7[%dma_start3A_728, %dma_start3A_738, %dma_start3A_739] : memref<2x4x64xi32, #tpu.memory_space<vmem>> -> memref<1x4x64xi32, #tpu.memory_space<vmem>>
      %dma_start3A_741 = tpu.memref_squeeze %dma_start3A_740 : memref<1x4x64xi32, #tpu.memory_space<vmem>> -> memref<4x64xi32, #tpu.memory_space<vmem>>
      %dma_start3A_742 = arith.constant 0 : i32
      %dma_start3A_743 = tpu.memref_slice %arg2[%add3A_727, %dma_start3A_742] : memref<5120x64xi32, #tpu.memory_space<hbm>> -> memref<4x64xi32, #tpu.memory_space<hbm>>
      tpu.enqueue_dma source(%dma_start3A_743 : memref<4x64xi32, #tpu.memory_space<hbm>>) target(%dma_start3A_741 : memref<4x64xi32, #tpu.memory_space<vmem>>) target_semaphore(%dma_start3A_737 : memref<!tpu.dma_semaphore, #tpu.memory_space<semaphore_mem>>)
      %mul3A_744 = arith.constant 4 : i32
      %mul3A_745 = arith.muli %add3A_707, %mul3A_744 : i32
      %add3A_746 = arith.addi %mul3A_2, %mul3A_745 : i32
      %dma_start3A_747 = arith.constant 0 : i32
      %dma_start3A_748 = arith.constant 0 : i32
      %dma_start3A_749 = arith.constant 0 : i32
      %dma_start3A_750 = arith.constant 0 : i32
      %dma_start3A_751 = tpu.memref_slice %arg8[%dma_start3A_747, %dma_start3A_749, %dma_start3A_750] : memref<2x4x64xi32, #tpu.memory_space<vmem>> -> memref<1x4x64xi32, #tpu.memory_space<vmem>>
      %dma_start3A_752 = tpu.memref_squeeze %dma_start3A_751 : memref<1x4x64xi32, #tpu.memory_space<vmem>> -> memref<4x64xi32, #tpu.memory_space<vmem>>
      %dma_start3A_753 = arith.constant 0 : i32
      %dma_start3A_754 = tpu.memref_slice %arg3[%add3A_746, %dma_start3A_753] : memref<5120x64xi32, #tpu.memory_space<hbm>> -> memref<4x64xi32, #tpu.memory_space<hbm>>
      %dma_start3A_755 = tpu.memref_slice %arg14[%dma_start3A_748] : memref<2x!tpu.dma_semaphore, #tpu.memory_space<semaphore_mem>> -> memref<1x!tpu.dma_semaphore, #tpu.memory_space<semaphore_mem>>
      %dma_start3A_756 = tpu.memref_squeeze %dma_start3A_755 : memref<1x!tpu.dma_semaphore, #tpu.memory_space<semaphore_mem>> -> memref<!tpu.dma_semaphore, #tpu.memory_space<semaphore_mem>>
      %dma_start3A_757 = arith.constant 0 : i32
      %dma_start3A_758 = arith.constant 0 : i32
      %dma_start3A_759 = tpu.memref_slice %arg8[%dma_start3A_747, %dma_start3A_757, %dma_start3A_758] : memref<2x4x64xi32, #tpu.memory_space<vmem>> -> memref<1x4x64xi32, #tpu.memory_space<vmem>>
      %dma_start3A_760 = tpu.memref_squeeze %dma_start3A_759 : memref<1x4x64xi32, #tpu.memory_space<vmem>> -> memref<4x64xi32, #tpu.memory_space<vmem>>
      %dma_start3A_761 = arith.constant 0 : i32
      %dma_start3A_762 = tpu.memref_slice %arg3[%add3A_746, %dma_start3A_761] : memref<5120x64xi32, #tpu.memory_space<hbm>> -> memref<4x64xi32, #tpu.memory_space<hbm>>
      tpu.enqueue_dma source(%dma_start3A_762 : memref<4x64xi32, #tpu.memory_space<hbm>>) target(%dma_start3A_760 : memref<4x64xi32, #tpu.memory_space<vmem>>) target_semaphore(%dma_start3A_756 : memref<!tpu.dma_semaphore, #tpu.memory_space<semaphore_mem>>)
      %add3A_763 = arith.constant 1 : i32
      %add3A_764 = arith.addi %add3A_705, %add3A_763 : i32
      %dma_start3A_765 = arith.constant 1 : i32
      %dma_start3A_766 = arith.constant 1 : i32
      %dma_start3A_767 = arith.constant 1 : i32
      %dma_start3A_768 = arith.constant 1 : i32
      %dma_start3A_769 = arith.constant 0 : i32
      %dma_start3A_770 = arith.constant 0 : i32
      %dma_start3A_771 = tpu.memref_slice %arg9[%dma_start3A_767, %dma_start3A_769, %dma_start3A_770] : memref<2x64x64xf32, #tpu.memory_space<vmem>> -> memref<1x64x64xf32, #tpu.memory_space<vmem>>
      %dma_start3A_772 = tpu.memref_squeeze %dma_start3A_771 : memref<1x64x64xf32, #tpu.memory_space<vmem>> -> memref<64x64xf32, #tpu.memory_space<vmem>>
      %dma_start3A_773 = arith.constant 0 : i32
      %dma_start3A_774 = tpu.memref_slice %arg7[%dma_start3A_765, %dma_start3A_766, %dma_start3A_773] : memref<2x4x64xi32, #tpu.memory_space<vmem>> -> memref<1x1x64xi32, #tpu.memory_space<vmem>>
      %dma_start3A_775 = tpu.memref_squeeze %dma_start3A_774 : memref<1x1x64xi32, #tpu.memory_space<vmem>> -> memref<64xi32, #tpu.memory_space<vmem>>
      %dma_start3A_776 = arith.constant 0 : i32
      %dma_start3A_777 = arith.constant 0 : i32
      %dma_start3A_778 = tpu.memref_slice %arg10[%dma_start3A_776, %dma_start3A_777] : memref<20096x64xf32, #tpu.memory_space<vmem_shared>> -> memref<20096x64xf32, #tpu.memory_space<vmem_shared>>
      %dma_start3A_779 = tpu.memref_slice %arg12[%dma_start3A_768] : memref<2x!tpu.dma_semaphore, #tpu.memory_space<semaphore_mem>> -> memref<1x!tpu.dma_semaphore, #tpu.memory_space<semaphore_mem>>
      %dma_start3A_780 = tpu.memref_squeeze %dma_start3A_779 : memref<1x!tpu.dma_semaphore, #tpu.memory_space<semaphore_mem>> -> memref<!tpu.dma_semaphore, #tpu.memory_space<semaphore_mem>>
      tpu.enqueue_indirect_dma source(%dma_start3A_778 : memref<20096x64xf32, #tpu.memory_space<vmem_shared>>) target(%dma_start3A_772 : memref<64x64xf32, #tpu.memory_space<vmem>>) offsets(%dma_start3A_775 : memref<64xi32, #tpu.memory_space<vmem>>) semaphore(%dma_start3A_780 : memref<!tpu.dma_semaphore, #tpu.memory_space<semaphore_mem>>)
      %dma_wait3A_781 = arith.constant 1 : i32
      %dma_wait3A_782 = arith.constant 0 : i32
      %dma_wait3A_783 = arith.constant 0 : i32
      %dma_wait3A_784 = arith.constant 0 : i32
      %dma_wait3A_785 = arith.constant 0 : i32
      %dma_wait3A_786 = arith.constant 0 : i32
      %dma_wait3A_787 = tpu.memref_slice %arg9[%dma_wait3A_783, %dma_wait3A_785, %dma_wait3A_786] : memref<2x64x64xf32, #tpu.memory_space<vmem>> -> memref<1x64x64xf32, #tpu.memory_space<vmem>>
      %dma_wait3A_788 = tpu.memref_squeeze %dma_wait3A_787 : memref<1x64x64xf32, #tpu.memory_space<vmem>> -> memref<64x64xf32, #tpu.memory_space<vmem>>
      %dma_wait3A_789 = arith.constant 0 : i32
      %dma_wait3A_790 = tpu.memref_slice %arg7[%dma_wait3A_781, %dma_wait3A_782, %dma_wait3A_789] : memref<2x4x64xi32, #tpu.memory_space<vmem>> -> memref<1x1x64xi32, #tpu.memory_space<vmem>>
      %dma_wait3A_791 = tpu.memref_squeeze %dma_wait3A_790 : memref<1x1x64xi32, #tpu.memory_space<vmem>> -> memref<64xi32, #tpu.memory_space<vmem>>
      %dma_wait3A_792 = arith.constant 0 : i32
      %dma_wait3A_793 = arith.constant 0 : i32
      %dma_wait3A_794 = tpu.memref_slice %arg10[%dma_wait3A_792, %dma_wait3A_793] : memref<20096x64xf32, #tpu.memory_space<vmem_shared>> -> memref<20096x64xf32, #tpu.memory_space<vmem_shared>>
      %dma_wait3A_795 = tpu.memref_slice %arg12[%dma_wait3A_784] : memref<2x!tpu.dma_semaphore, #tpu.memory_space<semaphore_mem>> -> memref<1x!tpu.dma_semaphore, #tpu.memory_space<semaphore_mem>>
      %dma_wait3A_796 = tpu.memref_squeeze %dma_wait3A_795 : memref<1x!tpu.dma_semaphore, #tpu.memory_space<semaphore_mem>> -> memref<!tpu.dma_semaphore, #tpu.memory_space<semaphore_mem>>
      tpu.wait_indirect_dma semaphore(%dma_wait3A_796 : memref<!tpu.dma_semaphore, #tpu.memory_space<semaphore_mem>>) src(%dma_wait3A_794 : memref<20096x64xf32, #tpu.memory_space<vmem_shared>>) dst(%dma_wait3A_788 : memref<64x64xf32, #tpu.memory_space<vmem>>)
      %dma_start3A_797 = arith.constant 0 : i32
      %dma_start3A_798 = arith.constant 1 : i32
      %dma_start3A_799 = arith.constant 0 : i32
      %dma_start3A_800 = arith.constant 0 : i32
      %dma_start3A_801 = arith.constant 0 : i32
      %dma_start3A_802 = arith.constant 0 : i32
      %dma_start3A_803 = tpu.memref_slice %arg9[%dma_start3A_797, %dma_start3A_801, %dma_start3A_802] : memref<2x64x64xf32, #tpu.memory_space<vmem>> -> memref<1x64x64xf32, #tpu.memory_space<vmem>>
      %dma_start3A_804 = tpu.memref_squeeze %dma_start3A_803 : memref<1x64x64xf32, #tpu.memory_space<vmem>> -> memref<64x64xf32, #tpu.memory_space<vmem>>
      %dma_start3A_805 = arith.constant 0 : i32
      %dma_start3A_806 = tpu.memref_slice %arg8[%dma_start3A_798, %dma_start3A_799, %dma_start3A_805] : memref<2x4x64xi32, #tpu.memory_space<vmem>> -> memref<1x1x64xi32, #tpu.memory_space<vmem>>
      %dma_start3A_807 = tpu.memref_squeeze %dma_start3A_806 : memref<1x1x64xi32, #tpu.memory_space<vmem>> -> memref<64xi32, #tpu.memory_space<vmem>>
      %dma_start3A_808 = arith.constant 0 : i32
      %dma_start3A_809 = arith.constant 0 : i32
      %dma_start3A_810 = tpu.memref_slice %arg11[%dma_start3A_808, %dma_start3A_809] : memref<10112x64xf32, #tpu.memory_space<vmem_shared>> -> memref<10112x64xf32, #tpu.memory_space<vmem_shared>>
      %dma_start3A_811 = tpu.memref_slice %arg13[%dma_start3A_800] : memref<2x!tpu.dma_semaphore, #tpu.memory_space<semaphore_mem>> -> memref<1x!tpu.dma_semaphore, #tpu.memory_space<semaphore_mem>>
      %dma_start3A_812 = tpu.memref_squeeze %dma_start3A_811 : memref<1x!tpu.dma_semaphore, #tpu.memory_space<semaphore_mem>> -> memref<!tpu.dma_semaphore, #tpu.memory_space<semaphore_mem>>
      tpu.enqueue_indirect_dma source(%dma_start3A_804 : memref<64x64xf32, #tpu.memory_space<vmem>>) target(%dma_start3A_810 : memref<10112x64xf32, #tpu.memory_space<vmem_shared>>) offsets(%dma_start3A_807 : memref<64xi32, #tpu.memory_space<vmem>>) semaphore(%dma_start3A_812 : memref<!tpu.dma_semaphore, #tpu.memory_space<semaphore_mem>>) {add = true}
      %add3A_813 = arith.constant 0 : i32
      %add3A_814 = arith.addi %add3A_695, %add3A_813 : i32
      %add3A_815 = arith.constant 1 : i32
      %add3A_816 = arith.addi %add3A_814, %add3A_815 : i32
      %sub3A_817 = arith.constant 1 : i32
      %sub3A_818 = arith.subi %add3A_816, %sub3A_817 : i32
      %dma_wait3A_819 = arith.constant 0 : i32
      %dma_wait3A_820 = arith.constant 1 : i32
      %dma_wait3A_821 = arith.constant 0 : i32
      %dma_wait3A_822 = arith.constant 0 : i32
      %dma_wait3A_823 = arith.constant 0 : i32
      %dma_wait3A_824 = arith.constant 0 : i32
      %dma_wait3A_825 = tpu.memref_slice %arg9[%dma_wait3A_819, %dma_wait3A_823, %dma_wait3A_824] : memref<2x64x64xf32, #tpu.memory_space<vmem>> -> memref<1x64x64xf32, #tpu.memory_space<vmem>>
      %dma_wait3A_826 = tpu.memref_squeeze %dma_wait3A_825 : memref<1x64x64xf32, #tpu.memory_space<vmem>> -> memref<64x64xf32, #tpu.memory_space<vmem>>
      %dma_wait3A_827 = arith.constant 0 : i32
      %dma_wait3A_828 = tpu.memref_slice %arg8[%dma_wait3A_820, %dma_wait3A_821, %dma_wait3A_827] : memref<2x4x64xi32, #tpu.memory_space<vmem>> -> memref<1x1x64xi32, #tpu.memory_space<vmem>>
      %dma_wait3A_829 = tpu.memref_squeeze %dma_wait3A_828 : memref<1x1x64xi32, #tpu.memory_space<vmem>> -> memref<64xi32, #tpu.memory_space<vmem>>
      %dma_wait3A_830 = arith.constant 0 : i32
      %dma_wait3A_831 = arith.constant 0 : i32
      %dma_wait3A_832 = tpu.memref_slice %arg11[%dma_wait3A_830, %dma_wait3A_831] : memref<10112x64xf32, #tpu.memory_space<vmem_shared>> -> memref<10112x64xf32, #tpu.memory_space<vmem_shared>>
      %dma_wait3A_833 = tpu.memref_slice %arg13[%dma_wait3A_822] : memref<2x!tpu.dma_semaphore, #tpu.memory_space<semaphore_mem>> -> memref<1x!tpu.dma_semaphore, #tpu.memory_space<semaphore_mem>>
      %dma_wait3A_834 = tpu.memref_squeeze %dma_wait3A_833 : memref<1x!tpu.dma_semaphore, #tpu.memory_space<semaphore_mem>> -> memref<!tpu.dma_semaphore, #tpu.memory_space<semaphore_mem>>
      tpu.wait_indirect_dma semaphore(%dma_wait3A_834 : memref<!tpu.dma_semaphore, #tpu.memory_space<semaphore_mem>>) src(%dma_wait3A_826 : memref<64x64xf32, #tpu.memory_space<vmem>>) dst(%dma_wait3A_832 : memref<10112x64xf32, #tpu.memory_space<vmem_shared>>)
      %add3A_835 = arith.constant 1 : i32
      %add3A_836 = arith.addi %add3A_816, %add3A_835 : i32
      %dma_start3A_837 = arith.constant 1 : i32
      %dma_start3A_838 = arith.constant 2 : i32
      %dma_start3A_839 = arith.constant 0 : i32
      %dma_start3A_840 = arith.constant 0 : i32
      %dma_start3A_841 = arith.constant 0 : i32
      %dma_start3A_842 = arith.constant 0 : i32
      %dma_start3A_843 = tpu.memref_slice %arg9[%dma_start3A_839, %dma_start3A_841, %dma_start3A_842] : memref<2x64x64xf32, #tpu.memory_space<vmem>> -> memref<1x64x64xf32, #tpu.memory_space<vmem>>
      %dma_start3A_844 = tpu.memref_squeeze %dma_start3A_843 : memref<1x64x64xf32, #tpu.memory_space<vmem>> -> memref<64x64xf32, #tpu.memory_space<vmem>>
      %dma_start3A_845 = arith.constant 0 : i32
      %dma_start3A_846 = tpu.memref_slice %arg7[%dma_start3A_837, %dma_start3A_838, %dma_start3A_845] : memref<2x4x64xi32, #tpu.memory_space<vmem>> -> memref<1x1x64xi32, #tpu.memory_space<vmem>>
      %dma_start3A_847 = tpu.memref_squeeze %dma_start3A_846 : memref<1x1x64xi32, #tpu.memory_space<vmem>> -> memref<64xi32, #tpu.memory_space<vmem>>
      %dma_start3A_848 = arith.constant 0 : i32
      %dma_start3A_849 = arith.constant 0 : i32
      %dma_start3A_850 = tpu.memref_slice %arg10[%dma_start3A_848, %dma_start3A_849] : memref<20096x64xf32, #tpu.memory_space<vmem_shared>> -> memref<20096x64xf32, #tpu.memory_space<vmem_shared>>
      %dma_start3A_851 = tpu.memref_slice %arg12[%dma_start3A_840] : memref<2x!tpu.dma_semaphore, #tpu.memory_space<semaphore_mem>> -> memref<1x!tpu.dma_semaphore, #tpu.memory_space<semaphore_mem>>
      %dma_start3A_852 = tpu.memref_squeeze %dma_start3A_851 : memref<1x!tpu.dma_semaphore, #tpu.memory_space<semaphore_mem>> -> memref<!tpu.dma_semaphore, #tpu.memory_space<semaphore_mem>>
      tpu.enqueue_indirect_dma source(%dma_start3A_850 : memref<20096x64xf32, #tpu.memory_space<vmem_shared>>) target(%dma_start3A_844 : memref<64x64xf32, #tpu.memory_space<vmem>>) offsets(%dma_start3A_847 : memref<64xi32, #tpu.memory_space<vmem>>) semaphore(%dma_start3A_852 : memref<!tpu.dma_semaphore, #tpu.memory_space<semaphore_mem>>)
      %dma_wait3A_853 = arith.constant 1 : i32
      %dma_wait3A_854 = arith.constant 1 : i32
      %dma_wait3A_855 = arith.constant 1 : i32
      %dma_wait3A_856 = arith.constant 1 : i32
      %dma_wait3A_857 = arith.constant 0 : i32
      %dma_wait3A_858 = arith.constant 0 : i32
      %dma_wait3A_859 = tpu.memref_slice %arg9[%dma_wait3A_855, %dma_wait3A_857, %dma_wait3A_858] : memref<2x64x64xf32, #tpu.memory_space<vmem>> -> memref<1x64x64xf32, #tpu.memory_space<vmem>>
      %dma_wait3A_860 = tpu.memref_squeeze %dma_wait3A_859 : memref<1x64x64xf32, #tpu.memory_space<vmem>> -> memref<64x64xf32, #tpu.memory_space<vmem>>
      %dma_wait3A_861 = arith.constant 0 : i32
      %dma_wait3A_862 = tpu.memref_slice %arg7[%dma_wait3A_853, %dma_wait3A_854, %dma_wait3A_861] : memref<2x4x64xi32, #tpu.memory_space<vmem>> -> memref<1x1x64xi32, #tpu.memory_space<vmem>>
      %dma_wait3A_863 = tpu.memref_squeeze %dma_wait3A_862 : memref<1x1x64xi32, #tpu.memory_space<vmem>> -> memref<64xi32, #tpu.memory_space<vmem>>
      %dma_wait3A_864 = arith.constant 0 : i32
      %dma_wait3A_865 = arith.constant 0 : i32
      %dma_wait3A_866 = tpu.memref_slice %arg10[%dma_wait3A_864, %dma_wait3A_865] : memref<20096x64xf32, #tpu.memory_space<vmem_shared>> -> memref<20096x64xf32, #tpu.memory_space<vmem_shared>>
      %dma_wait3A_867 = tpu.memref_slice %arg12[%dma_wait3A_856] : memref<2x!tpu.dma_semaphore, #tpu.memory_space<semaphore_mem>> -> memref<1x!tpu.dma_semaphore, #tpu.memory_space<semaphore_mem>>
      %dma_wait3A_868 = tpu.memref_squeeze %dma_wait3A_867 : memref<1x!tpu.dma_semaphore, #tpu.memory_space<semaphore_mem>> -> memref<!tpu.dma_semaphore, #tpu.memory_space<semaphore_mem>>
      tpu.wait_indirect_dma semaphore(%dma_wait3A_868 : memref<!tpu.dma_semaphore, #tpu.memory_space<semaphore_mem>>) src(%dma_wait3A_866 : memref<20096x64xf32, #tpu.memory_space<vmem_shared>>) dst(%dma_wait3A_860 : memref<64x64xf32, #tpu.memory_space<vmem>>)
      %dma_start3A_869 = arith.constant 1 : i32
      %dma_start3A_870 = arith.constant 1 : i32
      %dma_start3A_871 = arith.constant 1 : i32
      %dma_start3A_872 = arith.constant 1 : i32
      %dma_start3A_873 = arith.constant 0 : i32
      %dma_start3A_874 = arith.constant 0 : i32
      %dma_start3A_875 = tpu.memref_slice %arg9[%dma_start3A_869, %dma_start3A_873, %dma_start3A_874] : memref<2x64x64xf32, #tpu.memory_space<vmem>> -> memref<1x64x64xf32, #tpu.memory_space<vmem>>
      %dma_start3A_876 = tpu.memref_squeeze %dma_start3A_875 : memref<1x64x64xf32, #tpu.memory_space<vmem>> -> memref<64x64xf32, #tpu.memory_space<vmem>>
      %dma_start3A_877 = arith.constant 0 : i32
      %dma_start3A_878 = tpu.memref_slice %arg8[%dma_start3A_870, %dma_start3A_871, %dma_start3A_877] : memref<2x4x64xi32, #tpu.memory_space<vmem>> -> memref<1x1x64xi32, #tpu.memory_space<vmem>>
      %dma_start3A_879 = tpu.memref_squeeze %dma_start3A_878 : memref<1x1x64xi32, #tpu.memory_space<vmem>> -> memref<64xi32, #tpu.memory_space<vmem>>
      %dma_start3A_880 = arith.constant 0 : i32
      %dma_start3A_881 = arith.constant 0 : i32
      %dma_start3A_882 = tpu.memref_slice %arg11[%dma_start3A_880, %dma_start3A_881] : memref<10112x64xf32, #tpu.memory_space<vmem_shared>> -> memref<10112x64xf32, #tpu.memory_space<vmem_shared>>
      %dma_start3A_883 = tpu.memref_slice %arg13[%dma_start3A_872] : memref<2x!tpu.dma_semaphore, #tpu.memory_space<semaphore_mem>> -> memref<1x!tpu.dma_semaphore, #tpu.memory_space<semaphore_mem>>
      %dma_start3A_884 = tpu.memref_squeeze %dma_start3A_883 : memref<1x!tpu.dma_semaphore, #tpu.memory_space<semaphore_mem>> -> memref<!tpu.dma_semaphore, #tpu.memory_space<semaphore_mem>>
      tpu.enqueue_indirect_dma source(%dma_start3A_876 : memref<64x64xf32, #tpu.memory_space<vmem>>) target(%dma_start3A_882 : memref<10112x64xf32, #tpu.memory_space<vmem_shared>>) offsets(%dma_start3A_879 : memref<64xi32, #tpu.memory_space<vmem>>) semaphore(%dma_start3A_884 : memref<!tpu.dma_semaphore, #tpu.memory_space<semaphore_mem>>) {add = true}
      %add3A_885 = arith.constant 0 : i32
      %add3A_886 = arith.addi %add3A_695, %add3A_885 : i32
      %add3A_887 = arith.constant 2 : i32
      %add3A_888 = arith.addi %add3A_886, %add3A_887 : i32
      %sub3A_889 = arith.constant 1 : i32
      %sub3A_890 = arith.subi %add3A_888, %sub3A_889 : i32
      %dma_wait3A_891 = arith.constant 1 : i32
      %dma_wait3A_892 = arith.constant 1 : i32
      %dma_wait3A_893 = arith.constant 1 : i32
      %dma_wait3A_894 = arith.constant 1 : i32
      %dma_wait3A_895 = arith.constant 0 : i32
      %dma_wait3A_896 = arith.constant 0 : i32
      %dma_wait3A_897 = tpu.memref_slice %arg9[%dma_wait3A_891, %dma_wait3A_895, %dma_wait3A_896] : memref<2x64x64xf32, #tpu.memory_space<vmem>> -> memref<1x64x64xf32, #tpu.memory_space<vmem>>
      %dma_wait3A_898 = tpu.memref_squeeze %dma_wait3A_897 : memref<1x64x64xf32, #tpu.memory_space<vmem>> -> memref<64x64xf32, #tpu.memory_space<vmem>>
      %dma_wait3A_899 = arith.constant 0 : i32
      %dma_wait3A_900 = tpu.memref_slice %arg8[%dma_wait3A_892, %dma_wait3A_893, %dma_wait3A_899] : memref<2x4x64xi32, #tpu.memory_space<vmem>> -> memref<1x1x64xi32, #tpu.memory_space<vmem>>
      %dma_wait3A_901 = tpu.memref_squeeze %dma_wait3A_900 : memref<1x1x64xi32, #tpu.memory_space<vmem>> -> memref<64xi32, #tpu.memory_space<vmem>>
      %dma_wait3A_902 = arith.constant 0 : i32
      %dma_wait3A_903 = arith.constant 0 : i32
      %dma_wait3A_904 = tpu.memref_slice %arg11[%dma_wait3A_902, %dma_wait3A_903] : memref<10112x64xf32, #tpu.memory_space<vmem_shared>> -> memref<10112x64xf32, #tpu.memory_space<vmem_shared>>
      %dma_wait3A_905 = tpu.memref_slice %arg13[%dma_wait3A_894] : memref<2x!tpu.dma_semaphore, #tpu.memory_space<semaphore_mem>> -> memref<1x!tpu.dma_semaphore, #tpu.memory_space<semaphore_mem>>
      %dma_wait3A_906 = tpu.memref_squeeze %dma_wait3A_905 : memref<1x!tpu.dma_semaphore, #tpu.memory_space<semaphore_mem>> -> memref<!tpu.dma_semaphore, #tpu.memory_space<semaphore_mem>>
      tpu.wait_indirect_dma semaphore(%dma_wait3A_906 : memref<!tpu.dma_semaphore, #tpu.memory_space<semaphore_mem>>) src(%dma_wait3A_898 : memref<64x64xf32, #tpu.memory_space<vmem>>) dst(%dma_wait3A_904 : memref<10112x64xf32, #tpu.memory_space<vmem_shared>>)
      %add3A_907 = arith.constant 1 : i32
      %add3A_908 = arith.addi %add3A_888, %add3A_907 : i32
      %dma_start3A_909 = arith.constant 1 : i32
      %dma_start3A_910 = arith.constant 3 : i32
      %dma_start3A_911 = arith.constant 1 : i32
      %dma_start3A_912 = arith.constant 1 : i32
      %dma_start3A_913 = arith.constant 0 : i32
      %dma_start3A_914 = arith.constant 0 : i32
      %dma_start3A_915 = tpu.memref_slice %arg9[%dma_start3A_911, %dma_start3A_913, %dma_start3A_914] : memref<2x64x64xf32, #tpu.memory_space<vmem>> -> memref<1x64x64xf32, #tpu.memory_space<vmem>>
      %dma_start3A_916 = tpu.memref_squeeze %dma_start3A_915 : memref<1x64x64xf32, #tpu.memory_space<vmem>> -> memref<64x64xf32, #tpu.memory_space<vmem>>
      %dma_start3A_917 = arith.constant 0 : i32
      %dma_start3A_918 = tpu.memref_slice %arg7[%dma_start3A_909, %dma_start3A_910, %dma_start3A_917] : memref<2x4x64xi32, #tpu.memory_space<vmem>> -> memref<1x1x64xi32, #tpu.memory_space<vmem>>
      %dma_start3A_919 = tpu.memref_squeeze %dma_start3A_918 : memref<1x1x64xi32, #tpu.memory_space<vmem>> -> memref<64xi32, #tpu.memory_space<vmem>>
      %dma_start3A_920 = arith.constant 0 : i32
      %dma_start3A_921 = arith.constant 0 : i32
      %dma_start3A_922 = tpu.memref_slice %arg10[%dma_start3A_920, %dma_start3A_921] : memref<20096x64xf32, #tpu.memory_space<vmem_shared>> -> memref<20096x64xf32, #tpu.memory_space<vmem_shared>>
      %dma_start3A_923 = tpu.memref_slice %arg12[%dma_start3A_912] : memref<2x!tpu.dma_semaphore, #tpu.memory_space<semaphore_mem>> -> memref<1x!tpu.dma_semaphore, #tpu.memory_space<semaphore_mem>>
      %dma_start3A_924 = tpu.memref_squeeze %dma_start3A_923 : memref<1x!tpu.dma_semaphore, #tpu.memory_space<semaphore_mem>> -> memref<!tpu.dma_semaphore, #tpu.memory_space<semaphore_mem>>
      tpu.enqueue_indirect_dma source(%dma_start3A_922 : memref<20096x64xf32, #tpu.memory_space<vmem_shared>>) target(%dma_start3A_916 : memref<64x64xf32, #tpu.memory_space<vmem>>) offsets(%dma_start3A_919 : memref<64xi32, #tpu.memory_space<vmem>>) semaphore(%dma_start3A_924 : memref<!tpu.dma_semaphore, #tpu.memory_space<semaphore_mem>>)
      %dma_wait3A_925 = arith.constant 1 : i32
      %dma_wait3A_926 = arith.constant 2 : i32
      %dma_wait3A_927 = arith.constant 0 : i32
      %dma_wait3A_928 = arith.constant 0 : i32
      %dma_wait3A_929 = arith.constant 0 : i32
      %dma_wait3A_930 = arith.constant 0 : i32
      %dma_wait3A_931 = tpu.memref_slice %arg9[%dma_wait3A_927, %dma_wait3A_929, %dma_wait3A_930] : memref<2x64x64xf32, #tpu.memory_space<vmem>> -> memref<1x64x64xf32, #tpu.memory_space<vmem>>
      %dma_wait3A_932 = tpu.memref_squeeze %dma_wait3A_931 : memref<1x64x64xf32, #tpu.memory_space<vmem>> -> memref<64x64xf32, #tpu.memory_space<vmem>>
      %dma_wait3A_933 = arith.constant 0 : i32
      %dma_wait3A_934 = tpu.memref_slice %arg7[%dma_wait3A_925, %dma_wait3A_926, %dma_wait3A_933] : memref<2x4x64xi32, #tpu.memory_space<vmem>> -> memref<1x1x64xi32, #tpu.memory_space<vmem>>
      %dma_wait3A_935 = tpu.memref_squeeze %dma_wait3A_934 : memref<1x1x64xi32, #tpu.memory_space<vmem>> -> memref<64xi32, #tpu.memory_space<vmem>>
      %dma_wait3A_936 = arith.constant 0 : i32
      %dma_wait3A_937 = arith.constant 0 : i32
      %dma_wait3A_938 = tpu.memref_slice %arg10[%dma_wait3A_936, %dma_wait3A_937] : memref<20096x64xf32, #tpu.memory_space<vmem_shared>> -> memref<20096x64xf32, #tpu.memory_space<vmem_shared>>
      %dma_wait3A_939 = tpu.memref_slice %arg12[%dma_wait3A_928] : memref<2x!tpu.dma_semaphore, #tpu.memory_space<semaphore_mem>> -> memref<1x!tpu.dma_semaphore, #tpu.memory_space<semaphore_mem>>
      %dma_wait3A_940 = tpu.memref_squeeze %dma_wait3A_939 : memref<1x!tpu.dma_semaphore, #tpu.memory_space<semaphore_mem>> -> memref<!tpu.dma_semaphore, #tpu.memory_space<semaphore_mem>>
      tpu.wait_indirect_dma semaphore(%dma_wait3A_940 : memref<!tpu.dma_semaphore, #tpu.memory_space<semaphore_mem>>) src(%dma_wait3A_938 : memref<20096x64xf32, #tpu.memory_space<vmem_shared>>) dst(%dma_wait3A_932 : memref<64x64xf32, #tpu.memory_space<vmem>>)
      %dma_start3A_941 = arith.constant 0 : i32
      %dma_start3A_942 = arith.constant 1 : i32
      %dma_start3A_943 = arith.constant 2 : i32
      %dma_start3A_944 = arith.constant 0 : i32
      %dma_start3A_945 = arith.constant 0 : i32
      %dma_start3A_946 = arith.constant 0 : i32
      %dma_start3A_947 = tpu.memref_slice %arg9[%dma_start3A_941, %dma_start3A_945, %dma_start3A_946] : memref<2x64x64xf32, #tpu.memory_space<vmem>> -> memref<1x64x64xf32, #tpu.memory_space<vmem>>
      %dma_start3A_948 = tpu.memref_squeeze %dma_start3A_947 : memref<1x64x64xf32, #tpu.memory_space<vmem>> -> memref<64x64xf32, #tpu.memory_space<vmem>>
      %dma_start3A_949 = arith.constant 0 : i32
      %dma_start3A_950 = tpu.memref_slice %arg8[%dma_start3A_942, %dma_start3A_943, %dma_start3A_949] : memref<2x4x64xi32, #tpu.memory_space<vmem>> -> memref<1x1x64xi32, #tpu.memory_space<vmem>>
      %dma_start3A_951 = tpu.memref_squeeze %dma_start3A_950 : memref<1x1x64xi32, #tpu.memory_space<vmem>> -> memref<64xi32, #tpu.memory_space<vmem>>
      %dma_start3A_952 = arith.constant 0 : i32
      %dma_start3A_953 = arith.constant 0 : i32
      %dma_start3A_954 = tpu.memref_slice %arg11[%dma_start3A_952, %dma_start3A_953] : memref<10112x64xf32, #tpu.memory_space<vmem_shared>> -> memref<10112x64xf32, #tpu.memory_space<vmem_shared>>
      %dma_start3A_955 = tpu.memref_slice %arg13[%dma_start3A_944] : memref<2x!tpu.dma_semaphore, #tpu.memory_space<semaphore_mem>> -> memref<1x!tpu.dma_semaphore, #tpu.memory_space<semaphore_mem>>
      %dma_start3A_956 = tpu.memref_squeeze %dma_start3A_955 : memref<1x!tpu.dma_semaphore, #tpu.memory_space<semaphore_mem>> -> memref<!tpu.dma_semaphore, #tpu.memory_space<semaphore_mem>>
      tpu.enqueue_indirect_dma source(%dma_start3A_948 : memref<64x64xf32, #tpu.memory_space<vmem>>) target(%dma_start3A_954 : memref<10112x64xf32, #tpu.memory_space<vmem_shared>>) offsets(%dma_start3A_951 : memref<64xi32, #tpu.memory_space<vmem>>) semaphore(%dma_start3A_956 : memref<!tpu.dma_semaphore, #tpu.memory_space<semaphore_mem>>) {add = true}
      %add3A_957 = arith.constant 0 : i32
      %add3A_958 = arith.addi %add3A_695, %add3A_957 : i32
      %add3A_959 = arith.constant 3 : i32
      %add3A_960 = arith.addi %add3A_958, %add3A_959 : i32
      %add3A_961 = arith.constant 1 : i32
      %add3A_962 = arith.addi %add3A_701, %add3A_961 : i32
      %sub3A_963 = arith.constant 1 : i32
      %sub3A_964 = arith.subi %add3A_960, %sub3A_963 : i32
      %dma_wait3A_965 = arith.constant 0 : i32
      %dma_wait3A_966 = arith.constant 1 : i32
      %dma_wait3A_967 = arith.constant 2 : i32
      %dma_wait3A_968 = arith.constant 0 : i32
      %dma_wait3A_969 = arith.constant 0 : i32
      %dma_wait3A_970 = arith.constant 0 : i32
      %dma_wait3A_971 = tpu.memref_slice %arg9[%dma_wait3A_965, %dma_wait3A_969, %dma_wait3A_970] : memref<2x64x64xf32, #tpu.memory_space<vmem>> -> memref<1x64x64xf32, #tpu.memory_space<vmem>>
      %dma_wait3A_972 = tpu.memref_squeeze %dma_wait3A_971 : memref<1x64x64xf32, #tpu.memory_space<vmem>> -> memref<64x64xf32, #tpu.memory_space<vmem>>
      %dma_wait3A_973 = arith.constant 0 : i32
      %dma_wait3A_974 = tpu.memref_slice %arg8[%dma_wait3A_966, %dma_wait3A_967, %dma_wait3A_973] : memref<2x4x64xi32, #tpu.memory_space<vmem>> -> memref<1x1x64xi32, #tpu.memory_space<vmem>>
      %dma_wait3A_975 = tpu.memref_squeeze %dma_wait3A_974 : memref<1x1x64xi32, #tpu.memory_space<vmem>> -> memref<64xi32, #tpu.memory_space<vmem>>
      %dma_wait3A_976 = arith.constant 0 : i32
      %dma_wait3A_977 = arith.constant 0 : i32
      %dma_wait3A_978 = tpu.memref_slice %arg11[%dma_wait3A_976, %dma_wait3A_977] : memref<10112x64xf32, #tpu.memory_space<vmem_shared>> -> memref<10112x64xf32, #tpu.memory_space<vmem_shared>>
      %dma_wait3A_979 = tpu.memref_slice %arg13[%dma_wait3A_968] : memref<2x!tpu.dma_semaphore, #tpu.memory_space<semaphore_mem>> -> memref<1x!tpu.dma_semaphore, #tpu.memory_space<semaphore_mem>>
      %dma_wait3A_980 = tpu.memref_squeeze %dma_wait3A_979 : memref<1x!tpu.dma_semaphore, #tpu.memory_space<semaphore_mem>> -> memref<!tpu.dma_semaphore, #tpu.memory_space<semaphore_mem>>
      tpu.wait_indirect_dma semaphore(%dma_wait3A_980 : memref<!tpu.dma_semaphore, #tpu.memory_space<semaphore_mem>>) src(%dma_wait3A_972 : memref<64x64xf32, #tpu.memory_space<vmem>>) dst(%dma_wait3A_978 : memref<10112x64xf32, #tpu.memory_space<vmem_shared>>)
      %mul3A_981 = arith.constant 4 : i32
      %mul3A_982 = arith.muli %add3A_962, %mul3A_981 : i32
      %add3A_983 = arith.addi %mul3A_2, %mul3A_982 : i32
      %dma_wait3A_984 = arith.constant 0 : i32
      %dma_wait3A_985 = arith.constant 0 : i32
      %dma_wait3A_986 = arith.constant 0 : i32
      %dma_wait3A_987 = arith.constant 0 : i32
      %dma_wait3A_988 = tpu.memref_slice %arg7[%dma_wait3A_984, %dma_wait3A_986, %dma_wait3A_987] : memref<2x4x64xi32, #tpu.memory_space<vmem>> -> memref<1x4x64xi32, #tpu.memory_space<vmem>>
      %dma_wait3A_989 = tpu.memref_squeeze %dma_wait3A_988 : memref<1x4x64xi32, #tpu.memory_space<vmem>> -> memref<4x64xi32, #tpu.memory_space<vmem>>
      %dma_wait3A_990 = arith.constant 0 : i32
      %dma_wait3A_991 = tpu.memref_slice %arg2[%add3A_983, %dma_wait3A_990] : memref<5120x64xi32, #tpu.memory_space<hbm>> -> memref<4x64xi32, #tpu.memory_space<hbm>>
      %dma_wait3A_992 = tpu.memref_slice %arg14[%dma_wait3A_985] : memref<2x!tpu.dma_semaphore, #tpu.memory_space<semaphore_mem>> -> memref<1x!tpu.dma_semaphore, #tpu.memory_space<semaphore_mem>>
      %dma_wait3A_993 = tpu.memref_squeeze %dma_wait3A_992 : memref<1x!tpu.dma_semaphore, #tpu.memory_space<semaphore_mem>> -> memref<!tpu.dma_semaphore, #tpu.memory_space<semaphore_mem>>
      %dma_wait3A_994 = arith.constant 0 : i32
      %dma_wait3A_995 = arith.constant 0 : i32
      %dma_wait3A_996 = tpu.memref_slice %arg7[%dma_wait3A_984, %dma_wait3A_994, %dma_wait3A_995] : memref<2x4x64xi32, #tpu.memory_space<vmem>> -> memref<1x4x64xi32, #tpu.memory_space<vmem>>
      %dma_wait3A_997 = tpu.memref_squeeze %dma_wait3A_996 : memref<1x4x64xi32, #tpu.memory_space<vmem>> -> memref<4x64xi32, #tpu.memory_space<vmem>>
      %dma_wait3A_998 = arith.constant 0 : i32
      %dma_wait3A_999 = tpu.memref_slice %arg2[%add3A_983, %dma_wait3A_998] : memref<5120x64xi32, #tpu.memory_space<hbm>> -> memref<4x64xi32, #tpu.memory_space<hbm>>
      tpu.wait_dma2 semaphore(%dma_wait3A_993 : memref<!tpu.dma_semaphore, #tpu.memory_space<semaphore_mem>>) src(%dma_wait3A_999 : memref<4x64xi32, #tpu.memory_space<hbm>>) dst(%dma_wait3A_997 : memref<4x64xi32, #tpu.memory_space<vmem>>)
      %mul3A_1000 = arith.constant 4 : i32
      %mul3A_1001 = arith.muli %add3A_962, %mul3A_1000 : i32
      %add3A_1002 = arith.addi %mul3A_2, %mul3A_1001 : i32
      %dma_wait3A_1003 = arith.constant 0 : i32
      %dma_wait3A_1004 = arith.constant 0 : i32
      %dma_wait3A_1005 = arith.constant 0 : i32
      %dma_wait3A_1006 = arith.constant 0 : i32
      %dma_wait3A_1007 = tpu.memref_slice %arg8[%dma_wait3A_1003, %dma_wait3A_1005, %dma_wait3A_1006] : memref<2x4x64xi32, #tpu.memory_space<vmem>> -> memref<1x4x64xi32, #tpu.memory_space<vmem>>
      %dma_wait3A_1008 = tpu.memref_squeeze %dma_wait3A_1007 : memref<1x4x64xi32, #tpu.memory_space<vmem>> -> memref<4x64xi32, #tpu.memory_space<vmem>>
      %dma_wait3A_1009 = arith.constant 0 : i32
      %dma_wait3A_1010 = tpu.memref_slice %arg3[%add3A_1002, %dma_wait3A_1009] : memref<5120x64xi32, #tpu.memory_space<hbm>> -> memref<4x64xi32, #tpu.memory_space<hbm>>
      %dma_wait3A_1011 = tpu.memref_slice %arg14[%dma_wait3A_1004] : memref<2x!tpu.dma_semaphore, #tpu.memory_space<semaphore_mem>> -> memref<1x!tpu.dma_semaphore, #tpu.memory_space<semaphore_mem>>
      %dma_wait3A_1012 = tpu.memref_squeeze %dma_wait3A_1011 : memref<1x!tpu.dma_semaphore, #tpu.memory_space<semaphore_mem>> -> memref<!tpu.dma_semaphore, #tpu.memory_space<semaphore_mem>>
      %dma_wait3A_1013 = arith.constant 0 : i32
      %dma_wait3A_1014 = arith.constant 0 : i32
      %dma_wait3A_1015 = tpu.memref_slice %arg8[%dma_wait3A_1003, %dma_wait3A_1013, %dma_wait3A_1014] : memref<2x4x64xi32, #tpu.memory_space<vmem>> -> memref<1x4x64xi32, #tpu.memory_space<vmem>>
      %dma_wait3A_1016 = tpu.memref_squeeze %dma_wait3A_1015 : memref<1x4x64xi32, #tpu.memory_space<vmem>> -> memref<4x64xi32, #tpu.memory_space<vmem>>
      %dma_wait3A_1017 = arith.constant 0 : i32
      %dma_wait3A_1018 = tpu.memref_slice %arg3[%add3A_1002, %dma_wait3A_1017] : memref<5120x64xi32, #tpu.memory_space<hbm>> -> memref<4x64xi32, #tpu.memory_space<hbm>>
      tpu.wait_dma2 semaphore(%dma_wait3A_1012 : memref<!tpu.dma_semaphore, #tpu.memory_space<semaphore_mem>>) src(%dma_wait3A_1018 : memref<4x64xi32, #tpu.memory_space<hbm>>) dst(%dma_wait3A_1016 : memref<4x64xi32, #tpu.memory_space<vmem>>)
      %add3A_1019 = arith.constant 1 : i32
      %add3A_1020 = arith.addi %add3A_960, %add3A_1019 : i32
      %dma_start3A_1021 = arith.constant 0 : i32
      %dma_start3A_1022 = arith.constant 0 : i32
      %dma_start3A_1023 = arith.constant 0 : i32
      %dma_start3A_1024 = arith.constant 0 : i32
      %dma_start3A_1025 = arith.constant 0 : i32
      %dma_start3A_1026 = arith.constant 0 : i32
      %dma_start3A_1027 = tpu.memref_slice %arg9[%dma_start3A_1023, %dma_start3A_1025, %dma_start3A_1026] : memref<2x64x64xf32, #tpu.memory_space<vmem>> -> memref<1x64x64xf32, #tpu.memory_space<vmem>>
      %dma_start3A_1028 = tpu.memref_squeeze %dma_start3A_1027 : memref<1x64x64xf32, #tpu.memory_space<vmem>> -> memref<64x64xf32, #tpu.memory_space<vmem>>
      %dma_start3A_1029 = arith.constant 0 : i32
      %dma_start3A_1030 = tpu.memref_slice %arg7[%dma_start3A_1021, %dma_start3A_1022, %dma_start3A_1029] : memref<2x4x64xi32, #tpu.memory_space<vmem>> -> memref<1x1x64xi32, #tpu.memory_space<vmem>>
      %dma_start3A_1031 = tpu.memref_squeeze %dma_start3A_1030 : memref<1x1x64xi32, #tpu.memory_space<vmem>> -> memref<64xi32, #tpu.memory_space<vmem>>
      %dma_start3A_1032 = arith.constant 0 : i32
      %dma_start3A_1033 = arith.constant 0 : i32
      %dma_start3A_1034 = tpu.memref_slice %arg10[%dma_start3A_1032, %dma_start3A_1033] : memref<20096x64xf32, #tpu.memory_space<vmem_shared>> -> memref<20096x64xf32, #tpu.memory_space<vmem_shared>>
      %dma_start3A_1035 = tpu.memref_slice %arg12[%dma_start3A_1024] : memref<2x!tpu.dma_semaphore, #tpu.memory_space<semaphore_mem>> -> memref<1x!tpu.dma_semaphore, #tpu.memory_space<semaphore_mem>>
      %dma_start3A_1036 = tpu.memref_squeeze %dma_start3A_1035 : memref<1x!tpu.dma_semaphore, #tpu.memory_space<semaphore_mem>> -> memref<!tpu.dma_semaphore, #tpu.memory_space<semaphore_mem>>
      tpu.enqueue_indirect_dma source(%dma_start3A_1034 : memref<20096x64xf32, #tpu.memory_space<vmem_shared>>) target(%dma_start3A_1028 : memref<64x64xf32, #tpu.memory_space<vmem>>) offsets(%dma_start3A_1031 : memref<64xi32, #tpu.memory_space<vmem>>) semaphore(%dma_start3A_1036 : memref<!tpu.dma_semaphore, #tpu.memory_space<semaphore_mem>>)
      %dma_wait3A_1037 = arith.constant 1 : i32
      %dma_wait3A_1038 = arith.constant 3 : i32
      %dma_wait3A_1039 = arith.constant 1 : i32
      %dma_wait3A_1040 = arith.constant 1 : i32
      %dma_wait3A_1041 = arith.constant 0 : i32
      %dma_wait3A_1042 = arith.constant 0 : i32
      %dma_wait3A_1043 = tpu.memref_slice %arg9[%dma_wait3A_1039, %dma_wait3A_1041, %dma_wait3A_1042] : memref<2x64x64xf32, #tpu.memory_space<vmem>> -> memref<1x64x64xf32, #tpu.memory_space<vmem>>
      %dma_wait3A_1044 = tpu.memref_squeeze %dma_wait3A_1043 : memref<1x64x64xf32, #tpu.memory_space<vmem>> -> memref<64x64xf32, #tpu.memory_space<vmem>>
      %dma_wait3A_1045 = arith.constant 0 : i32
      %dma_wait3A_1046 = tpu.memref_slice %arg7[%dma_wait3A_1037, %dma_wait3A_1038, %dma_wait3A_1045] : memref<2x4x64xi32, #tpu.memory_space<vmem>> -> memref<1x1x64xi32, #tpu.memory_space<vmem>>
      %dma_wait3A_1047 = tpu.memref_squeeze %dma_wait3A_1046 : memref<1x1x64xi32, #tpu.memory_space<vmem>> -> memref<64xi32, #tpu.memory_space<vmem>>
      %dma_wait3A_1048 = arith.constant 0 : i32
      %dma_wait3A_1049 = arith.constant 0 : i32
      %dma_wait3A_1050 = tpu.memref_slice %arg10[%dma_wait3A_1048, %dma_wait3A_1049] : memref<20096x64xf32, #tpu.memory_space<vmem_shared>> -> memref<20096x64xf32, #tpu.memory_space<vmem_shared>>
      %dma_wait3A_1051 = tpu.memref_slice %arg12[%dma_wait3A_1040] : memref<2x!tpu.dma_semaphore, #tpu.memory_space<semaphore_mem>> -> memref<1x!tpu.dma_semaphore, #tpu.memory_space<semaphore_mem>>
      %dma_wait3A_1052 = tpu.memref_squeeze %dma_wait3A_1051 : memref<1x!tpu.dma_semaphore, #tpu.memory_space<semaphore_mem>> -> memref<!tpu.dma_semaphore, #tpu.memory_space<semaphore_mem>>
      tpu.wait_indirect_dma semaphore(%dma_wait3A_1052 : memref<!tpu.dma_semaphore, #tpu.memory_space<semaphore_mem>>) src(%dma_wait3A_1050 : memref<20096x64xf32, #tpu.memory_space<vmem_shared>>) dst(%dma_wait3A_1044 : memref<64x64xf32, #tpu.memory_space<vmem>>)
      %dma_start3A_1053 = arith.constant 1 : i32
      %dma_start3A_1054 = arith.constant 1 : i32
      %dma_start3A_1055 = arith.constant 3 : i32
      %dma_start3A_1056 = arith.constant 1 : i32
      %dma_start3A_1057 = arith.constant 0 : i32
      %dma_start3A_1058 = arith.constant 0 : i32
      %dma_start3A_1059 = tpu.memref_slice %arg9[%dma_start3A_1053, %dma_start3A_1057, %dma_start3A_1058] : memref<2x64x64xf32, #tpu.memory_space<vmem>> -> memref<1x64x64xf32, #tpu.memory_space<vmem>>
      %dma_start3A_1060 = tpu.memref_squeeze %dma_start3A_1059 : memref<1x64x64xf32, #tpu.memory_space<vmem>> -> memref<64x64xf32, #tpu.memory_space<vmem>>
      %dma_start3A_1061 = arith.constant 0 : i32
      %dma_start3A_1062 = tpu.memref_slice %arg8[%dma_start3A_1054, %dma_start3A_1055, %dma_start3A_1061] : memref<2x4x64xi32, #tpu.memory_space<vmem>> -> memref<1x1x64xi32, #tpu.memory_space<vmem>>
      %dma_start3A_1063 = tpu.memref_squeeze %dma_start3A_1062 : memref<1x1x64xi32, #tpu.memory_space<vmem>> -> memref<64xi32, #tpu.memory_space<vmem>>
      %dma_start3A_1064 = arith.constant 0 : i32
      %dma_start3A_1065 = arith.constant 0 : i32
      %dma_start3A_1066 = tpu.memref_slice %arg11[%dma_start3A_1064, %dma_start3A_1065] : memref<10112x64xf32, #tpu.memory_space<vmem_shared>> -> memref<10112x64xf32, #tpu.memory_space<vmem_shared>>
      %dma_start3A_1067 = tpu.memref_slice %arg13[%dma_start3A_1056] : memref<2x!tpu.dma_semaphore, #tpu.memory_space<semaphore_mem>> -> memref<1x!tpu.dma_semaphore, #tpu.memory_space<semaphore_mem>>
      %dma_start3A_1068 = tpu.memref_squeeze %dma_start3A_1067 : memref<1x!tpu.dma_semaphore, #tpu.memory_space<semaphore_mem>> -> memref<!tpu.dma_semaphore, #tpu.memory_space<semaphore_mem>>
      tpu.enqueue_indirect_dma source(%dma_start3A_1060 : memref<64x64xf32, #tpu.memory_space<vmem>>) target(%dma_start3A_1066 : memref<10112x64xf32, #tpu.memory_space<vmem_shared>>) offsets(%dma_start3A_1063 : memref<64xi32, #tpu.memory_space<vmem>>) semaphore(%dma_start3A_1068 : memref<!tpu.dma_semaphore, #tpu.memory_space<semaphore_mem>>) {add = true}
      %mul3A_1069 = arith.constant 2 : i32
      %mul3A_1070 = arith.muli %mul3A_1069, %scan3A_691 : i32
      %add3A_1071 = arith.constant 1 : i32
      %add3A_1072 = arith.addi %mul3A_1070, %add3A_1071 : i32
      %add3A_1073 = arith.constant 1 : i32
      %add3A_1074 = arith.addi %add3A_1072, %add3A_1073 : i32
      %add3A_1075 = arith.constant 4 : i32
      %add3A_1076 = arith.addi %add3A_695, %add3A_1075 : i32
      %add3A_1077 = arith.constant 0 : i32
      %add3A_1078 = arith.addi %add3A_1076, %add3A_1077 : i32
      %add3A_1079 = arith.constant 1 : i32
      %add3A_1080 = arith.addi %add3A_1074, %add3A_1079 : i32
      %sub3A_1081 = arith.constant 1 : i32
      %sub3A_1082 = arith.subi %add3A_1078, %sub3A_1081 : i32
      %dma_wait3A_1083 = arith.constant 1 : i32
      %dma_wait3A_1084 = arith.constant 1 : i32
      %dma_wait3A_1085 = arith.constant 3 : i32
      %dma_wait3A_1086 = arith.constant 1 : i32
      %dma_wait3A_1087 = arith.constant 0 : i32
      %dma_wait3A_1088 = arith.constant 0 : i32
      %dma_wait3A_1089 = tpu.memref_slice %arg9[%dma_wait3A_1083, %dma_wait3A_1087, %dma_wait3A_1088] : memref<2x64x64xf32, #tpu.memory_space<vmem>> -> memref<1x64x64xf32, #tpu.memory_space<vmem>>
      %dma_wait3A_1090 = tpu.memref_squeeze %dma_wait3A_1089 : memref<1x64x64xf32, #tpu.memory_space<vmem>> -> memref<64x64xf32, #tpu.memory_space<vmem>>
      %dma_wait3A_1091 = arith.constant 0 : i32
      %dma_wait3A_1092 = tpu.memref_slice %arg8[%dma_wait3A_1084, %dma_wait3A_1085, %dma_wait3A_1091] : memref<2x4x64xi32, #tpu.memory_space<vmem>> -> memref<1x1x64xi32, #tpu.memory_space<vmem>>
      %dma_wait3A_1093 = tpu.memref_squeeze %dma_wait3A_1092 : memref<1x1x64xi32, #tpu.memory_space<vmem>> -> memref<64xi32, #tpu.memory_space<vmem>>
      %dma_wait3A_1094 = arith.constant 0 : i32
      %dma_wait3A_1095 = arith.constant 0 : i32
      %dma_wait3A_1096 = tpu.memref_slice %arg11[%dma_wait3A_1094, %dma_wait3A_1095] : memref<10112x64xf32, #tpu.memory_space<vmem_shared>> -> memref<10112x64xf32, #tpu.memory_space<vmem_shared>>
      %dma_wait3A_1097 = tpu.memref_slice %arg13[%dma_wait3A_1086] : memref<2x!tpu.dma_semaphore, #tpu.memory_space<semaphore_mem>> -> memref<1x!tpu.dma_semaphore, #tpu.memory_space<semaphore_mem>>
      %dma_wait3A_1098 = tpu.memref_squeeze %dma_wait3A_1097 : memref<1x!tpu.dma_semaphore, #tpu.memory_space<semaphore_mem>> -> memref<!tpu.dma_semaphore, #tpu.memory_space<semaphore_mem>>
      tpu.wait_indirect_dma semaphore(%dma_wait3A_1098 : memref<!tpu.dma_semaphore, #tpu.memory_space<semaphore_mem>>) src(%dma_wait3A_1090 : memref<64x64xf32, #tpu.memory_space<vmem>>) dst(%dma_wait3A_1096 : memref<10112x64xf32, #tpu.memory_space<vmem_shared>>)
      %mul3A_1099 = arith.constant 4 : i32
      %mul3A_1100 = arith.muli %add3A_1080, %mul3A_1099 : i32
      %add3A_1101 = arith.addi %mul3A_2, %mul3A_1100 : i32
      %dma_start3A_1102 = arith.constant 1 : i32
      %dma_start3A_1103 = arith.constant 1 : i32
      %dma_start3A_1104 = arith.constant 0 : i32
      %dma_start3A_1105 = arith.constant 0 : i32
      %dma_start3A_1106 = tpu.memref_slice %arg7[%dma_start3A_1102, %dma_start3A_1104, %dma_start3A_1105] : memref<2x4x64xi32, #tpu.memory_space<vmem>> -> memref<1x4x64xi32, #tpu.memory_space<vmem>>
      %dma_start3A_1107 = tpu.memref_squeeze %dma_start3A_1106 : memref<1x4x64xi32, #tpu.memory_space<vmem>> -> memref<4x64xi32, #tpu.memory_space<vmem>>
      %dma_start3A_1108 = arith.constant 0 : i32
      %dma_start3A_1109 = tpu.memref_slice %arg2[%add3A_1101, %dma_start3A_1108] : memref<5120x64xi32, #tpu.memory_space<hbm>> -> memref<4x64xi32, #tpu.memory_space<hbm>>
      %dma_start3A_1110 = tpu.memref_slice %arg14[%dma_start3A_1103] : memref<2x!tpu.dma_semaphore, #tpu.memory_space<semaphore_mem>> -> memref<1x!tpu.dma_semaphore, #tpu.memory_space<semaphore_mem>>
      %dma_start3A_1111 = tpu.memref_squeeze %dma_start3A_1110 : memref<1x!tpu.dma_semaphore, #tpu.memory_space<semaphore_mem>> -> memref<!tpu.dma_semaphore, #tpu.memory_space<semaphore_mem>>
      %dma_start3A_1112 = arith.constant 0 : i32
      %dma_start3A_1113 = arith.constant 0 : i32
      %dma_start3A_1114 = tpu.memref_slice %arg7[%dma_start3A_1102, %dma_start3A_1112, %dma_start3A_1113] : memref<2x4x64xi32, #tpu.memory_space<vmem>> -> memref<1x4x64xi32, #tpu.memory_space<vmem>>
      %dma_start3A_1115 = tpu.memref_squeeze %dma_start3A_1114 : memref<1x4x64xi32, #tpu.memory_space<vmem>> -> memref<4x64xi32, #tpu.memory_space<vmem>>
      %dma_start3A_1116 = arith.constant 0 : i32
      %dma_start3A_1117 = tpu.memref_slice %arg2[%add3A_1101, %dma_start3A_1116] : memref<5120x64xi32, #tpu.memory_space<hbm>> -> memref<4x64xi32, #tpu.memory_space<hbm>>
      tpu.enqueue_dma source(%dma_start3A_1117 : memref<4x64xi32, #tpu.memory_space<hbm>>) target(%dma_start3A_1115 : memref<4x64xi32, #tpu.memory_space<vmem>>) target_semaphore(%dma_start3A_1111 : memref<!tpu.dma_semaphore, #tpu.memory_space<semaphore_mem>>)
      %mul3A_1118 = arith.constant 4 : i32
      %mul3A_1119 = arith.muli %add3A_1080, %mul3A_1118 : i32
      %add3A_1120 = arith.addi %mul3A_2, %mul3A_1119 : i32
      %dma_start3A_1121 = arith.constant 1 : i32
      %dma_start3A_1122 = arith.constant 1 : i32
      %dma_start3A_1123 = arith.constant 0 : i32
      %dma_start3A_1124 = arith.constant 0 : i32
      %dma_start3A_1125 = tpu.memref_slice %arg8[%dma_start3A_1121, %dma_start3A_1123, %dma_start3A_1124] : memref<2x4x64xi32, #tpu.memory_space<vmem>> -> memref<1x4x64xi32, #tpu.memory_space<vmem>>
      %dma_start3A_1126 = tpu.memref_squeeze %dma_start3A_1125 : memref<1x4x64xi32, #tpu.memory_space<vmem>> -> memref<4x64xi32, #tpu.memory_space<vmem>>
      %dma_start3A_1127 = arith.constant 0 : i32
      %dma_start3A_1128 = tpu.memref_slice %arg3[%add3A_1120, %dma_start3A_1127] : memref<5120x64xi32, #tpu.memory_space<hbm>> -> memref<4x64xi32, #tpu.memory_space<hbm>>
      %dma_start3A_1129 = tpu.memref_slice %arg14[%dma_start3A_1122] : memref<2x!tpu.dma_semaphore, #tpu.memory_space<semaphore_mem>> -> memref<1x!tpu.dma_semaphore, #tpu.memory_space<semaphore_mem>>
      %dma_start3A_1130 = tpu.memref_squeeze %dma_start3A_1129 : memref<1x!tpu.dma_semaphore, #tpu.memory_space<semaphore_mem>> -> memref<!tpu.dma_semaphore, #tpu.memory_space<semaphore_mem>>
      %dma_start3A_1131 = arith.constant 0 : i32
      %dma_start3A_1132 = arith.constant 0 : i32
      %dma_start3A_1133 = tpu.memref_slice %arg8[%dma_start3A_1121, %dma_start3A_1131, %dma_start3A_1132] : memref<2x4x64xi32, #tpu.memory_space<vmem>> -> memref<1x4x64xi32, #tpu.memory_space<vmem>>
      %dma_start3A_1134 = tpu.memref_squeeze %dma_start3A_1133 : memref<1x4x64xi32, #tpu.memory_space<vmem>> -> memref<4x64xi32, #tpu.memory_space<vmem>>
      %dma_start3A_1135 = arith.constant 0 : i32
      %dma_start3A_1136 = tpu.memref_slice %arg3[%add3A_1120, %dma_start3A_1135] : memref<5120x64xi32, #tpu.memory_space<hbm>> -> memref<4x64xi32, #tpu.memory_space<hbm>>
      tpu.enqueue_dma source(%dma_start3A_1136 : memref<4x64xi32, #tpu.memory_space<hbm>>) target(%dma_start3A_1134 : memref<4x64xi32, #tpu.memory_space<vmem>>) target_semaphore(%dma_start3A_1130 : memref<!tpu.dma_semaphore, #tpu.memory_space<semaphore_mem>>)
      %add3A_1137 = arith.constant 1 : i32
      %add3A_1138 = arith.addi %add3A_1078, %add3A_1137 : i32
      %dma_start3A_1139 = arith.constant 0 : i32
      %dma_start3A_1140 = arith.constant 1 : i32
      %dma_start3A_1141 = arith.constant 1 : i32
      %dma_start3A_1142 = arith.constant 1 : i32
      %dma_start3A_1143 = arith.constant 0 : i32
      %dma_start3A_1144 = arith.constant 0 : i32
      %dma_start3A_1145 = tpu.memref_slice %arg9[%dma_start3A_1141, %dma_start3A_1143, %dma_start3A_1144] : memref<2x64x64xf32, #tpu.memory_space<vmem>> -> memref<1x64x64xf32, #tpu.memory_space<vmem>>
      %dma_start3A_1146 = tpu.memref_squeeze %dma_start3A_1145 : memref<1x64x64xf32, #tpu.memory_space<vmem>> -> memref<64x64xf32, #tpu.memory_space<vmem>>
      %dma_start3A_1147 = arith.constant 0 : i32
      %dma_start3A_1148 = tpu.memref_slice %arg7[%dma_start3A_1139, %dma_start3A_1140, %dma_start3A_1147] : memref<2x4x64xi32, #tpu.memory_space<vmem>> -> memref<1x1x64xi32, #tpu.memory_space<vmem>>
      %dma_start3A_1149 = tpu.memref_squeeze %dma_start3A_1148 : memref<1x1x64xi32, #tpu.memory_space<vmem>> -> memref<64xi32, #tpu.memory_space<vmem>>
      %dma_start3A_1150 = arith.constant 0 : i32
      %dma_start3A_1151 = arith.constant 0 : i32
      %dma_start3A_1152 = tpu.memref_slice %arg10[%dma_start3A_1150, %dma_start3A_1151] : memref<20096x64xf32, #tpu.memory_space<vmem_shared>> -> memref<20096x64xf32, #tpu.memory_space<vmem_shared>>
      %dma_start3A_1153 = tpu.memref_slice %arg12[%dma_start3A_1142] : memref<2x!tpu.dma_semaphore, #tpu.memory_space<semaphore_mem>> -> memref<1x!tpu.dma_semaphore, #tpu.memory_space<semaphore_mem>>
      %dma_start3A_1154 = tpu.memref_squeeze %dma_start3A_1153 : memref<1x!tpu.dma_semaphore, #tpu.memory_space<semaphore_mem>> -> memref<!tpu.dma_semaphore, #tpu.memory_space<semaphore_mem>>
      tpu.enqueue_indirect_dma source(%dma_start3A_1152 : memref<20096x64xf32, #tpu.memory_space<vmem_shared>>) target(%dma_start3A_1146 : memref<64x64xf32, #tpu.memory_space<vmem>>) offsets(%dma_start3A_1149 : memref<64xi32, #tpu.memory_space<vmem>>) semaphore(%dma_start3A_1154 : memref<!tpu.dma_semaphore, #tpu.memory_space<semaphore_mem>>)
      %dma_wait3A_1155 = arith.constant 0 : i32
      %dma_wait3A_1156 = arith.constant 0 : i32
      %dma_wait3A_1157 = arith.constant 0 : i32
      %dma_wait3A_1158 = arith.constant 0 : i32
      %dma_wait3A_1159 = arith.constant 0 : i32
      %dma_wait3A_1160 = arith.constant 0 : i32
      %dma_wait3A_1161 = tpu.memref_slice %arg9[%dma_wait3A_1157, %dma_wait3A_1159, %dma_wait3A_1160] : memref<2x64x64xf32, #tpu.memory_space<vmem>> -> memref<1x64x64xf32, #tpu.memory_space<vmem>>
      %dma_wait3A_1162 = tpu.memref_squeeze %dma_wait3A_1161 : memref<1x64x64xf32, #tpu.memory_space<vmem>> -> memref<64x64xf32, #tpu.memory_space<vmem>>
      %dma_wait3A_1163 = arith.constant 0 : i32
      %dma_wait3A_1164 = tpu.memref_slice %arg7[%dma_wait3A_1155, %dma_wait3A_1156, %dma_wait3A_1163] : memref<2x4x64xi32, #tpu.memory_space<vmem>> -> memref<1x1x64xi32, #tpu.memory_space<vmem>>
      %dma_wait3A_1165 = tpu.memref_squeeze %dma_wait3A_1164 : memref<1x1x64xi32, #tpu.memory_space<vmem>> -> memref<64xi32, #tpu.memory_space<vmem>>
      %dma_wait3A_1166 = arith.constant 0 : i32
      %dma_wait3A_1167 = arith.constant 0 : i32
      %dma_wait3A_1168 = tpu.memref_slice %arg10[%dma_wait3A_1166, %dma_wait3A_1167] : memref<20096x64xf32, #tpu.memory_space<vmem_shared>> -> memref<20096x64xf32, #tpu.memory_space<vmem_shared>>
      %dma_wait3A_1169 = tpu.memref_slice %arg12[%dma_wait3A_1158] : memref<2x!tpu.dma_semaphore, #tpu.memory_space<semaphore_mem>> -> memref<1x!tpu.dma_semaphore, #tpu.memory_space<semaphore_mem>>
      %dma_wait3A_1170 = tpu.memref_squeeze %dma_wait3A_1169 : memref<1x!tpu.dma_semaphore, #tpu.memory_space<semaphore_mem>> -> memref<!tpu.dma_semaphore, #tpu.memory_space<semaphore_mem>>
      tpu.wait_indirect_dma semaphore(%dma_wait3A_1170 : memref<!tpu.dma_semaphore, #tpu.memory_space<semaphore_mem>>) src(%dma_wait3A_1168 : memref<20096x64xf32, #tpu.memory_space<vmem_shared>>) dst(%dma_wait3A_1162 : memref<64x64xf32, #tpu.memory_space<vmem>>)
      %dma_start3A_1171 = arith.constant 0 : i32
      %dma_start3A_1172 = arith.constant 0 : i32
      %dma_start3A_1173 = arith.constant 0 : i32
      %dma_start3A_1174 = arith.constant 0 : i32
      %dma_start3A_1175 = arith.constant 0 : i32
      %dma_start3A_1176 = arith.constant 0 : i32
      %dma_start3A_1177 = tpu.memref_slice %arg9[%dma_start3A_1171, %dma_start3A_1175, %dma_start3A_1176] : memref<2x64x64xf32, #tpu.memory_space<vmem>> -> memref<1x64x64xf32, #tpu.memory_space<vmem>>
      %dma_start3A_1178 = tpu.memref_squeeze %dma_start3A_1177 : memref<1x64x64xf32, #tpu.memory_space<vmem>> -> memref<64x64xf32, #tpu.memory_space<vmem>>
      %dma_start3A_1179 = arith.constant 0 : i32
      %dma_start3A_1180 = tpu.memref_slice %arg8[%dma_start3A_1172, %dma_start3A_1173, %dma_start3A_1179] : memref<2x4x64xi32, #tpu.memory_space<vmem>> -> memref<1x1x64xi32, #tpu.memory_space<vmem>>
      %dma_start3A_1181 = tpu.memref_squeeze %dma_start3A_1180 : memref<1x1x64xi32, #tpu.memory_space<vmem>> -> memref<64xi32, #tpu.memory_space<vmem>>
      %dma_start3A_1182 = arith.constant 0 : i32
      %dma_start3A_1183 = arith.constant 0 : i32
      %dma_start3A_1184 = tpu.memref_slice %arg11[%dma_start3A_1182, %dma_start3A_1183] : memref<10112x64xf32, #tpu.memory_space<vmem_shared>> -> memref<10112x64xf32, #tpu.memory_space<vmem_shared>>
      %dma_start3A_1185 = tpu.memref_slice %arg13[%dma_start3A_1174] : memref<2x!tpu.dma_semaphore, #tpu.memory_space<semaphore_mem>> -> memref<1x!tpu.dma_semaphore, #tpu.memory_space<semaphore_mem>>
      %dma_start3A_1186 = tpu.memref_squeeze %dma_start3A_1185 : memref<1x!tpu.dma_semaphore, #tpu.memory_space<semaphore_mem>> -> memref<!tpu.dma_semaphore, #tpu.memory_space<semaphore_mem>>
      tpu.enqueue_indirect_dma source(%dma_start3A_1178 : memref<64x64xf32, #tpu.memory_space<vmem>>) target(%dma_start3A_1184 : memref<10112x64xf32, #tpu.memory_space<vmem_shared>>) offsets(%dma_start3A_1181 : memref<64xi32, #tpu.memory_space<vmem>>) semaphore(%dma_start3A_1186 : memref<!tpu.dma_semaphore, #tpu.memory_space<semaphore_mem>>) {add = true}
      %add3A_1187 = arith.constant 4 : i32
      %add3A_1188 = arith.addi %add3A_695, %add3A_1187 : i32
      %add3A_1189 = arith.constant 1 : i32
      %add3A_1190 = arith.addi %add3A_1188, %add3A_1189 : i32
      %sub3A_1191 = arith.constant 1 : i32
      %sub3A_1192 = arith.subi %add3A_1190, %sub3A_1191 : i32
      %dma_wait3A_1193 = arith.constant 0 : i32
      %dma_wait3A_1194 = arith.constant 0 : i32
      %dma_wait3A_1195 = arith.constant 0 : i32
      %dma_wait3A_1196 = arith.constant 0 : i32
      %dma_wait3A_1197 = arith.constant 0 : i32
      %dma_wait3A_1198 = arith.constant 0 : i32
      %dma_wait3A_1199 = tpu.memref_slice %arg9[%dma_wait3A_1193, %dma_wait3A_1197, %dma_wait3A_1198] : memref<2x64x64xf32, #tpu.memory_space<vmem>> -> memref<1x64x64xf32, #tpu.memory_space<vmem>>
      %dma_wait3A_1200 = tpu.memref_squeeze %dma_wait3A_1199 : memref<1x64x64xf32, #tpu.memory_space<vmem>> -> memref<64x64xf32, #tpu.memory_space<vmem>>
      %dma_wait3A_1201 = arith.constant 0 : i32
      %dma_wait3A_1202 = tpu.memref_slice %arg8[%dma_wait3A_1194, %dma_wait3A_1195, %dma_wait3A_1201] : memref<2x4x64xi32, #tpu.memory_space<vmem>> -> memref<1x1x64xi32, #tpu.memory_space<vmem>>
      %dma_wait3A_1203 = tpu.memref_squeeze %dma_wait3A_1202 : memref<1x1x64xi32, #tpu.memory_space<vmem>> -> memref<64xi32, #tpu.memory_space<vmem>>
      %dma_wait3A_1204 = arith.constant 0 : i32
      %dma_wait3A_1205 = arith.constant 0 : i32
      %dma_wait3A_1206 = tpu.memref_slice %arg11[%dma_wait3A_1204, %dma_wait3A_1205] : memref<10112x64xf32, #tpu.memory_space<vmem_shared>> -> memref<10112x64xf32, #tpu.memory_space<vmem_shared>>
      %dma_wait3A_1207 = tpu.memref_slice %arg13[%dma_wait3A_1196] : memref<2x!tpu.dma_semaphore, #tpu.memory_space<semaphore_mem>> -> memref<1x!tpu.dma_semaphore, #tpu.memory_space<semaphore_mem>>
      %dma_wait3A_1208 = tpu.memref_squeeze %dma_wait3A_1207 : memref<1x!tpu.dma_semaphore, #tpu.memory_space<semaphore_mem>> -> memref<!tpu.dma_semaphore, #tpu.memory_space<semaphore_mem>>
      tpu.wait_indirect_dma semaphore(%dma_wait3A_1208 : memref<!tpu.dma_semaphore, #tpu.memory_space<semaphore_mem>>) src(%dma_wait3A_1200 : memref<64x64xf32, #tpu.memory_space<vmem>>) dst(%dma_wait3A_1206 : memref<10112x64xf32, #tpu.memory_space<vmem_shared>>)
      %add3A_1209 = arith.constant 1 : i32
      %add3A_1210 = arith.addi %add3A_1190, %add3A_1209 : i32
      %dma_start3A_1211 = arith.constant 0 : i32
      %dma_start3A_1212 = arith.constant 2 : i32
      %dma_start3A_1213 = arith.constant 0 : i32
      %dma_start3A_1214 = arith.constant 0 : i32
      %dma_start3A_1215 = arith.constant 0 : i32
      %dma_start3A_1216 = arith.constant 0 : i32
      %dma_start3A_1217 = tpu.memref_slice %arg9[%dma_start3A_1213, %dma_start3A_1215, %dma_start3A_1216] : memref<2x64x64xf32, #tpu.memory_space<vmem>> -> memref<1x64x64xf32, #tpu.memory_space<vmem>>
      %dma_start3A_1218 = tpu.memref_squeeze %dma_start3A_1217 : memref<1x64x64xf32, #tpu.memory_space<vmem>> -> memref<64x64xf32, #tpu.memory_space<vmem>>
      %dma_start3A_1219 = arith.constant 0 : i32
      %dma_start3A_1220 = tpu.memref_slice %arg7[%dma_start3A_1211, %dma_start3A_1212, %dma_start3A_1219] : memref<2x4x64xi32, #tpu.memory_space<vmem>> -> memref<1x1x64xi32, #tpu.memory_space<vmem>>
      %dma_start3A_1221 = tpu.memref_squeeze %dma_start3A_1220 : memref<1x1x64xi32, #tpu.memory_space<vmem>> -> memref<64xi32, #tpu.memory_space<vmem>>
      %dma_start3A_1222 = arith.constant 0 : i32
      %dma_start3A_1223 = arith.constant 0 : i32
      %dma_start3A_1224 = tpu.memref_slice %arg10[%dma_start3A_1222, %dma_start3A_1223] : memref<20096x64xf32, #tpu.memory_space<vmem_shared>> -> memref<20096x64xf32, #tpu.memory_space<vmem_shared>>
      %dma_start3A_1225 = tpu.memref_slice %arg12[%dma_start3A_1214] : memref<2x!tpu.dma_semaphore, #tpu.memory_space<semaphore_mem>> -> memref<1x!tpu.dma_semaphore, #tpu.memory_space<semaphore_mem>>
      %dma_start3A_1226 = tpu.memref_squeeze %dma_start3A_1225 : memref<1x!tpu.dma_semaphore, #tpu.memory_space<semaphore_mem>> -> memref<!tpu.dma_semaphore, #tpu.memory_space<semaphore_mem>>
      tpu.enqueue_indirect_dma source(%dma_start3A_1224 : memref<20096x64xf32, #tpu.memory_space<vmem_shared>>) target(%dma_start3A_1218 : memref<64x64xf32, #tpu.memory_space<vmem>>) offsets(%dma_start3A_1221 : memref<64xi32, #tpu.memory_space<vmem>>) semaphore(%dma_start3A_1226 : memref<!tpu.dma_semaphore, #tpu.memory_space<semaphore_mem>>)
      %dma_wait3A_1227 = arith.constant 0 : i32
      %dma_wait3A_1228 = arith.constant 1 : i32
      %dma_wait3A_1229 = arith.constant 1 : i32
      %dma_wait3A_1230 = arith.constant 1 : i32
      %dma_wait3A_1231 = arith.constant 0 : i32
      %dma_wait3A_1232 = arith.constant 0 : i32
      %dma_wait3A_1233 = tpu.memref_slice %arg9[%dma_wait3A_1229, %dma_wait3A_1231, %dma_wait3A_1232] : memref<2x64x64xf32, #tpu.memory_space<vmem>> -> memref<1x64x64xf32, #tpu.memory_space<vmem>>
      %dma_wait3A_1234 = tpu.memref_squeeze %dma_wait3A_1233 : memref<1x64x64xf32, #tpu.memory_space<vmem>> -> memref<64x64xf32, #tpu.memory_space<vmem>>
      %dma_wait3A_1235 = arith.constant 0 : i32
      %dma_wait3A_1236 = tpu.memref_slice %arg7[%dma_wait3A_1227, %dma_wait3A_1228, %dma_wait3A_1235] : memref<2x4x64xi32, #tpu.memory_space<vmem>> -> memref<1x1x64xi32, #tpu.memory_space<vmem>>
      %dma_wait3A_1237 = tpu.memref_squeeze %dma_wait3A_1236 : memref<1x1x64xi32, #tpu.memory_space<vmem>> -> memref<64xi32, #tpu.memory_space<vmem>>
      %dma_wait3A_1238 = arith.constant 0 : i32
      %dma_wait3A_1239 = arith.constant 0 : i32
      %dma_wait3A_1240 = tpu.memref_slice %arg10[%dma_wait3A_1238, %dma_wait3A_1239] : memref<20096x64xf32, #tpu.memory_space<vmem_shared>> -> memref<20096x64xf32, #tpu.memory_space<vmem_shared>>
      %dma_wait3A_1241 = tpu.memref_slice %arg12[%dma_wait3A_1230] : memref<2x!tpu.dma_semaphore, #tpu.memory_space<semaphore_mem>> -> memref<1x!tpu.dma_semaphore, #tpu.memory_space<semaphore_mem>>
      %dma_wait3A_1242 = tpu.memref_squeeze %dma_wait3A_1241 : memref<1x!tpu.dma_semaphore, #tpu.memory_space<semaphore_mem>> -> memref<!tpu.dma_semaphore, #tpu.memory_space<semaphore_mem>>
      tpu.wait_indirect_dma semaphore(%dma_wait3A_1242 : memref<!tpu.dma_semaphore, #tpu.memory_space<semaphore_mem>>) src(%dma_wait3A_1240 : memref<20096x64xf32, #tpu.memory_space<vmem_shared>>) dst(%dma_wait3A_1234 : memref<64x64xf32, #tpu.memory_space<vmem>>)
      %dma_start3A_1243 = arith.constant 1 : i32
      %dma_start3A_1244 = arith.constant 0 : i32
      %dma_start3A_1245 = arith.constant 1 : i32
      %dma_start3A_1246 = arith.constant 1 : i32
      %dma_start3A_1247 = arith.constant 0 : i32
      %dma_start3A_1248 = arith.constant 0 : i32
      %dma_start3A_1249 = tpu.memref_slice %arg9[%dma_start3A_1243, %dma_start3A_1247, %dma_start3A_1248] : memref<2x64x64xf32, #tpu.memory_space<vmem>> -> memref<1x64x64xf32, #tpu.memory_space<vmem>>
      %dma_start3A_1250 = tpu.memref_squeeze %dma_start3A_1249 : memref<1x64x64xf32, #tpu.memory_space<vmem>> -> memref<64x64xf32, #tpu.memory_space<vmem>>
      %dma_start3A_1251 = arith.constant 0 : i32
      %dma_start3A_1252 = tpu.memref_slice %arg8[%dma_start3A_1244, %dma_start3A_1245, %dma_start3A_1251] : memref<2x4x64xi32, #tpu.memory_space<vmem>> -> memref<1x1x64xi32, #tpu.memory_space<vmem>>
      %dma_start3A_1253 = tpu.memref_squeeze %dma_start3A_1252 : memref<1x1x64xi32, #tpu.memory_space<vmem>> -> memref<64xi32, #tpu.memory_space<vmem>>
      %dma_start3A_1254 = arith.constant 0 : i32
      %dma_start3A_1255 = arith.constant 0 : i32
      %dma_start3A_1256 = tpu.memref_slice %arg11[%dma_start3A_1254, %dma_start3A_1255] : memref<10112x64xf32, #tpu.memory_space<vmem_shared>> -> memref<10112x64xf32, #tpu.memory_space<vmem_shared>>
      %dma_start3A_1257 = tpu.memref_slice %arg13[%dma_start3A_1246] : memref<2x!tpu.dma_semaphore, #tpu.memory_space<semaphore_mem>> -> memref<1x!tpu.dma_semaphore, #tpu.memory_space<semaphore_mem>>
      %dma_start3A_1258 = tpu.memref_squeeze %dma_start3A_1257 : memref<1x!tpu.dma_semaphore, #tpu.memory_space<semaphore_mem>> -> memref<!tpu.dma_semaphore, #tpu.memory_space<semaphore_mem>>
      tpu.enqueue_indirect_dma source(%dma_start3A_1250 : memref<64x64xf32, #tpu.memory_space<vmem>>) target(%dma_start3A_1256 : memref<10112x64xf32, #tpu.memory_space<vmem_shared>>) offsets(%dma_start3A_1253 : memref<64xi32, #tpu.memory_space<vmem>>) semaphore(%dma_start3A_1258 : memref<!tpu.dma_semaphore, #tpu.memory_space<semaphore_mem>>) {add = true}
      %add3A_1259 = arith.constant 4 : i32
      %add3A_1260 = arith.addi %add3A_695, %add3A_1259 : i32
      %add3A_1261 = arith.constant 2 : i32
      %add3A_1262 = arith.addi %add3A_1260, %add3A_1261 : i32
      %sub3A_1263 = arith.constant 1 : i32
      %sub3A_1264 = arith.subi %add3A_1262, %sub3A_1263 : i32
      %dma_wait3A_1265 = arith.constant 1 : i32
      %dma_wait3A_1266 = arith.constant 0 : i32
      %dma_wait3A_1267 = arith.constant 1 : i32
      %dma_wait3A_1268 = arith.constant 1 : i32
      %dma_wait3A_1269 = arith.constant 0 : i32
      %dma_wait3A_1270 = arith.constant 0 : i32
      %dma_wait3A_1271 = tpu.memref_slice %arg9[%dma_wait3A_1265, %dma_wait3A_1269, %dma_wait3A_1270] : memref<2x64x64xf32, #tpu.memory_space<vmem>> -> memref<1x64x64xf32, #tpu.memory_space<vmem>>
      %dma_wait3A_1272 = tpu.memref_squeeze %dma_wait3A_1271 : memref<1x64x64xf32, #tpu.memory_space<vmem>> -> memref<64x64xf32, #tpu.memory_space<vmem>>
      %dma_wait3A_1273 = arith.constant 0 : i32
      %dma_wait3A_1274 = tpu.memref_slice %arg8[%dma_wait3A_1266, %dma_wait3A_1267, %dma_wait3A_1273] : memref<2x4x64xi32, #tpu.memory_space<vmem>> -> memref<1x1x64xi32, #tpu.memory_space<vmem>>
      %dma_wait3A_1275 = tpu.memref_squeeze %dma_wait3A_1274 : memref<1x1x64xi32, #tpu.memory_space<vmem>> -> memref<64xi32, #tpu.memory_space<vmem>>
      %dma_wait3A_1276 = arith.constant 0 : i32
      %dma_wait3A_1277 = arith.constant 0 : i32
      %dma_wait3A_1278 = tpu.memref_slice %arg11[%dma_wait3A_1276, %dma_wait3A_1277] : memref<10112x64xf32, #tpu.memory_space<vmem_shared>> -> memref<10112x64xf32, #tpu.memory_space<vmem_shared>>
      %dma_wait3A_1279 = tpu.memref_slice %arg13[%dma_wait3A_1268] : memref<2x!tpu.dma_semaphore, #tpu.memory_space<semaphore_mem>> -> memref<1x!tpu.dma_semaphore, #tpu.memory_space<semaphore_mem>>
      %dma_wait3A_1280 = tpu.memref_squeeze %dma_wait3A_1279 : memref<1x!tpu.dma_semaphore, #tpu.memory_space<semaphore_mem>> -> memref<!tpu.dma_semaphore, #tpu.memory_space<semaphore_mem>>
      tpu.wait_indirect_dma semaphore(%dma_wait3A_1280 : memref<!tpu.dma_semaphore, #tpu.memory_space<semaphore_mem>>) src(%dma_wait3A_1272 : memref<64x64xf32, #tpu.memory_space<vmem>>) dst(%dma_wait3A_1278 : memref<10112x64xf32, #tpu.memory_space<vmem_shared>>)
      %add3A_1281 = arith.constant 1 : i32
      %add3A_1282 = arith.addi %add3A_1262, %add3A_1281 : i32
      %dma_start3A_1283 = arith.constant 0 : i32
      %dma_start3A_1284 = arith.constant 3 : i32
      %dma_start3A_1285 = arith.constant 1 : i32
      %dma_start3A_1286 = arith.constant 1 : i32
      %dma_start3A_1287 = arith.constant 0 : i32
      %dma_start3A_1288 = arith.constant 0 : i32
      %dma_start3A_1289 = tpu.memref_slice %arg9[%dma_start3A_1285, %dma_start3A_1287, %dma_start3A_1288] : memref<2x64x64xf32, #tpu.memory_space<vmem>> -> memref<1x64x64xf32, #tpu.memory_space<vmem>>
      %dma_start3A_1290 = tpu.memref_squeeze %dma_start3A_1289 : memref<1x64x64xf32, #tpu.memory_space<vmem>> -> memref<64x64xf32, #tpu.memory_space<vmem>>
      %dma_start3A_1291 = arith.constant 0 : i32
      %dma_start3A_1292 = tpu.memref_slice %arg7[%dma_start3A_1283, %dma_start3A_1284, %dma_start3A_1291] : memref<2x4x64xi32, #tpu.memory_space<vmem>> -> memref<1x1x64xi32, #tpu.memory_space<vmem>>
      %dma_start3A_1293 = tpu.memref_squeeze %dma_start3A_1292 : memref<1x1x64xi32, #tpu.memory_space<vmem>> -> memref<64xi32, #tpu.memory_space<vmem>>
      %dma_start3A_1294 = arith.constant 0 : i32
      %dma_start3A_1295 = arith.constant 0 : i32
      %dma_start3A_1296 = tpu.memref_slice %arg10[%dma_start3A_1294, %dma_start3A_1295] : memref<20096x64xf32, #tpu.memory_space<vmem_shared>> -> memref<20096x64xf32, #tpu.memory_space<vmem_shared>>
      %dma_start3A_1297 = tpu.memref_slice %arg12[%dma_start3A_1286] : memref<2x!tpu.dma_semaphore, #tpu.memory_space<semaphore_mem>> -> memref<1x!tpu.dma_semaphore, #tpu.memory_space<semaphore_mem>>
      %dma_start3A_1298 = tpu.memref_squeeze %dma_start3A_1297 : memref<1x!tpu.dma_semaphore, #tpu.memory_space<semaphore_mem>> -> memref<!tpu.dma_semaphore, #tpu.memory_space<semaphore_mem>>
      tpu.enqueue_indirect_dma source(%dma_start3A_1296 : memref<20096x64xf32, #tpu.memory_space<vmem_shared>>) target(%dma_start3A_1290 : memref<64x64xf32, #tpu.memory_space<vmem>>) offsets(%dma_start3A_1293 : memref<64xi32, #tpu.memory_space<vmem>>) semaphore(%dma_start3A_1298 : memref<!tpu.dma_semaphore, #tpu.memory_space<semaphore_mem>>)
      %dma_wait3A_1299 = arith.constant 0 : i32
      %dma_wait3A_1300 = arith.constant 2 : i32
      %dma_wait3A_1301 = arith.constant 0 : i32
      %dma_wait3A_1302 = arith.constant 0 : i32
      %dma_wait3A_1303 = arith.constant 0 : i32
      %dma_wait3A_1304 = arith.constant 0 : i32
      %dma_wait3A_1305 = tpu.memref_slice %arg9[%dma_wait3A_1301, %dma_wait3A_1303, %dma_wait3A_1304] : memref<2x64x64xf32, #tpu.memory_space<vmem>> -> memref<1x64x64xf32, #tpu.memory_space<vmem>>
      %dma_wait3A_1306 = tpu.memref_squeeze %dma_wait3A_1305 : memref<1x64x64xf32, #tpu.memory_space<vmem>> -> memref<64x64xf32, #tpu.memory_space<vmem>>
      %dma_wait3A_1307 = arith.constant 0 : i32
      %dma_wait3A_1308 = tpu.memref_slice %arg7[%dma_wait3A_1299, %dma_wait3A_1300, %dma_wait3A_1307] : memref<2x4x64xi32, #tpu.memory_space<vmem>> -> memref<1x1x64xi32, #tpu.memory_space<vmem>>
      %dma_wait3A_1309 = tpu.memref_squeeze %dma_wait3A_1308 : memref<1x1x64xi32, #tpu.memory_space<vmem>> -> memref<64xi32, #tpu.memory_space<vmem>>
      %dma_wait3A_1310 = arith.constant 0 : i32
      %dma_wait3A_1311 = arith.constant 0 : i32
      %dma_wait3A_1312 = tpu.memref_slice %arg10[%dma_wait3A_1310, %dma_wait3A_1311] : memref<20096x64xf32, #tpu.memory_space<vmem_shared>> -> memref<20096x64xf32, #tpu.memory_space<vmem_shared>>
      %dma_wait3A_1313 = tpu.memref_slice %arg12[%dma_wait3A_1302] : memref<2x!tpu.dma_semaphore, #tpu.memory_space<semaphore_mem>> -> memref<1x!tpu.dma_semaphore, #tpu.memory_space<semaphore_mem>>
      %dma_wait3A_1314 = tpu.memref_squeeze %dma_wait3A_1313 : memref<1x!tpu.dma_semaphore, #tpu.memory_space<semaphore_mem>> -> memref<!tpu.dma_semaphore, #tpu.memory_space<semaphore_mem>>
      tpu.wait_indirect_dma semaphore(%dma_wait3A_1314 : memref<!tpu.dma_semaphore, #tpu.memory_space<semaphore_mem>>) src(%dma_wait3A_1312 : memref<20096x64xf32, #tpu.memory_space<vmem_shared>>) dst(%dma_wait3A_1306 : memref<64x64xf32, #tpu.memory_space<vmem>>)
      %dma_start3A_1315 = arith.constant 0 : i32
      %dma_start3A_1316 = arith.constant 0 : i32
      %dma_start3A_1317 = arith.constant 2 : i32
      %dma_start3A_1318 = arith.constant 0 : i32
      %dma_start3A_1319 = arith.constant 0 : i32
      %dma_start3A_1320 = arith.constant 0 : i32
      %dma_start3A_1321 = tpu.memref_slice %arg9[%dma_start3A_1315, %dma_start3A_1319, %dma_start3A_1320] : memref<2x64x64xf32, #tpu.memory_space<vmem>> -> memref<1x64x64xf32, #tpu.memory_space<vmem>>
      %dma_start3A_1322 = tpu.memref_squeeze %dma_start3A_1321 : memref<1x64x64xf32, #tpu.memory_space<vmem>> -> memref<64x64xf32, #tpu.memory_space<vmem>>
      %dma_start3A_1323 = arith.constant 0 : i32
      %dma_start3A_1324 = tpu.memref_slice %arg8[%dma_start3A_1316, %dma_start3A_1317, %dma_start3A_1323] : memref<2x4x64xi32, #tpu.memory_space<vmem>> -> memref<1x1x64xi32, #tpu.memory_space<vmem>>
      %dma_start3A_1325 = tpu.memref_squeeze %dma_start3A_1324 : memref<1x1x64xi32, #tpu.memory_space<vmem>> -> memref<64xi32, #tpu.memory_space<vmem>>
      %dma_start3A_1326 = arith.constant 0 : i32
      %dma_start3A_1327 = arith.constant 0 : i32
      %dma_start3A_1328 = tpu.memref_slice %arg11[%dma_start3A_1326, %dma_start3A_1327] : memref<10112x64xf32, #tpu.memory_space<vmem_shared>> -> memref<10112x64xf32, #tpu.memory_space<vmem_shared>>
      %dma_start3A_1329 = tpu.memref_slice %arg13[%dma_start3A_1318] : memref<2x!tpu.dma_semaphore, #tpu.memory_space<semaphore_mem>> -> memref<1x!tpu.dma_semaphore, #tpu.memory_space<semaphore_mem>>
      %dma_start3A_1330 = tpu.memref_squeeze %dma_start3A_1329 : memref<1x!tpu.dma_semaphore, #tpu.memory_space<semaphore_mem>> -> memref<!tpu.dma_semaphore, #tpu.memory_space<semaphore_mem>>
      tpu.enqueue_indirect_dma source(%dma_start3A_1322 : memref<64x64xf32, #tpu.memory_space<vmem>>) target(%dma_start3A_1328 : memref<10112x64xf32, #tpu.memory_space<vmem_shared>>) offsets(%dma_start3A_1325 : memref<64xi32, #tpu.memory_space<vmem>>) semaphore(%dma_start3A_1330 : memref<!tpu.dma_semaphore, #tpu.memory_space<semaphore_mem>>) {add = true}
      %add3A_1331 = arith.constant 4 : i32
      %add3A_1332 = arith.addi %add3A_695, %add3A_1331 : i32
      %add3A_1333 = arith.constant 3 : i32
      %add3A_1334 = arith.addi %add3A_1332, %add3A_1333 : i32
      %add3A_1335 = arith.constant 1 : i32
      %add3A_1336 = arith.addi %add3A_1074, %add3A_1335 : i32
      %sub3A_1337 = arith.constant 1 : i32
      %sub3A_1338 = arith.subi %add3A_1334, %sub3A_1337 : i32
      %dma_wait3A_1339 = arith.constant 0 : i32
      %dma_wait3A_1340 = arith.constant 0 : i32
      %dma_wait3A_1341 = arith.constant 2 : i32
      %dma_wait3A_1342 = arith.constant 0 : i32
      %dma_wait3A_1343 = arith.constant 0 : i32
      %dma_wait3A_1344 = arith.constant 0 : i32
      %dma_wait3A_1345 = tpu.memref_slice %arg9[%dma_wait3A_1339, %dma_wait3A_1343, %dma_wait3A_1344] : memref<2x64x64xf32, #tpu.memory_space<vmem>> -> memref<1x64x64xf32, #tpu.memory_space<vmem>>
      %dma_wait3A_1346 = tpu.memref_squeeze %dma_wait3A_1345 : memref<1x64x64xf32, #tpu.memory_space<vmem>> -> memref<64x64xf32, #tpu.memory_space<vmem>>
      %dma_wait3A_1347 = arith.constant 0 : i32
      %dma_wait3A_1348 = tpu.memref_slice %arg8[%dma_wait3A_1340, %dma_wait3A_1341, %dma_wait3A_1347] : memref<2x4x64xi32, #tpu.memory_space<vmem>> -> memref<1x1x64xi32, #tpu.memory_space<vmem>>
      %dma_wait3A_1349 = tpu.memref_squeeze %dma_wait3A_1348 : memref<1x1x64xi32, #tpu.memory_space<vmem>> -> memref<64xi32, #tpu.memory_space<vmem>>
      %dma_wait3A_1350 = arith.constant 0 : i32
      %dma_wait3A_1351 = arith.constant 0 : i32
      %dma_wait3A_1352 = tpu.memref_slice %arg11[%dma_wait3A_1350, %dma_wait3A_1351] : memref<10112x64xf32, #tpu.memory_space<vmem_shared>> -> memref<10112x64xf32, #tpu.memory_space<vmem_shared>>
      %dma_wait3A_1353 = tpu.memref_slice %arg13[%dma_wait3A_1342] : memref<2x!tpu.dma_semaphore, #tpu.memory_space<semaphore_mem>> -> memref<1x!tpu.dma_semaphore, #tpu.memory_space<semaphore_mem>>
      %dma_wait3A_1354 = tpu.memref_squeeze %dma_wait3A_1353 : memref<1x!tpu.dma_semaphore, #tpu.memory_space<semaphore_mem>> -> memref<!tpu.dma_semaphore, #tpu.memory_space<semaphore_mem>>
      tpu.wait_indirect_dma semaphore(%dma_wait3A_1354 : memref<!tpu.dma_semaphore, #tpu.memory_space<semaphore_mem>>) src(%dma_wait3A_1346 : memref<64x64xf32, #tpu.memory_space<vmem>>) dst(%dma_wait3A_1352 : memref<10112x64xf32, #tpu.memory_space<vmem_shared>>)
      %mul3A_1355 = arith.constant 4 : i32
      %mul3A_1356 = arith.muli %add3A_1336, %mul3A_1355 : i32
      %add3A_1357 = arith.addi %mul3A_2, %mul3A_1356 : i32
      %dma_wait3A_1358 = arith.constant 1 : i32
      %dma_wait3A_1359 = arith.constant 1 : i32
      %dma_wait3A_1360 = arith.constant 0 : i32
      %dma_wait3A_1361 = arith.constant 0 : i32
      %dma_wait3A_1362 = tpu.memref_slice %arg7[%dma_wait3A_1358, %dma_wait3A_1360, %dma_wait3A_1361] : memref<2x4x64xi32, #tpu.memory_space<vmem>> -> memref<1x4x64xi32, #tpu.memory_space<vmem>>
      %dma_wait3A_1363 = tpu.memref_squeeze %dma_wait3A_1362 : memref<1x4x64xi32, #tpu.memory_space<vmem>> -> memref<4x64xi32, #tpu.memory_space<vmem>>
      %dma_wait3A_1364 = arith.constant 0 : i32
      %dma_wait3A_1365 = tpu.memref_slice %arg2[%add3A_1357, %dma_wait3A_1364] : memref<5120x64xi32, #tpu.memory_space<hbm>> -> memref<4x64xi32, #tpu.memory_space<hbm>>
      %dma_wait3A_1366 = tpu.memref_slice %arg14[%dma_wait3A_1359] : memref<2x!tpu.dma_semaphore, #tpu.memory_space<semaphore_mem>> -> memref<1x!tpu.dma_semaphore, #tpu.memory_space<semaphore_mem>>
      %dma_wait3A_1367 = tpu.memref_squeeze %dma_wait3A_1366 : memref<1x!tpu.dma_semaphore, #tpu.memory_space<semaphore_mem>> -> memref<!tpu.dma_semaphore, #tpu.memory_space<semaphore_mem>>
      %dma_wait3A_1368 = arith.constant 0 : i32
      %dma_wait3A_1369 = arith.constant 0 : i32
      %dma_wait3A_1370 = tpu.memref_slice %arg7[%dma_wait3A_1358, %dma_wait3A_1368, %dma_wait3A_1369] : memref<2x4x64xi32, #tpu.memory_space<vmem>> -> memref<1x4x64xi32, #tpu.memory_space<vmem>>
      %dma_wait3A_1371 = tpu.memref_squeeze %dma_wait3A_1370 : memref<1x4x64xi32, #tpu.memory_space<vmem>> -> memref<4x64xi32, #tpu.memory_space<vmem>>
      %dma_wait3A_1372 = arith.constant 0 : i32
      %dma_wait3A_1373 = tpu.memref_slice %arg2[%add3A_1357, %dma_wait3A_1372] : memref<5120x64xi32, #tpu.memory_space<hbm>> -> memref<4x64xi32, #tpu.memory_space<hbm>>
      tpu.wait_dma2 semaphore(%dma_wait3A_1367 : memref<!tpu.dma_semaphore, #tpu.memory_space<semaphore_mem>>) src(%dma_wait3A_1373 : memref<4x64xi32, #tpu.memory_space<hbm>>) dst(%dma_wait3A_1371 : memref<4x64xi32, #tpu.memory_space<vmem>>)
      %mul3A_1374 = arith.constant 4 : i32
      %mul3A_1375 = arith.muli %add3A_1336, %mul3A_1374 : i32
      %add3A_1376 = arith.addi %mul3A_2, %mul3A_1375 : i32
      %dma_wait3A_1377 = arith.constant 1 : i32
      %dma_wait3A_1378 = arith.constant 1 : i32
      %dma_wait3A_1379 = arith.constant 0 : i32
      %dma_wait3A_1380 = arith.constant 0 : i32
      %dma_wait3A_1381 = tpu.memref_slice %arg8[%dma_wait3A_1377, %dma_wait3A_1379, %dma_wait3A_1380] : memref<2x4x64xi32, #tpu.memory_space<vmem>> -> memref<1x4x64xi32, #tpu.memory_space<vmem>>
      %dma_wait3A_1382 = tpu.memref_squeeze %dma_wait3A_1381 : memref<1x4x64xi32, #tpu.memory_space<vmem>> -> memref<4x64xi32, #tpu.memory_space<vmem>>
      %dma_wait3A_1383 = arith.constant 0 : i32
      %dma_wait3A_1384 = tpu.memref_slice %arg3[%add3A_1376, %dma_wait3A_1383] : memref<5120x64xi32, #tpu.memory_space<hbm>> -> memref<4x64xi32, #tpu.memory_space<hbm>>
      %dma_wait3A_1385 = tpu.memref_slice %arg14[%dma_wait3A_1378] : memref<2x!tpu.dma_semaphore, #tpu.memory_space<semaphore_mem>> -> memref<1x!tpu.dma_semaphore, #tpu.memory_space<semaphore_mem>>
      %dma_wait3A_1386 = tpu.memref_squeeze %dma_wait3A_1385 : memref<1x!tpu.dma_semaphore, #tpu.memory_space<semaphore_mem>> -> memref<!tpu.dma_semaphore, #tpu.memory_space<semaphore_mem>>
      %dma_wait3A_1387 = arith.constant 0 : i32
      %dma_wait3A_1388 = arith.constant 0 : i32
      %dma_wait3A_1389 = tpu.memref_slice %arg8[%dma_wait3A_1377, %dma_wait3A_1387, %dma_wait3A_1388] : memref<2x4x64xi32, #tpu.memory_space<vmem>> -> memref<1x4x64xi32, #tpu.memory_space<vmem>>
      %dma_wait3A_1390 = tpu.memref_squeeze %dma_wait3A_1389 : memref<1x4x64xi32, #tpu.memory_space<vmem>> -> memref<4x64xi32, #tpu.memory_space<vmem>>
      %dma_wait3A_1391 = arith.constant 0 : i32
      %dma_wait3A_1392 = tpu.memref_slice %arg3[%add3A_1376, %dma_wait3A_1391] : memref<5120x64xi32, #tpu.memory_space<hbm>> -> memref<4x64xi32, #tpu.memory_space<hbm>>
      tpu.wait_dma2 semaphore(%dma_wait3A_1386 : memref<!tpu.dma_semaphore, #tpu.memory_space<semaphore_mem>>) src(%dma_wait3A_1392 : memref<4x64xi32, #tpu.memory_space<hbm>>) dst(%dma_wait3A_1390 : memref<4x64xi32, #tpu.memory_space<vmem>>)
      %add3A_1393 = arith.constant 1 : i32
      %add3A_1394 = arith.addi %add3A_1334, %add3A_1393 : i32
      %dma_start3A_1395 = arith.constant 1 : i32
      %dma_start3A_1396 = arith.constant 0 : i32
      %dma_start3A_1397 = arith.constant 0 : i32
      %dma_start3A_1398 = arith.constant 0 : i32
      %dma_start3A_1399 = arith.constant 0 : i32
      %dma_start3A_1400 = arith.constant 0 : i32
      %dma_start3A_1401 = tpu.memref_slice %arg9[%dma_start3A_1397, %dma_start3A_1399, %dma_start3A_1400] : memref<2x64x64xf32, #tpu.memory_space<vmem>> -> memref<1x64x64xf32, #tpu.memory_space<vmem>>
      %dma_start3A_1402 = tpu.memref_squeeze %dma_start3A_1401 : memref<1x64x64xf32, #tpu.memory_space<vmem>> -> memref<64x64xf32, #tpu.memory_space<vmem>>
      %dma_start3A_1403 = arith.constant 0 : i32
      %dma_start3A_1404 = tpu.memref_slice %arg7[%dma_start3A_1395, %dma_start3A_1396, %dma_start3A_1403] : memref<2x4x64xi32, #tpu.memory_space<vmem>> -> memref<1x1x64xi32, #tpu.memory_space<vmem>>
      %dma_start3A_1405 = tpu.memref_squeeze %dma_start3A_1404 : memref<1x1x64xi32, #tpu.memory_space<vmem>> -> memref<64xi32, #tpu.memory_space<vmem>>
      %dma_start3A_1406 = arith.constant 0 : i32
      %dma_start3A_1407 = arith.constant 0 : i32
      %dma_start3A_1408 = tpu.memref_slice %arg10[%dma_start3A_1406, %dma_start3A_1407] : memref<20096x64xf32, #tpu.memory_space<vmem_shared>> -> memref<20096x64xf32, #tpu.memory_space<vmem_shared>>
      %dma_start3A_1409 = tpu.memref_slice %arg12[%dma_start3A_1398] : memref<2x!tpu.dma_semaphore, #tpu.memory_space<semaphore_mem>> -> memref<1x!tpu.dma_semaphore, #tpu.memory_space<semaphore_mem>>
      %dma_start3A_1410 = tpu.memref_squeeze %dma_start3A_1409 : memref<1x!tpu.dma_semaphore, #tpu.memory_space<semaphore_mem>> -> memref<!tpu.dma_semaphore, #tpu.memory_space<semaphore_mem>>
      tpu.enqueue_indirect_dma source(%dma_start3A_1408 : memref<20096x64xf32, #tpu.memory_space<vmem_shared>>) target(%dma_start3A_1402 : memref<64x64xf32, #tpu.memory_space<vmem>>) offsets(%dma_start3A_1405 : memref<64xi32, #tpu.memory_space<vmem>>) semaphore(%dma_start3A_1410 : memref<!tpu.dma_semaphore, #tpu.memory_space<semaphore_mem>>)
      %dma_wait3A_1411 = arith.constant 0 : i32
      %dma_wait3A_1412 = arith.constant 3 : i32
      %dma_wait3A_1413 = arith.constant 1 : i32
      %dma_wait3A_1414 = arith.constant 1 : i32
      %dma_wait3A_1415 = arith.constant 0 : i32
      %dma_wait3A_1416 = arith.constant 0 : i32
      %dma_wait3A_1417 = tpu.memref_slice %arg9[%dma_wait3A_1413, %dma_wait3A_1415, %dma_wait3A_1416] : memref<2x64x64xf32, #tpu.memory_space<vmem>> -> memref<1x64x64xf32, #tpu.memory_space<vmem>>
      %dma_wait3A_1418 = tpu.memref_squeeze %dma_wait3A_1417 : memref<1x64x64xf32, #tpu.memory_space<vmem>> -> memref<64x64xf32, #tpu.memory_space<vmem>>
      %dma_wait3A_1419 = arith.constant 0 : i32
      %dma_wait3A_1420 = tpu.memref_slice %arg7[%dma_wait3A_1411, %dma_wait3A_1412, %dma_wait3A_1419] : memref<2x4x64xi32, #tpu.memory_space<vmem>> -> memref<1x1x64xi32, #tpu.memory_space<vmem>>
      %dma_wait3A_1421 = tpu.memref_squeeze %dma_wait3A_1420 : memref<1x1x64xi32, #tpu.memory_space<vmem>> -> memref<64xi32, #tpu.memory_space<vmem>>
      %dma_wait3A_1422 = arith.constant 0 : i32
      %dma_wait3A_1423 = arith.constant 0 : i32
      %dma_wait3A_1424 = tpu.memref_slice %arg10[%dma_wait3A_1422, %dma_wait3A_1423] : memref<20096x64xf32, #tpu.memory_space<vmem_shared>> -> memref<20096x64xf32, #tpu.memory_space<vmem_shared>>
      %dma_wait3A_1425 = tpu.memref_slice %arg12[%dma_wait3A_1414] : memref<2x!tpu.dma_semaphore, #tpu.memory_space<semaphore_mem>> -> memref<1x!tpu.dma_semaphore, #tpu.memory_space<semaphore_mem>>
      %dma_wait3A_1426 = tpu.memref_squeeze %dma_wait3A_1425 : memref<1x!tpu.dma_semaphore, #tpu.memory_space<semaphore_mem>> -> memref<!tpu.dma_semaphore, #tpu.memory_space<semaphore_mem>>
      tpu.wait_indirect_dma semaphore(%dma_wait3A_1426 : memref<!tpu.dma_semaphore, #tpu.memory_space<semaphore_mem>>) src(%dma_wait3A_1424 : memref<20096x64xf32, #tpu.memory_space<vmem_shared>>) dst(%dma_wait3A_1418 : memref<64x64xf32, #tpu.memory_space<vmem>>)
      %dma_start3A_1427 = arith.constant 1 : i32
      %dma_start3A_1428 = arith.constant 0 : i32
      %dma_start3A_1429 = arith.constant 3 : i32
      %dma_start3A_1430 = arith.constant 1 : i32
      %dma_start3A_1431 = arith.constant 0 : i32
      %dma_start3A_1432 = arith.constant 0 : i32
      %dma_start3A_1433 = tpu.memref_slice %arg9[%dma_start3A_1427, %dma_start3A_1431, %dma_start3A_1432] : memref<2x64x64xf32, #tpu.memory_space<vmem>> -> memref<1x64x64xf32, #tpu.memory_space<vmem>>
      %dma_start3A_1434 = tpu.memref_squeeze %dma_start3A_1433 : memref<1x64x64xf32, #tpu.memory_space<vmem>> -> memref<64x64xf32, #tpu.memory_space<vmem>>
      %dma_start3A_1435 = arith.constant 0 : i32
      %dma_start3A_1436 = tpu.memref_slice %arg8[%dma_start3A_1428, %dma_start3A_1429, %dma_start3A_1435] : memref<2x4x64xi32, #tpu.memory_space<vmem>> -> memref<1x1x64xi32, #tpu.memory_space<vmem>>
      %dma_start3A_1437 = tpu.memref_squeeze %dma_start3A_1436 : memref<1x1x64xi32, #tpu.memory_space<vmem>> -> memref<64xi32, #tpu.memory_space<vmem>>
      %dma_start3A_1438 = arith.constant 0 : i32
      %dma_start3A_1439 = arith.constant 0 : i32
      %dma_start3A_1440 = tpu.memref_slice %arg11[%dma_start3A_1438, %dma_start3A_1439] : memref<10112x64xf32, #tpu.memory_space<vmem_shared>> -> memref<10112x64xf32, #tpu.memory_space<vmem_shared>>
      %dma_start3A_1441 = tpu.memref_slice %arg13[%dma_start3A_1430] : memref<2x!tpu.dma_semaphore, #tpu.memory_space<semaphore_mem>> -> memref<1x!tpu.dma_semaphore, #tpu.memory_space<semaphore_mem>>
      %dma_start3A_1442 = tpu.memref_squeeze %dma_start3A_1441 : memref<1x!tpu.dma_semaphore, #tpu.memory_space<semaphore_mem>> -> memref<!tpu.dma_semaphore, #tpu.memory_space<semaphore_mem>>
      tpu.enqueue_indirect_dma source(%dma_start3A_1434 : memref<64x64xf32, #tpu.memory_space<vmem>>) target(%dma_start3A_1440 : memref<10112x64xf32, #tpu.memory_space<vmem_shared>>) offsets(%dma_start3A_1437 : memref<64xi32, #tpu.memory_space<vmem>>) semaphore(%dma_start3A_1442 : memref<!tpu.dma_semaphore, #tpu.memory_space<semaphore_mem>>) {add = true}
    }
    %scan3A_429 = arith.constant 19 : i32
    %dma_wait3A_430 = arith.constant 1 : i32
    %dma_wait3A_431 = arith.constant 0 : i32
    %dma_wait3A_432 = arith.constant 3 : i32
    %dma_wait3A_433 = arith.constant 1 : i32
    %dma_wait3A_434 = arith.constant 0 : i32
    %dma_wait3A_435 = arith.constant 0 : i32
    %dma_wait3A_436 = tpu.memref_slice %arg9[%dma_wait3A_430, %dma_wait3A_434, %dma_wait3A_435] : memref<2x64x64xf32, #tpu.memory_space<vmem>> -> memref<1x64x64xf32, #tpu.memory_space<vmem>>
    %dma_wait3A_437 = tpu.memref_squeeze %dma_wait3A_436 : memref<1x64x64xf32, #tpu.memory_space<vmem>> -> memref<64x64xf32, #tpu.memory_space<vmem>>
    %dma_wait3A_438 = arith.constant 0 : i32
    %dma_wait3A_439 = tpu.memref_slice %arg8[%dma_wait3A_431, %dma_wait3A_432, %dma_wait3A_438] : memref<2x4x64xi32, #tpu.memory_space<vmem>> -> memref<1x1x64xi32, #tpu.memory_space<vmem>>
    %dma_wait3A_440 = tpu.memref_squeeze %dma_wait3A_439 : memref<1x1x64xi32, #tpu.memory_space<vmem>> -> memref<64xi32, #tpu.memory_space<vmem>>
    %dma_wait3A_441 = arith.constant 0 : i32
    %dma_wait3A_442 = arith.constant 0 : i32
    %dma_wait3A_443 = tpu.memref_slice %arg11[%dma_wait3A_441, %dma_wait3A_442] : memref<10112x64xf32, #tpu.memory_space<vmem_shared>> -> memref<10112x64xf32, #tpu.memory_space<vmem_shared>>
    %dma_wait3A_444 = tpu.memref_slice %arg13[%dma_wait3A_433] : memref<2x!tpu.dma_semaphore, #tpu.memory_space<semaphore_mem>> -> memref<1x!tpu.dma_semaphore, #tpu.memory_space<semaphore_mem>>
    %dma_wait3A_445 = tpu.memref_squeeze %dma_wait3A_444 : memref<1x!tpu.dma_semaphore, #tpu.memory_space<semaphore_mem>> -> memref<!tpu.dma_semaphore, #tpu.memory_space<semaphore_mem>>
    tpu.wait_indirect_dma semaphore(%dma_wait3A_445 : memref<!tpu.dma_semaphore, #tpu.memory_space<semaphore_mem>>) src(%dma_wait3A_437 : memref<64x64xf32, #tpu.memory_space<vmem>>) dst(%dma_wait3A_443 : memref<10112x64xf32, #tpu.memory_space<vmem_shared>>)
    %dma_start3A_446 = arith.constant 1 : i32
    %dma_start3A_447 = arith.constant 1 : i32
    %dma_start3A_448 = arith.constant 1 : i32
    %dma_start3A_449 = arith.constant 1 : i32
    %dma_start3A_450 = arith.constant 0 : i32
    %dma_start3A_451 = arith.constant 0 : i32
    %dma_start3A_452 = tpu.memref_slice %arg9[%dma_start3A_448, %dma_start3A_450, %dma_start3A_451] : memref<2x64x64xf32, #tpu.memory_space<vmem>> -> memref<1x64x64xf32, #tpu.memory_space<vmem>>
    %dma_start3A_453 = tpu.memref_squeeze %dma_start3A_452 : memref<1x64x64xf32, #tpu.memory_space<vmem>> -> memref<64x64xf32, #tpu.memory_space<vmem>>
    %dma_start3A_454 = arith.constant 0 : i32
    %dma_start3A_455 = tpu.memref_slice %arg7[%dma_start3A_446, %dma_start3A_447, %dma_start3A_454] : memref<2x4x64xi32, #tpu.memory_space<vmem>> -> memref<1x1x64xi32, #tpu.memory_space<vmem>>
    %dma_start3A_456 = tpu.memref_squeeze %dma_start3A_455 : memref<1x1x64xi32, #tpu.memory_space<vmem>> -> memref<64xi32, #tpu.memory_space<vmem>>
    %dma_start3A_457 = arith.constant 0 : i32
    %dma_start3A_458 = arith.constant 0 : i32
    %dma_start3A_459 = tpu.memref_slice %arg10[%dma_start3A_457, %dma_start3A_458] : memref<20096x64xf32, #tpu.memory_space<vmem_shared>> -> memref<20096x64xf32, #tpu.memory_space<vmem_shared>>
    %dma_start3A_460 = tpu.memref_slice %arg12[%dma_start3A_449] : memref<2x!tpu.dma_semaphore, #tpu.memory_space<semaphore_mem>> -> memref<1x!tpu.dma_semaphore, #tpu.memory_space<semaphore_mem>>
    %dma_start3A_461 = tpu.memref_squeeze %dma_start3A_460 : memref<1x!tpu.dma_semaphore, #tpu.memory_space<semaphore_mem>> -> memref<!tpu.dma_semaphore, #tpu.memory_space<semaphore_mem>>
    tpu.enqueue_indirect_dma source(%dma_start3A_459 : memref<20096x64xf32, #tpu.memory_space<vmem_shared>>) target(%dma_start3A_453 : memref<64x64xf32, #tpu.memory_space<vmem>>) offsets(%dma_start3A_456 : memref<64xi32, #tpu.memory_space<vmem>>) semaphore(%dma_start3A_461 : memref<!tpu.dma_semaphore, #tpu.memory_space<semaphore_mem>>)
    %dma_wait3A_462 = arith.constant 1 : i32
    %dma_wait3A_463 = arith.constant 0 : i32
    %dma_wait3A_464 = arith.constant 0 : i32
    %dma_wait3A_465 = arith.constant 0 : i32
    %dma_wait3A_466 = arith.constant 0 : i32
    %dma_wait3A_467 = arith.constant 0 : i32
    %dma_wait3A_468 = tpu.memref_slice %arg9[%dma_wait3A_464, %dma_wait3A_466, %dma_wait3A_467] : memref<2x64x64xf32, #tpu.memory_space<vmem>> -> memref<1x64x64xf32, #tpu.memory_space<vmem>>
    %dma_wait3A_469 = tpu.memref_squeeze %dma_wait3A_468 : memref<1x64x64xf32, #tpu.memory_space<vmem>> -> memref<64x64xf32, #tpu.memory_space<vmem>>
    %dma_wait3A_470 = arith.constant 0 : i32
    %dma_wait3A_471 = tpu.memref_slice %arg7[%dma_wait3A_462, %dma_wait3A_463, %dma_wait3A_470] : memref<2x4x64xi32, #tpu.memory_space<vmem>> -> memref<1x1x64xi32, #tpu.memory_space<vmem>>
    %dma_wait3A_472 = tpu.memref_squeeze %dma_wait3A_471 : memref<1x1x64xi32, #tpu.memory_space<vmem>> -> memref<64xi32, #tpu.memory_space<vmem>>
    %dma_wait3A_473 = arith.constant 0 : i32
    %dma_wait3A_474 = arith.constant 0 : i32
    %dma_wait3A_475 = tpu.memref_slice %arg10[%dma_wait3A_473, %dma_wait3A_474] : memref<20096x64xf32, #tpu.memory_space<vmem_shared>> -> memref<20096x64xf32, #tpu.memory_space<vmem_shared>>
    %dma_wait3A_476 = tpu.memref_slice %arg12[%dma_wait3A_465] : memref<2x!tpu.dma_semaphore, #tpu.memory_space<semaphore_mem>> -> memref<1x!tpu.dma_semaphore, #tpu.memory_space<semaphore_mem>>
    %dma_wait3A_477 = tpu.memref_squeeze %dma_wait3A_476 : memref<1x!tpu.dma_semaphore, #tpu.memory_space<semaphore_mem>> -> memref<!tpu.dma_semaphore, #tpu.memory_space<semaphore_mem>>
    tpu.wait_indirect_dma semaphore(%dma_wait3A_477 : memref<!tpu.dma_semaphore, #tpu.memory_space<semaphore_mem>>) src(%dma_wait3A_475 : memref<20096x64xf32, #tpu.memory_space<vmem_shared>>) dst(%dma_wait3A_469 : memref<64x64xf32, #tpu.memory_space<vmem>>)
    %dma_start3A_478 = arith.constant 0 : i32
    %dma_start3A_479 = arith.constant 1 : i32
    %dma_start3A_480 = arith.constant 0 : i32
    %dma_start3A_481 = arith.constant 0 : i32
    %dma_start3A_482 = arith.constant 0 : i32
    %dma_start3A_483 = arith.constant 0 : i32
    %dma_start3A_484 = tpu.memref_slice %arg9[%dma_start3A_478, %dma_start3A_482, %dma_start3A_483] : memref<2x64x64xf32, #tpu.memory_space<vmem>> -> memref<1x64x64xf32, #tpu.memory_space<vmem>>
    %dma_start3A_485 = tpu.memref_squeeze %dma_start3A_484 : memref<1x64x64xf32, #tpu.memory_space<vmem>> -> memref<64x64xf32, #tpu.memory_space<vmem>>
    %dma_start3A_486 = arith.constant 0 : i32
    %dma_start3A_487 = tpu.memref_slice %arg8[%dma_start3A_479, %dma_start3A_480, %dma_start3A_486] : memref<2x4x64xi32, #tpu.memory_space<vmem>> -> memref<1x1x64xi32, #tpu.memory_space<vmem>>
    %dma_start3A_488 = tpu.memref_squeeze %dma_start3A_487 : memref<1x1x64xi32, #tpu.memory_space<vmem>> -> memref<64xi32, #tpu.memory_space<vmem>>
    %dma_start3A_489 = arith.constant 0 : i32
    %dma_start3A_490 = arith.constant 0 : i32
    %dma_start3A_491 = tpu.memref_slice %arg11[%dma_start3A_489, %dma_start3A_490] : memref<10112x64xf32, #tpu.memory_space<vmem_shared>> -> memref<10112x64xf32, #tpu.memory_space<vmem_shared>>
    %dma_start3A_492 = tpu.memref_slice %arg13[%dma_start3A_481] : memref<2x!tpu.dma_semaphore, #tpu.memory_space<semaphore_mem>> -> memref<1x!tpu.dma_semaphore, #tpu.memory_space<semaphore_mem>>
    %dma_start3A_493 = tpu.memref_squeeze %dma_start3A_492 : memref<1x!tpu.dma_semaphore, #tpu.memory_space<semaphore_mem>> -> memref<!tpu.dma_semaphore, #tpu.memory_space<semaphore_mem>>
    tpu.enqueue_indirect_dma source(%dma_start3A_485 : memref<64x64xf32, #tpu.memory_space<vmem>>) target(%dma_start3A_491 : memref<10112x64xf32, #tpu.memory_space<vmem_shared>>) offsets(%dma_start3A_488 : memref<64xi32, #tpu.memory_space<vmem>>) semaphore(%dma_start3A_493 : memref<!tpu.dma_semaphore, #tpu.memory_space<semaphore_mem>>) {add = true}
    %dma_wait3A_494 = arith.constant 0 : i32
    %dma_wait3A_495 = arith.constant 1 : i32
    %dma_wait3A_496 = arith.constant 0 : i32
    %dma_wait3A_497 = arith.constant 0 : i32
    %dma_wait3A_498 = arith.constant 0 : i32
    %dma_wait3A_499 = arith.constant 0 : i32
    %dma_wait3A_500 = tpu.memref_slice %arg9[%dma_wait3A_494, %dma_wait3A_498, %dma_wait3A_499] : memref<2x64x64xf32, #tpu.memory_space<vmem>> -> memref<1x64x64xf32, #tpu.memory_space<vmem>>
    %dma_wait3A_501 = tpu.memref_squeeze %dma_wait3A_500 : memref<1x64x64xf32, #tpu.memory_space<vmem>> -> memref<64x64xf32, #tpu.memory_space<vmem>>
    %dma_wait3A_502 = arith.constant 0 : i32
    %dma_wait3A_503 = tpu.memref_slice %arg8[%dma_wait3A_495, %dma_wait3A_496, %dma_wait3A_502] : memref<2x4x64xi32, #tpu.memory_space<vmem>> -> memref<1x1x64xi32, #tpu.memory_space<vmem>>
    %dma_wait3A_504 = tpu.memref_squeeze %dma_wait3A_503 : memref<1x1x64xi32, #tpu.memory_space<vmem>> -> memref<64xi32, #tpu.memory_space<vmem>>
    %dma_wait3A_505 = arith.constant 0 : i32
    %dma_wait3A_506 = arith.constant 0 : i32
    %dma_wait3A_507 = tpu.memref_slice %arg11[%dma_wait3A_505, %dma_wait3A_506] : memref<10112x64xf32, #tpu.memory_space<vmem_shared>> -> memref<10112x64xf32, #tpu.memory_space<vmem_shared>>
    %dma_wait3A_508 = tpu.memref_slice %arg13[%dma_wait3A_497] : memref<2x!tpu.dma_semaphore, #tpu.memory_space<semaphore_mem>> -> memref<1x!tpu.dma_semaphore, #tpu.memory_space<semaphore_mem>>
    %dma_wait3A_509 = tpu.memref_squeeze %dma_wait3A_508 : memref<1x!tpu.dma_semaphore, #tpu.memory_space<semaphore_mem>> -> memref<!tpu.dma_semaphore, #tpu.memory_space<semaphore_mem>>
    tpu.wait_indirect_dma semaphore(%dma_wait3A_509 : memref<!tpu.dma_semaphore, #tpu.memory_space<semaphore_mem>>) src(%dma_wait3A_501 : memref<64x64xf32, #tpu.memory_space<vmem>>) dst(%dma_wait3A_507 : memref<10112x64xf32, #tpu.memory_space<vmem_shared>>)
    %dma_start3A_510 = arith.constant 1 : i32
    %dma_start3A_511 = arith.constant 2 : i32
    %dma_start3A_512 = arith.constant 0 : i32
    %dma_start3A_513 = arith.constant 0 : i32
    %dma_start3A_514 = arith.constant 0 : i32
    %dma_start3A_515 = arith.constant 0 : i32
    %dma_start3A_516 = tpu.memref_slice %arg9[%dma_start3A_512, %dma_start3A_514, %dma_start3A_515] : memref<2x64x64xf32, #tpu.memory_space<vmem>> -> memref<1x64x64xf32, #tpu.memory_space<vmem>>
    %dma_start3A_517 = tpu.memref_squeeze %dma_start3A_516 : memref<1x64x64xf32, #tpu.memory_space<vmem>> -> memref<64x64xf32, #tpu.memory_space<vmem>>
    %dma_start3A_518 = arith.constant 0 : i32
    %dma_start3A_519 = tpu.memref_slice %arg7[%dma_start3A_510, %dma_start3A_511, %dma_start3A_518] : memref<2x4x64xi32, #tpu.memory_space<vmem>> -> memref<1x1x64xi32, #tpu.memory_space<vmem>>
    %dma_start3A_520 = tpu.memref_squeeze %dma_start3A_519 : memref<1x1x64xi32, #tpu.memory_space<vmem>> -> memref<64xi32, #tpu.memory_space<vmem>>
    %dma_start3A_521 = arith.constant 0 : i32
    %dma_start3A_522 = arith.constant 0 : i32
    %dma_start3A_523 = tpu.memref_slice %arg10[%dma_start3A_521, %dma_start3A_522] : memref<20096x64xf32, #tpu.memory_space<vmem_shared>> -> memref<20096x64xf32, #tpu.memory_space<vmem_shared>>
    %dma_start3A_524 = tpu.memref_slice %arg12[%dma_start3A_513] : memref<2x!tpu.dma_semaphore, #tpu.memory_space<semaphore_mem>> -> memref<1x!tpu.dma_semaphore, #tpu.memory_space<semaphore_mem>>
    %dma_start3A_525 = tpu.memref_squeeze %dma_start3A_524 : memref<1x!tpu.dma_semaphore, #tpu.memory_space<semaphore_mem>> -> memref<!tpu.dma_semaphore, #tpu.memory_space<semaphore_mem>>
    tpu.enqueue_indirect_dma source(%dma_start3A_523 : memref<20096x64xf32, #tpu.memory_space<vmem_shared>>) target(%dma_start3A_517 : memref<64x64xf32, #tpu.memory_space<vmem>>) offsets(%dma_start3A_520 : memref<64xi32, #tpu.memory_space<vmem>>) semaphore(%dma_start3A_525 : memref<!tpu.dma_semaphore, #tpu.memory_space<semaphore_mem>>)
    %dma_wait3A_526 = arith.constant 1 : i32
    %dma_wait3A_527 = arith.constant 1 : i32
    %dma_wait3A_528 = arith.constant 1 : i32
    %dma_wait3A_529 = arith.constant 1 : i32
    %dma_wait3A_530 = arith.constant 0 : i32
    %dma_wait3A_531 = arith.constant 0 : i32
    %dma_wait3A_532 = tpu.memref_slice %arg9[%dma_wait3A_528, %dma_wait3A_530, %dma_wait3A_531] : memref<2x64x64xf32, #tpu.memory_space<vmem>> -> memref<1x64x64xf32, #tpu.memory_space<vmem>>
    %dma_wait3A_533 = tpu.memref_squeeze %dma_wait3A_532 : memref<1x64x64xf32, #tpu.memory_space<vmem>> -> memref<64x64xf32, #tpu.memory_space<vmem>>
    %dma_wait3A_534 = arith.constant 0 : i32
    %dma_wait3A_535 = tpu.memref_slice %arg7[%dma_wait3A_526, %dma_wait3A_527, %dma_wait3A_534] : memref<2x4x64xi32, #tpu.memory_space<vmem>> -> memref<1x1x64xi32, #tpu.memory_space<vmem>>
    %dma_wait3A_536 = tpu.memref_squeeze %dma_wait3A_535 : memref<1x1x64xi32, #tpu.memory_space<vmem>> -> memref<64xi32, #tpu.memory_space<vmem>>
    %dma_wait3A_537 = arith.constant 0 : i32
    %dma_wait3A_538 = arith.constant 0 : i32
    %dma_wait3A_539 = tpu.memref_slice %arg10[%dma_wait3A_537, %dma_wait3A_538] : memref<20096x64xf32, #tpu.memory_space<vmem_shared>> -> memref<20096x64xf32, #tpu.memory_space<vmem_shared>>
    %dma_wait3A_540 = tpu.memref_slice %arg12[%dma_wait3A_529] : memref<2x!tpu.dma_semaphore, #tpu.memory_space<semaphore_mem>> -> memref<1x!tpu.dma_semaphore, #tpu.memory_space<semaphore_mem>>
    %dma_wait3A_541 = tpu.memref_squeeze %dma_wait3A_540 : memref<1x!tpu.dma_semaphore, #tpu.memory_space<semaphore_mem>> -> memref<!tpu.dma_semaphore, #tpu.memory_space<semaphore_mem>>
    tpu.wait_indirect_dma semaphore(%dma_wait3A_541 : memref<!tpu.dma_semaphore, #tpu.memory_space<semaphore_mem>>) src(%dma_wait3A_539 : memref<20096x64xf32, #tpu.memory_space<vmem_shared>>) dst(%dma_wait3A_533 : memref<64x64xf32, #tpu.memory_space<vmem>>)
    %dma_start3A_542 = arith.constant 1 : i32
    %dma_start3A_543 = arith.constant 1 : i32
    %dma_start3A_544 = arith.constant 1 : i32
    %dma_start3A_545 = arith.constant 1 : i32
    %dma_start3A_546 = arith.constant 0 : i32
    %dma_start3A_547 = arith.constant 0 : i32
    %dma_start3A_548 = tpu.memref_slice %arg9[%dma_start3A_542, %dma_start3A_546, %dma_start3A_547] : memref<2x64x64xf32, #tpu.memory_space<vmem>> -> memref<1x64x64xf32, #tpu.memory_space<vmem>>
    %dma_start3A_549 = tpu.memref_squeeze %dma_start3A_548 : memref<1x64x64xf32, #tpu.memory_space<vmem>> -> memref<64x64xf32, #tpu.memory_space<vmem>>
    %dma_start3A_550 = arith.constant 0 : i32
    %dma_start3A_551 = tpu.memref_slice %arg8[%dma_start3A_543, %dma_start3A_544, %dma_start3A_550] : memref<2x4x64xi32, #tpu.memory_space<vmem>> -> memref<1x1x64xi32, #tpu.memory_space<vmem>>
    %dma_start3A_552 = tpu.memref_squeeze %dma_start3A_551 : memref<1x1x64xi32, #tpu.memory_space<vmem>> -> memref<64xi32, #tpu.memory_space<vmem>>
    %dma_start3A_553 = arith.constant 0 : i32
    %dma_start3A_554 = arith.constant 0 : i32
    %dma_start3A_555 = tpu.memref_slice %arg11[%dma_start3A_553, %dma_start3A_554] : memref<10112x64xf32, #tpu.memory_space<vmem_shared>> -> memref<10112x64xf32, #tpu.memory_space<vmem_shared>>
    %dma_start3A_556 = tpu.memref_slice %arg13[%dma_start3A_545] : memref<2x!tpu.dma_semaphore, #tpu.memory_space<semaphore_mem>> -> memref<1x!tpu.dma_semaphore, #tpu.memory_space<semaphore_mem>>
    %dma_start3A_557 = tpu.memref_squeeze %dma_start3A_556 : memref<1x!tpu.dma_semaphore, #tpu.memory_space<semaphore_mem>> -> memref<!tpu.dma_semaphore, #tpu.memory_space<semaphore_mem>>
    tpu.enqueue_indirect_dma source(%dma_start3A_549 : memref<64x64xf32, #tpu.memory_space<vmem>>) target(%dma_start3A_555 : memref<10112x64xf32, #tpu.memory_space<vmem_shared>>) offsets(%dma_start3A_552 : memref<64xi32, #tpu.memory_space<vmem>>) semaphore(%dma_start3A_557 : memref<!tpu.dma_semaphore, #tpu.memory_space<semaphore_mem>>) {add = true}
    %dma_wait3A_558 = arith.constant 1 : i32
    %dma_wait3A_559 = arith.constant 1 : i32
    %dma_wait3A_560 = arith.constant 1 : i32
    %dma_wait3A_561 = arith.constant 1 : i32
    %dma_wait3A_562 = arith.constant 0 : i32
    %dma_wait3A_563 = arith.constant 0 : i32
    %dma_wait3A_564 = tpu.memref_slice %arg9[%dma_wait3A_558, %dma_wait3A_562, %dma_wait3A_563] : memref<2x64x64xf32, #tpu.memory_space<vmem>> -> memref<1x64x64xf32, #tpu.memory_space<vmem>>
    %dma_wait3A_565 = tpu.memref_squeeze %dma_wait3A_564 : memref<1x64x64xf32, #tpu.memory_space<vmem>> -> memref<64x64xf32, #tpu.memory_space<vmem>>
    %dma_wait3A_566 = arith.constant 0 : i32
    %dma_wait3A_567 = tpu.memref_slice %arg8[%dma_wait3A_559, %dma_wait3A_560, %dma_wait3A_566] : memref<2x4x64xi32, #tpu.memory_space<vmem>> -> memref<1x1x64xi32, #tpu.memory_space<vmem>>
    %dma_wait3A_568 = tpu.memref_squeeze %dma_wait3A_567 : memref<1x1x64xi32, #tpu.memory_space<vmem>> -> memref<64xi32, #tpu.memory_space<vmem>>
    %dma_wait3A_569 = arith.constant 0 : i32
    %dma_wait3A_570 = arith.constant 0 : i32
    %dma_wait3A_571 = tpu.memref_slice %arg11[%dma_wait3A_569, %dma_wait3A_570] : memref<10112x64xf32, #tpu.memory_space<vmem_shared>> -> memref<10112x64xf32, #tpu.memory_space<vmem_shared>>
    %dma_wait3A_572 = tpu.memref_slice %arg13[%dma_wait3A_561] : memref<2x!tpu.dma_semaphore, #tpu.memory_space<semaphore_mem>> -> memref<1x!tpu.dma_semaphore, #tpu.memory_space<semaphore_mem>>
    %dma_wait3A_573 = tpu.memref_squeeze %dma_wait3A_572 : memref<1x!tpu.dma_semaphore, #tpu.memory_space<semaphore_mem>> -> memref<!tpu.dma_semaphore, #tpu.memory_space<semaphore_mem>>
    tpu.wait_indirect_dma semaphore(%dma_wait3A_573 : memref<!tpu.dma_semaphore, #tpu.memory_space<semaphore_mem>>) src(%dma_wait3A_565 : memref<64x64xf32, #tpu.memory_space<vmem>>) dst(%dma_wait3A_571 : memref<10112x64xf32, #tpu.memory_space<vmem_shared>>)
    %dma_start3A_574 = arith.constant 1 : i32
    %dma_start3A_575 = arith.constant 3 : i32
    %dma_start3A_576 = arith.constant 1 : i32
    %dma_start3A_577 = arith.constant 1 : i32
    %dma_start3A_578 = arith.constant 0 : i32
    %dma_start3A_579 = arith.constant 0 : i32
    %dma_start3A_580 = tpu.memref_slice %arg9[%dma_start3A_576, %dma_start3A_578, %dma_start3A_579] : memref<2x64x64xf32, #tpu.memory_space<vmem>> -> memref<1x64x64xf32, #tpu.memory_space<vmem>>
    %dma_start3A_581 = tpu.memref_squeeze %dma_start3A_580 : memref<1x64x64xf32, #tpu.memory_space<vmem>> -> memref<64x64xf32, #tpu.memory_space<vmem>>
    %dma_start3A_582 = arith.constant 0 : i32
    %dma_start3A_583 = tpu.memref_slice %arg7[%dma_start3A_574, %dma_start3A_575, %dma_start3A_582] : memref<2x4x64xi32, #tpu.memory_space<vmem>> -> memref<1x1x64xi32, #tpu.memory_space<vmem>>
    %dma_start3A_584 = tpu.memref_squeeze %dma_start3A_583 : memref<1x1x64xi32, #tpu.memory_space<vmem>> -> memref<64xi32, #tpu.memory_space<vmem>>
    %dma_start3A_585 = arith.constant 0 : i32
    %dma_start3A_586 = arith.constant 0 : i32
    %dma_start3A_587 = tpu.memref_slice %arg10[%dma_start3A_585, %dma_start3A_586] : memref<20096x64xf32, #tpu.memory_space<vmem_shared>> -> memref<20096x64xf32, #tpu.memory_space<vmem_shared>>
    %dma_start3A_588 = tpu.memref_slice %arg12[%dma_start3A_577] : memref<2x!tpu.dma_semaphore, #tpu.memory_space<semaphore_mem>> -> memref<1x!tpu.dma_semaphore, #tpu.memory_space<semaphore_mem>>
    %dma_start3A_589 = tpu.memref_squeeze %dma_start3A_588 : memref<1x!tpu.dma_semaphore, #tpu.memory_space<semaphore_mem>> -> memref<!tpu.dma_semaphore, #tpu.memory_space<semaphore_mem>>
    tpu.enqueue_indirect_dma source(%dma_start3A_587 : memref<20096x64xf32, #tpu.memory_space<vmem_shared>>) target(%dma_start3A_581 : memref<64x64xf32, #tpu.memory_space<vmem>>) offsets(%dma_start3A_584 : memref<64xi32, #tpu.memory_space<vmem>>) semaphore(%dma_start3A_589 : memref<!tpu.dma_semaphore, #tpu.memory_space<semaphore_mem>>)
    %dma_wait3A_590 = arith.constant 1 : i32
    %dma_wait3A_591 = arith.constant 2 : i32
    %dma_wait3A_592 = arith.constant 0 : i32
    %dma_wait3A_593 = arith.constant 0 : i32
    %dma_wait3A_594 = arith.constant 0 : i32
    %dma_wait3A_595 = arith.constant 0 : i32
    %dma_wait3A_596 = tpu.memref_slice %arg9[%dma_wait3A_592, %dma_wait3A_594, %dma_wait3A_595] : memref<2x64x64xf32, #tpu.memory_space<vmem>> -> memref<1x64x64xf32, #tpu.memory_space<vmem>>
    %dma_wait3A_597 = tpu.memref_squeeze %dma_wait3A_596 : memref<1x64x64xf32, #tpu.memory_space<vmem>> -> memref<64x64xf32, #tpu.memory_space<vmem>>
    %dma_wait3A_598 = arith.constant 0 : i32
    %dma_wait3A_599 = tpu.memref_slice %arg7[%dma_wait3A_590, %dma_wait3A_591, %dma_wait3A_598] : memref<2x4x64xi32, #tpu.memory_space<vmem>> -> memref<1x1x64xi32, #tpu.memory_space<vmem>>
    %dma_wait3A_600 = tpu.memref_squeeze %dma_wait3A_599 : memref<1x1x64xi32, #tpu.memory_space<vmem>> -> memref<64xi32, #tpu.memory_space<vmem>>
    %dma_wait3A_601 = arith.constant 0 : i32
    %dma_wait3A_602 = arith.constant 0 : i32
    %dma_wait3A_603 = tpu.memref_slice %arg10[%dma_wait3A_601, %dma_wait3A_602] : memref<20096x64xf32, #tpu.memory_space<vmem_shared>> -> memref<20096x64xf32, #tpu.memory_space<vmem_shared>>
    %dma_wait3A_604 = tpu.memref_slice %arg12[%dma_wait3A_593] : memref<2x!tpu.dma_semaphore, #tpu.memory_space<semaphore_mem>> -> memref<1x!tpu.dma_semaphore, #tpu.memory_space<semaphore_mem>>
    %dma_wait3A_605 = tpu.memref_squeeze %dma_wait3A_604 : memref<1x!tpu.dma_semaphore, #tpu.memory_space<semaphore_mem>> -> memref<!tpu.dma_semaphore, #tpu.memory_space<semaphore_mem>>
    tpu.wait_indirect_dma semaphore(%dma_wait3A_605 : memref<!tpu.dma_semaphore, #tpu.memory_space<semaphore_mem>>) src(%dma_wait3A_603 : memref<20096x64xf32, #tpu.memory_space<vmem_shared>>) dst(%dma_wait3A_597 : memref<64x64xf32, #tpu.memory_space<vmem>>)
    %dma_start3A_606 = arith.constant 0 : i32
    %dma_start3A_607 = arith.constant 1 : i32
    %dma_start3A_608 = arith.constant 2 : i32
    %dma_start3A_609 = arith.constant 0 : i32
    %dma_start3A_610 = arith.constant 0 : i32
    %dma_start3A_611 = arith.constant 0 : i32
    %dma_start3A_612 = tpu.memref_slice %arg9[%dma_start3A_606, %dma_start3A_610, %dma_start3A_611] : memref<2x64x64xf32, #tpu.memory_space<vmem>> -> memref<1x64x64xf32, #tpu.memory_space<vmem>>
    %dma_start3A_613 = tpu.memref_squeeze %dma_start3A_612 : memref<1x64x64xf32, #tpu.memory_space<vmem>> -> memref<64x64xf32, #tpu.memory_space<vmem>>
    %dma_start3A_614 = arith.constant 0 : i32
    %dma_start3A_615 = tpu.memref_slice %arg8[%dma_start3A_607, %dma_start3A_608, %dma_start3A_614] : memref<2x4x64xi32, #tpu.memory_space<vmem>> -> memref<1x1x64xi32, #tpu.memory_space<vmem>>
    %dma_start3A_616 = tpu.memref_squeeze %dma_start3A_615 : memref<1x1x64xi32, #tpu.memory_space<vmem>> -> memref<64xi32, #tpu.memory_space<vmem>>
    %dma_start3A_617 = arith.constant 0 : i32
    %dma_start3A_618 = arith.constant 0 : i32
    %dma_start3A_619 = tpu.memref_slice %arg11[%dma_start3A_617, %dma_start3A_618] : memref<10112x64xf32, #tpu.memory_space<vmem_shared>> -> memref<10112x64xf32, #tpu.memory_space<vmem_shared>>
    %dma_start3A_620 = tpu.memref_slice %arg13[%dma_start3A_609] : memref<2x!tpu.dma_semaphore, #tpu.memory_space<semaphore_mem>> -> memref<1x!tpu.dma_semaphore, #tpu.memory_space<semaphore_mem>>
    %dma_start3A_621 = tpu.memref_squeeze %dma_start3A_620 : memref<1x!tpu.dma_semaphore, #tpu.memory_space<semaphore_mem>> -> memref<!tpu.dma_semaphore, #tpu.memory_space<semaphore_mem>>
    tpu.enqueue_indirect_dma source(%dma_start3A_613 : memref<64x64xf32, #tpu.memory_space<vmem>>) target(%dma_start3A_619 : memref<10112x64xf32, #tpu.memory_space<vmem_shared>>) offsets(%dma_start3A_616 : memref<64xi32, #tpu.memory_space<vmem>>) semaphore(%dma_start3A_621 : memref<!tpu.dma_semaphore, #tpu.memory_space<semaphore_mem>>) {add = true}
    %dma_wait3A_622 = arith.constant 0 : i32
    %dma_wait3A_623 = arith.constant 1 : i32
    %dma_wait3A_624 = arith.constant 2 : i32
    %dma_wait3A_625 = arith.constant 0 : i32
    %dma_wait3A_626 = arith.constant 0 : i32
    %dma_wait3A_627 = arith.constant 0 : i32
    %dma_wait3A_628 = tpu.memref_slice %arg9[%dma_wait3A_622, %dma_wait3A_626, %dma_wait3A_627] : memref<2x64x64xf32, #tpu.memory_space<vmem>> -> memref<1x64x64xf32, #tpu.memory_space<vmem>>
    %dma_wait3A_629 = tpu.memref_squeeze %dma_wait3A_628 : memref<1x64x64xf32, #tpu.memory_space<vmem>> -> memref<64x64xf32, #tpu.memory_space<vmem>>
    %dma_wait3A_630 = arith.constant 0 : i32
    %dma_wait3A_631 = tpu.memref_slice %arg8[%dma_wait3A_623, %dma_wait3A_624, %dma_wait3A_630] : memref<2x4x64xi32, #tpu.memory_space<vmem>> -> memref<1x1x64xi32, #tpu.memory_space<vmem>>
    %dma_wait3A_632 = tpu.memref_squeeze %dma_wait3A_631 : memref<1x1x64xi32, #tpu.memory_space<vmem>> -> memref<64xi32, #tpu.memory_space<vmem>>
    %dma_wait3A_633 = arith.constant 0 : i32
    %dma_wait3A_634 = arith.constant 0 : i32
    %dma_wait3A_635 = tpu.memref_slice %arg11[%dma_wait3A_633, %dma_wait3A_634] : memref<10112x64xf32, #tpu.memory_space<vmem_shared>> -> memref<10112x64xf32, #tpu.memory_space<vmem_shared>>
    %dma_wait3A_636 = tpu.memref_slice %arg13[%dma_wait3A_625] : memref<2x!tpu.dma_semaphore, #tpu.memory_space<semaphore_mem>> -> memref<1x!tpu.dma_semaphore, #tpu.memory_space<semaphore_mem>>
    %dma_wait3A_637 = tpu.memref_squeeze %dma_wait3A_636 : memref<1x!tpu.dma_semaphore, #tpu.memory_space<semaphore_mem>> -> memref<!tpu.dma_semaphore, #tpu.memory_space<semaphore_mem>>
    tpu.wait_indirect_dma semaphore(%dma_wait3A_637 : memref<!tpu.dma_semaphore, #tpu.memory_space<semaphore_mem>>) src(%dma_wait3A_629 : memref<64x64xf32, #tpu.memory_space<vmem>>) dst(%dma_wait3A_635 : memref<10112x64xf32, #tpu.memory_space<vmem_shared>>)
    %dma_wait3A_638 = arith.constant 1 : i32
    %dma_wait3A_639 = arith.constant 3 : i32
    %dma_wait3A_640 = arith.constant 1 : i32
    %dma_wait3A_641 = arith.constant 1 : i32
    %dma_wait3A_642 = arith.constant 0 : i32
    %dma_wait3A_643 = arith.constant 0 : i32
    %dma_wait3A_644 = tpu.memref_slice %arg9[%dma_wait3A_640, %dma_wait3A_642, %dma_wait3A_643] : memref<2x64x64xf32, #tpu.memory_space<vmem>> -> memref<1x64x64xf32, #tpu.memory_space<vmem>>
    %dma_wait3A_645 = tpu.memref_squeeze %dma_wait3A_644 : memref<1x64x64xf32, #tpu.memory_space<vmem>> -> memref<64x64xf32, #tpu.memory_space<vmem>>
    %dma_wait3A_646 = arith.constant 0 : i32
    %dma_wait3A_647 = tpu.memref_slice %arg7[%dma_wait3A_638, %dma_wait3A_639, %dma_wait3A_646] : memref<2x4x64xi32, #tpu.memory_space<vmem>> -> memref<1x1x64xi32, #tpu.memory_space<vmem>>
    %dma_wait3A_648 = tpu.memref_squeeze %dma_wait3A_647 : memref<1x1x64xi32, #tpu.memory_space<vmem>> -> memref<64xi32, #tpu.memory_space<vmem>>
    %dma_wait3A_649 = arith.constant 0 : i32
    %dma_wait3A_650 = arith.constant 0 : i32
    %dma_wait3A_651 = tpu.memref_slice %arg10[%dma_wait3A_649, %dma_wait3A_650] : memref<20096x64xf32, #tpu.memory_space<vmem_shared>> -> memref<20096x64xf32, #tpu.memory_space<vmem_shared>>
    %dma_wait3A_652 = tpu.memref_slice %arg12[%dma_wait3A_641] : memref<2x!tpu.dma_semaphore, #tpu.memory_space<semaphore_mem>> -> memref<1x!tpu.dma_semaphore, #tpu.memory_space<semaphore_mem>>
    %dma_wait3A_653 = tpu.memref_squeeze %dma_wait3A_652 : memref<1x!tpu.dma_semaphore, #tpu.memory_space<semaphore_mem>> -> memref<!tpu.dma_semaphore, #tpu.memory_space<semaphore_mem>>
    tpu.wait_indirect_dma semaphore(%dma_wait3A_653 : memref<!tpu.dma_semaphore, #tpu.memory_space<semaphore_mem>>) src(%dma_wait3A_651 : memref<20096x64xf32, #tpu.memory_space<vmem_shared>>) dst(%dma_wait3A_645 : memref<64x64xf32, #tpu.memory_space<vmem>>)
    %dma_start3A_654 = arith.constant 1 : i32
    %dma_start3A_655 = arith.constant 1 : i32
    %dma_start3A_656 = arith.constant 3 : i32
    %dma_start3A_657 = arith.constant 1 : i32
    %dma_start3A_658 = arith.constant 0 : i32
    %dma_start3A_659 = arith.constant 0 : i32
    %dma_start3A_660 = tpu.memref_slice %arg9[%dma_start3A_654, %dma_start3A_658, %dma_start3A_659] : memref<2x64x64xf32, #tpu.memory_space<vmem>> -> memref<1x64x64xf32, #tpu.memory_space<vmem>>
    %dma_start3A_661 = tpu.memref_squeeze %dma_start3A_660 : memref<1x64x64xf32, #tpu.memory_space<vmem>> -> memref<64x64xf32, #tpu.memory_space<vmem>>
    %dma_start3A_662 = arith.constant 0 : i32
    %dma_start3A_663 = tpu.memref_slice %arg8[%dma_start3A_655, %dma_start3A_656, %dma_start3A_662] : memref<2x4x64xi32, #tpu.memory_space<vmem>> -> memref<1x1x64xi32, #tpu.memory_space<vmem>>
    %dma_start3A_664 = tpu.memref_squeeze %dma_start3A_663 : memref<1x1x64xi32, #tpu.memory_space<vmem>> -> memref<64xi32, #tpu.memory_space<vmem>>
    %dma_start3A_665 = arith.constant 0 : i32
    %dma_start3A_666 = arith.constant 0 : i32
    %dma_start3A_667 = tpu.memref_slice %arg11[%dma_start3A_665, %dma_start3A_666] : memref<10112x64xf32, #tpu.memory_space<vmem_shared>> -> memref<10112x64xf32, #tpu.memory_space<vmem_shared>>
    %dma_start3A_668 = tpu.memref_slice %arg13[%dma_start3A_657] : memref<2x!tpu.dma_semaphore, #tpu.memory_space<semaphore_mem>> -> memref<1x!tpu.dma_semaphore, #tpu.memory_space<semaphore_mem>>
    %dma_start3A_669 = tpu.memref_squeeze %dma_start3A_668 : memref<1x!tpu.dma_semaphore, #tpu.memory_space<semaphore_mem>> -> memref<!tpu.dma_semaphore, #tpu.memory_space<semaphore_mem>>
    tpu.enqueue_indirect_dma source(%dma_start3A_661 : memref<64x64xf32, #tpu.memory_space<vmem>>) target(%dma_start3A_667 : memref<10112x64xf32, #tpu.memory_space<vmem_shared>>) offsets(%dma_start3A_664 : memref<64xi32, #tpu.memory_space<vmem>>) semaphore(%dma_start3A_669 : memref<!tpu.dma_semaphore, #tpu.memory_space<semaphore_mem>>) {add = true}
    %dma_wait3A_670 = arith.constant 1 : i32
    %dma_wait3A_671 = arith.constant 1 : i32
    %dma_wait3A_672 = arith.constant 3 : i32
    %dma_wait3A_673 = arith.constant 1 : i32
    %dma_wait3A_674 = arith.constant 0 : i32
    %dma_wait3A_675 = arith.constant 0 : i32
    %dma_wait3A_676 = tpu.memref_slice %arg9[%dma_wait3A_670, %dma_wait3A_674, %dma_wait3A_675] : memref<2x64x64xf32, #tpu.memory_space<vmem>> -> memref<1x64x64xf32, #tpu.memory_space<vmem>>
    %dma_wait3A_677 = tpu.memref_squeeze %dma_wait3A_676 : memref<1x64x64xf32, #tpu.memory_space<vmem>> -> memref<64x64xf32, #tpu.memory_space<vmem>>
    %dma_wait3A_678 = arith.constant 0 : i32
    %dma_wait3A_679 = tpu.memref_slice %arg8[%dma_wait3A_671, %dma_wait3A_672, %dma_wait3A_678] : memref<2x4x64xi32, #tpu.memory_space<vmem>> -> memref<1x1x64xi32, #tpu.memory_space<vmem>>
    %dma_wait3A_680 = tpu.memref_squeeze %dma_wait3A_679 : memref<1x1x64xi32, #tpu.memory_space<vmem>> -> memref<64xi32, #tpu.memory_space<vmem>>
    %dma_wait3A_681 = arith.constant 0 : i32
    %dma_wait3A_682 = arith.constant 0 : i32
    %dma_wait3A_683 = tpu.memref_slice %arg11[%dma_wait3A_681, %dma_wait3A_682] : memref<10112x64xf32, #tpu.memory_space<vmem_shared>> -> memref<10112x64xf32, #tpu.memory_space<vmem_shared>>
    %dma_wait3A_684 = tpu.memref_slice %arg13[%dma_wait3A_673] : memref<2x!tpu.dma_semaphore, #tpu.memory_space<semaphore_mem>> -> memref<1x!tpu.dma_semaphore, #tpu.memory_space<semaphore_mem>>
    %dma_wait3A_685 = tpu.memref_squeeze %dma_wait3A_684 : memref<1x!tpu.dma_semaphore, #tpu.memory_space<semaphore_mem>> -> memref<!tpu.dma_semaphore, #tpu.memory_space<semaphore_mem>>
    tpu.wait_indirect_dma semaphore(%dma_wait3A_685 : memref<!tpu.dma_semaphore, #tpu.memory_space<semaphore_mem>>) src(%dma_wait3A_677 : memref<64x64xf32, #tpu.memory_space<vmem>>) dst(%dma_wait3A_683 : memref<10112x64xf32, #tpu.memory_space<vmem_shared>>)
    %barrier3A_686 = arith.constant 0 : index
    tpu.barrier barrier_id(%barrier3A_686)
    %mul3A_687 = arith.constant 632 : i32
    %mul3A_688 = arith.muli %arg1, %mul3A_687 : i32
    %mul3A_689 = arith.constant 632 : i32
    %mul3A_690 = arith.muli %arg1, %mul3A_689 : i32
    "tpu.region"() ({
      %run_scoped3A = tpu.sem_alloc : memref<!tpu.dma_semaphore, #tpu.memory_space<semaphore_mem>>
      %dma_start3A_691 = arith.constant 0 : i32
      %dma_start3A_692 = arith.constant 0 : i32
      %dma_start3A_693 = tpu.memref_slice %arg6[%arg0, %dma_start3A_691, %dma_start3A_692] : memref<2x10112x64xf32, #tpu.memory_space<hbm>> -> memref<1x10112x64xf32, #tpu.memory_space<hbm>>
      %dma_start3A_694 = tpu.memref_squeeze %dma_start3A_693 : memref<1x10112x64xf32, #tpu.memory_space<hbm>> -> memref<10112x64xf32, #tpu.memory_space<hbm>>
      %dma_start3A_695 = arith.constant 0 : i32
      %dma_start3A_696 = tpu.memref_slice %dma_start3A_694[%mul3A_690, %dma_start3A_695] : memref<10112x64xf32, #tpu.memory_space<hbm>> -> memref<632x64xf32, #tpu.memory_space<hbm>>
      %dma_start3A_697 = arith.constant 0 : i32
      %dma_start3A_698 = tpu.memref_slice %arg11[%mul3A_688, %dma_start3A_697] : memref<10112x64xf32, #tpu.memory_space<vmem_shared>> -> memref<632x64xf32, #tpu.memory_space<vmem_shared>>
      tpu.enqueue_dma source(%dma_start3A_698 : memref<632x64xf32, #tpu.memory_space<vmem_shared>>) target(%dma_start3A_696 : memref<632x64xf32, #tpu.memory_space<hbm>>) target_semaphore(%run_scoped3A : memref<!tpu.dma_semaphore, #tpu.memory_space<semaphore_mem>>)
      %dma_wait3A_699 = arith.constant 0 : i32
      %dma_wait3A_700 = arith.constant 0 : i32
      %dma_wait3A_701 = tpu.memref_slice %arg6[%arg0, %dma_wait3A_699, %dma_wait3A_700] : memref<2x10112x64xf32, #tpu.memory_space<hbm>> -> memref<1x10112x64xf32, #tpu.memory_space<hbm>>
      %dma_wait3A_702 = tpu.memref_squeeze %dma_wait3A_701 : memref<1x10112x64xf32, #tpu.memory_space<hbm>> -> memref<10112x64xf32, #tpu.memory_space<hbm>>
      %dma_wait3A_703 = arith.constant 0 : i32
      %dma_wait3A_704 = tpu.memref_slice %dma_wait3A_702[%mul3A_690, %dma_wait3A_703] : memref<10112x64xf32, #tpu.memory_space<hbm>> -> memref<632x64xf32, #tpu.memory_space<hbm>>
      %dma_wait3A_705 = arith.constant 0 : i32
      %dma_wait3A_706 = tpu.memref_slice %arg11[%mul3A_688, %dma_wait3A_705] : memref<10112x64xf32, #tpu.memory_space<vmem_shared>> -> memref<632x64xf32, #tpu.memory_space<vmem_shared>>
      tpu.wait_dma2 semaphore(%run_scoped3A : memref<!tpu.dma_semaphore, #tpu.memory_space<semaphore_mem>>) src(%dma_wait3A_706 : memref<632x64xf32, #tpu.memory_space<vmem_shared>>) dst(%dma_wait3A_704 : memref<632x64xf32, #tpu.memory_space<hbm>>)
      tpu.yield
    }) : () -> ()
    return
  }
}

module attributes {stable_mosaic.version = 14 : i64} {
  func.func @_mm_body(%arg0: memref<2x30xf32, #tpu.memory_space<smem>>, %arg1: memref<10000x128xf32, #tpu.memory_space<vmem>>, %arg2: memref<30x128x64xf32, #tpu.memory_space<vmem>>, %arg3: memref<5120x64xi32, #tpu.memory_space<vmem>>, %arg4: memref<5120x64xi32, #tpu.memory_space<vmem>>, %arg5: memref<20096x64xf32, #tpu.memory_space<vmem>>, %arg6: memref<5120x64xi32, #tpu.memory_space<vmem>>) attributes {dimension_semantics = [], scalar_prefetch = 0 : i64, scratch_operands = 0 : i64, tpu.core_type = #tpu.core_type<tc>} {
    %get3A = arith.constant 0 : index
    %get3A_0 = arith.constant 0 : index
    %get3A_1 = vector.load %arg4[%get3A, %get3A_0] : memref<5120x64xi32, #tpu.memory_space<vmem>>, vector<5120x64xi32>
    %mul3A = arith.constant 10000 : i32
    %mul3A_2 = vector.broadcast %mul3A : i32 to vector<5120x64xi32>
    %mul3A_3 = arith.muli %get3A_1, %mul3A_2 : vector<5120x64xi32>
    %get3A_4 = arith.constant 0 : index
    %get3A_5 = arith.constant 0 : index
    %get3A_6 = vector.load %arg3[%get3A_4, %get3A_5] : memref<5120x64xi32, #tpu.memory_space<vmem>>, vector<5120x64xi32>
    %add3A = arith.addi %mul3A_3, %get3A_6 : vector<5120x64xi32>
    %swap3A = arith.constant 0 : index
    %swap3A_7 = arith.constant 0 : index
    %swap3A_8 = vector.load %arg6[%swap3A, %swap3A_7] : memref<5120x64xi32, #tpu.memory_space<vmem>>, vector<5120x64xi32>
    tpu.vector_store %arg6[%swap3A, %swap3A_7], %add3A {strides = array<i32>} : memref<5120x64xi32, #tpu.memory_space<vmem>>, vector<5120x64xi32>,
    %get3A_9 = arith.constant 0 : index
    %get3A_10 = arith.constant 0 : index
    %get3A_11 = vector.load %arg1[%get3A_9, %get3A_10] : memref<10000x128xf32, #tpu.memory_space<vmem>>, vector<10000x128xf32>
    %get3A_12 = arith.constant 0 : index
    %get3A_13 = arith.constant 0 : index
    %get3A_14 = memref.load %arg0[%get3A_12, %get3A_13] : memref<2x30xf32, #tpu.memory_space<smem>>
    %get3A_15 = arith.constant 0 : index
    %get3A_16 = arith.constant 0 : index
    %get3A_17 = arith.constant 0 : index
    %get3A_18 = vector.load %arg2[%get3A_15, %get3A_16, %get3A_17] : memref<30x128x64xf32, #tpu.memory_space<vmem>>, vector<1x128x64xf32>
    %get3A_19 = vector.shape_cast %get3A_18 : vector<1x128x64xf32> to vector<128x64xf32>
    %mul3A_20 = vector.broadcast %get3A_14 : f32 to vector<128x64xf32>
    %mul3A_21 = arith.mulf %mul3A_20, %get3A_19 : vector<128x64xf32>
    %get3A_22 = arith.constant 0 : index
    %get3A_23 = arith.constant 1 : index
    %get3A_24 = memref.load %arg0[%get3A_22, %get3A_23] : memref<2x30xf32, #tpu.memory_space<smem>>
    %get3A_25 = arith.constant 1 : index
    %get3A_26 = arith.constant 0 : index
    %get3A_27 = arith.constant 0 : index
    %get3A_28 = vector.load %arg2[%get3A_25, %get3A_26, %get3A_27] : memref<30x128x64xf32, #tpu.memory_space<vmem>>, vector<1x128x64xf32>
    %get3A_29 = vector.shape_cast %get3A_28 : vector<1x128x64xf32> to vector<128x64xf32>
    %mul3A_30 = vector.broadcast %get3A_24 : f32 to vector<128x64xf32>
    %mul3A_31 = arith.mulf %mul3A_30, %get3A_29 : vector<128x64xf32>
    %add3A_32 = arith.addf %mul3A_21, %mul3A_31 : vector<128x64xf32>
    %get3A_33 = arith.constant 0 : index
    %get3A_34 = arith.constant 2 : index
    %get3A_35 = memref.load %arg0[%get3A_33, %get3A_34] : memref<2x30xf32, #tpu.memory_space<smem>>
    %get3A_36 = arith.constant 2 : index
    %get3A_37 = arith.constant 0 : index
    %get3A_38 = arith.constant 0 : index
    %get3A_39 = vector.load %arg2[%get3A_36, %get3A_37, %get3A_38] : memref<30x128x64xf32, #tpu.memory_space<vmem>>, vector<1x128x64xf32>
    %get3A_40 = vector.shape_cast %get3A_39 : vector<1x128x64xf32> to vector<128x64xf32>
    %mul3A_41 = vector.broadcast %get3A_35 : f32 to vector<128x64xf32>
    %mul3A_42 = arith.mulf %mul3A_41, %get3A_40 : vector<128x64xf32>
    %add3A_43 = arith.addf %add3A_32, %mul3A_42 : vector<128x64xf32>
    %get3A_44 = arith.constant 0 : index
    %get3A_45 = arith.constant 3 : index
    %get3A_46 = memref.load %arg0[%get3A_44, %get3A_45] : memref<2x30xf32, #tpu.memory_space<smem>>
    %get3A_47 = arith.constant 3 : index
    %get3A_48 = arith.constant 0 : index
    %get3A_49 = arith.constant 0 : index
    %get3A_50 = vector.load %arg2[%get3A_47, %get3A_48, %get3A_49] : memref<30x128x64xf32, #tpu.memory_space<vmem>>, vector<1x128x64xf32>
    %get3A_51 = vector.shape_cast %get3A_50 : vector<1x128x64xf32> to vector<128x64xf32>
    %mul3A_52 = vector.broadcast %get3A_46 : f32 to vector<128x64xf32>
    %mul3A_53 = arith.mulf %mul3A_52, %get3A_51 : vector<128x64xf32>
    %add3A_54 = arith.addf %add3A_43, %mul3A_53 : vector<128x64xf32>
    %get3A_55 = arith.constant 0 : index
    %get3A_56 = arith.constant 4 : index
    %get3A_57 = memref.load %arg0[%get3A_55, %get3A_56] : memref<2x30xf32, #tpu.memory_space<smem>>
    %get3A_58 = arith.constant 4 : index
    %get3A_59 = arith.constant 0 : index
    %get3A_60 = arith.constant 0 : index
    %get3A_61 = vector.load %arg2[%get3A_58, %get3A_59, %get3A_60] : memref<30x128x64xf32, #tpu.memory_space<vmem>>, vector<1x128x64xf32>
    %get3A_62 = vector.shape_cast %get3A_61 : vector<1x128x64xf32> to vector<128x64xf32>
    %mul3A_63 = vector.broadcast %get3A_57 : f32 to vector<128x64xf32>
    %mul3A_64 = arith.mulf %mul3A_63, %get3A_62 : vector<128x64xf32>
    %add3A_65 = arith.addf %add3A_54, %mul3A_64 : vector<128x64xf32>
    %get3A_66 = arith.constant 0 : index
    %get3A_67 = arith.constant 5 : index
    %get3A_68 = memref.load %arg0[%get3A_66, %get3A_67] : memref<2x30xf32, #tpu.memory_space<smem>>
    %get3A_69 = arith.constant 5 : index
    %get3A_70 = arith.constant 0 : index
    %get3A_71 = arith.constant 0 : index
    %get3A_72 = vector.load %arg2[%get3A_69, %get3A_70, %get3A_71] : memref<30x128x64xf32, #tpu.memory_space<vmem>>, vector<1x128x64xf32>
    %get3A_73 = vector.shape_cast %get3A_72 : vector<1x128x64xf32> to vector<128x64xf32>
    %mul3A_74 = vector.broadcast %get3A_68 : f32 to vector<128x64xf32>
    %mul3A_75 = arith.mulf %mul3A_74, %get3A_73 : vector<128x64xf32>
    %add3A_76 = arith.addf %add3A_65, %mul3A_75 : vector<128x64xf32>
    %get3A_77 = arith.constant 0 : index
    %get3A_78 = arith.constant 6 : index
    %get3A_79 = memref.load %arg0[%get3A_77, %get3A_78] : memref<2x30xf32, #tpu.memory_space<smem>>
    %get3A_80 = arith.constant 6 : index
    %get3A_81 = arith.constant 0 : index
    %get3A_82 = arith.constant 0 : index
    %get3A_83 = vector.load %arg2[%get3A_80, %get3A_81, %get3A_82] : memref<30x128x64xf32, #tpu.memory_space<vmem>>, vector<1x128x64xf32>
    %get3A_84 = vector.shape_cast %get3A_83 : vector<1x128x64xf32> to vector<128x64xf32>
    %mul3A_85 = vector.broadcast %get3A_79 : f32 to vector<128x64xf32>
    %mul3A_86 = arith.mulf %mul3A_85, %get3A_84 : vector<128x64xf32>
    %add3A_87 = arith.addf %add3A_76, %mul3A_86 : vector<128x64xf32>
    %get3A_88 = arith.constant 0 : index
    %get3A_89 = arith.constant 7 : index
    %get3A_90 = memref.load %arg0[%get3A_88, %get3A_89] : memref<2x30xf32, #tpu.memory_space<smem>>
    %get3A_91 = arith.constant 7 : index
    %get3A_92 = arith.constant 0 : index
    %get3A_93 = arith.constant 0 : index
    %get3A_94 = vector.load %arg2[%get3A_91, %get3A_92, %get3A_93] : memref<30x128x64xf32, #tpu.memory_space<vmem>>, vector<1x128x64xf32>
    %get3A_95 = vector.shape_cast %get3A_94 : vector<1x128x64xf32> to vector<128x64xf32>
    %mul3A_96 = vector.broadcast %get3A_90 : f32 to vector<128x64xf32>
    %mul3A_97 = arith.mulf %mul3A_96, %get3A_95 : vector<128x64xf32>
    %add3A_98 = arith.addf %add3A_87, %mul3A_97 : vector<128x64xf32>
    %get3A_99 = arith.constant 0 : index
    %get3A_100 = arith.constant 8 : index
    %get3A_101 = memref.load %arg0[%get3A_99, %get3A_100] : memref<2x30xf32, #tpu.memory_space<smem>>
    %get3A_102 = arith.constant 8 : index
    %get3A_103 = arith.constant 0 : index
    %get3A_104 = arith.constant 0 : index
    %get3A_105 = vector.load %arg2[%get3A_102, %get3A_103, %get3A_104] : memref<30x128x64xf32, #tpu.memory_space<vmem>>, vector<1x128x64xf32>
    %get3A_106 = vector.shape_cast %get3A_105 : vector<1x128x64xf32> to vector<128x64xf32>
    %mul3A_107 = vector.broadcast %get3A_101 : f32 to vector<128x64xf32>
    %mul3A_108 = arith.mulf %mul3A_107, %get3A_106 : vector<128x64xf32>
    %add3A_109 = arith.addf %add3A_98, %mul3A_108 : vector<128x64xf32>
    %get3A_110 = arith.constant 0 : index
    %get3A_111 = arith.constant 9 : index
    %get3A_112 = memref.load %arg0[%get3A_110, %get3A_111] : memref<2x30xf32, #tpu.memory_space<smem>>
    %get3A_113 = arith.constant 9 : index
    %get3A_114 = arith.constant 0 : index
    %get3A_115 = arith.constant 0 : index
    %get3A_116 = vector.load %arg2[%get3A_113, %get3A_114, %get3A_115] : memref<30x128x64xf32, #tpu.memory_space<vmem>>, vector<1x128x64xf32>
    %get3A_117 = vector.shape_cast %get3A_116 : vector<1x128x64xf32> to vector<128x64xf32>
    %mul3A_118 = vector.broadcast %get3A_112 : f32 to vector<128x64xf32>
    %mul3A_119 = arith.mulf %mul3A_118, %get3A_117 : vector<128x64xf32>
    %add3A_120 = arith.addf %add3A_109, %mul3A_119 : vector<128x64xf32>
    %get3A_121 = arith.constant 0 : index
    %get3A_122 = arith.constant 10 : index
    %get3A_123 = memref.load %arg0[%get3A_121, %get3A_122] : memref<2x30xf32, #tpu.memory_space<smem>>
    %get3A_124 = arith.constant 10 : index
    %get3A_125 = arith.constant 0 : index
    %get3A_126 = arith.constant 0 : index
    %get3A_127 = vector.load %arg2[%get3A_124, %get3A_125, %get3A_126] : memref<30x128x64xf32, #tpu.memory_space<vmem>>, vector<1x128x64xf32>
    %get3A_128 = vector.shape_cast %get3A_127 : vector<1x128x64xf32> to vector<128x64xf32>
    %mul3A_129 = vector.broadcast %get3A_123 : f32 to vector<128x64xf32>
    %mul3A_130 = arith.mulf %mul3A_129, %get3A_128 : vector<128x64xf32>
    %add3A_131 = arith.addf %add3A_120, %mul3A_130 : vector<128x64xf32>
    %get3A_132 = arith.constant 0 : index
    %get3A_133 = arith.constant 11 : index
    %get3A_134 = memref.load %arg0[%get3A_132, %get3A_133] : memref<2x30xf32, #tpu.memory_space<smem>>
    %get3A_135 = arith.constant 11 : index
    %get3A_136 = arith.constant 0 : index
    %get3A_137 = arith.constant 0 : index
    %get3A_138 = vector.load %arg2[%get3A_135, %get3A_136, %get3A_137] : memref<30x128x64xf32, #tpu.memory_space<vmem>>, vector<1x128x64xf32>
    %get3A_139 = vector.shape_cast %get3A_138 : vector<1x128x64xf32> to vector<128x64xf32>
    %mul3A_140 = vector.broadcast %get3A_134 : f32 to vector<128x64xf32>
    %mul3A_141 = arith.mulf %mul3A_140, %get3A_139 : vector<128x64xf32>
    %add3A_142 = arith.addf %add3A_131, %mul3A_141 : vector<128x64xf32>
    %get3A_143 = arith.constant 0 : index
    %get3A_144 = arith.constant 12 : index
    %get3A_145 = memref.load %arg0[%get3A_143, %get3A_144] : memref<2x30xf32, #tpu.memory_space<smem>>
    %get3A_146 = arith.constant 12 : index
    %get3A_147 = arith.constant 0 : index
    %get3A_148 = arith.constant 0 : index
    %get3A_149 = vector.load %arg2[%get3A_146, %get3A_147, %get3A_148] : memref<30x128x64xf32, #tpu.memory_space<vmem>>, vector<1x128x64xf32>
    %get3A_150 = vector.shape_cast %get3A_149 : vector<1x128x64xf32> to vector<128x64xf32>
    %mul3A_151 = vector.broadcast %get3A_145 : f32 to vector<128x64xf32>
    %mul3A_152 = arith.mulf %mul3A_151, %get3A_150 : vector<128x64xf32>
    %add3A_153 = arith.addf %add3A_142, %mul3A_152 : vector<128x64xf32>
    %get3A_154 = arith.constant 0 : index
    %get3A_155 = arith.constant 13 : index
    %get3A_156 = memref.load %arg0[%get3A_154, %get3A_155] : memref<2x30xf32, #tpu.memory_space<smem>>
    %get3A_157 = arith.constant 13 : index
    %get3A_158 = arith.constant 0 : index
    %get3A_159 = arith.constant 0 : index
    %get3A_160 = vector.load %arg2[%get3A_157, %get3A_158, %get3A_159] : memref<30x128x64xf32, #tpu.memory_space<vmem>>, vector<1x128x64xf32>
    %get3A_161 = vector.shape_cast %get3A_160 : vector<1x128x64xf32> to vector<128x64xf32>
    %mul3A_162 = vector.broadcast %get3A_156 : f32 to vector<128x64xf32>
    %mul3A_163 = arith.mulf %mul3A_162, %get3A_161 : vector<128x64xf32>
    %add3A_164 = arith.addf %add3A_153, %mul3A_163 : vector<128x64xf32>
    %get3A_165 = arith.constant 0 : index
    %get3A_166 = arith.constant 14 : index
    %get3A_167 = memref.load %arg0[%get3A_165, %get3A_166] : memref<2x30xf32, #tpu.memory_space<smem>>
    %get3A_168 = arith.constant 14 : index
    %get3A_169 = arith.constant 0 : index
    %get3A_170 = arith.constant 0 : index
    %get3A_171 = vector.load %arg2[%get3A_168, %get3A_169, %get3A_170] : memref<30x128x64xf32, #tpu.memory_space<vmem>>, vector<1x128x64xf32>
    %get3A_172 = vector.shape_cast %get3A_171 : vector<1x128x64xf32> to vector<128x64xf32>
    %mul3A_173 = vector.broadcast %get3A_167 : f32 to vector<128x64xf32>
    %mul3A_174 = arith.mulf %mul3A_173, %get3A_172 : vector<128x64xf32>
    %add3A_175 = arith.addf %add3A_164, %mul3A_174 : vector<128x64xf32>
    %get3A_176 = arith.constant 0 : index
    %get3A_177 = arith.constant 15 : index
    %get3A_178 = memref.load %arg0[%get3A_176, %get3A_177] : memref<2x30xf32, #tpu.memory_space<smem>>
    %get3A_179 = arith.constant 15 : index
    %get3A_180 = arith.constant 0 : index
    %get3A_181 = arith.constant 0 : index
    %get3A_182 = vector.load %arg2[%get3A_179, %get3A_180, %get3A_181] : memref<30x128x64xf32, #tpu.memory_space<vmem>>, vector<1x128x64xf32>
    %get3A_183 = vector.shape_cast %get3A_182 : vector<1x128x64xf32> to vector<128x64xf32>
    %mul3A_184 = vector.broadcast %get3A_178 : f32 to vector<128x64xf32>
    %mul3A_185 = arith.mulf %mul3A_184, %get3A_183 : vector<128x64xf32>
    %add3A_186 = arith.addf %add3A_175, %mul3A_185 : vector<128x64xf32>
    %get3A_187 = arith.constant 0 : index
    %get3A_188 = arith.constant 16 : index
    %get3A_189 = memref.load %arg0[%get3A_187, %get3A_188] : memref<2x30xf32, #tpu.memory_space<smem>>
    %get3A_190 = arith.constant 16 : index
    %get3A_191 = arith.constant 0 : index
    %get3A_192 = arith.constant 0 : index
    %get3A_193 = vector.load %arg2[%get3A_190, %get3A_191, %get3A_192] : memref<30x128x64xf32, #tpu.memory_space<vmem>>, vector<1x128x64xf32>
    %get3A_194 = vector.shape_cast %get3A_193 : vector<1x128x64xf32> to vector<128x64xf32>
    %mul3A_195 = vector.broadcast %get3A_189 : f32 to vector<128x64xf32>
    %mul3A_196 = arith.mulf %mul3A_195, %get3A_194 : vector<128x64xf32>
    %add3A_197 = arith.addf %add3A_186, %mul3A_196 : vector<128x64xf32>
    %get3A_198 = arith.constant 0 : index
    %get3A_199 = arith.constant 17 : index
    %get3A_200 = memref.load %arg0[%get3A_198, %get3A_199] : memref<2x30xf32, #tpu.memory_space<smem>>
    %get3A_201 = arith.constant 17 : index
    %get3A_202 = arith.constant 0 : index
    %get3A_203 = arith.constant 0 : index
    %get3A_204 = vector.load %arg2[%get3A_201, %get3A_202, %get3A_203] : memref<30x128x64xf32, #tpu.memory_space<vmem>>, vector<1x128x64xf32>
    %get3A_205 = vector.shape_cast %get3A_204 : vector<1x128x64xf32> to vector<128x64xf32>
    %mul3A_206 = vector.broadcast %get3A_200 : f32 to vector<128x64xf32>
    %mul3A_207 = arith.mulf %mul3A_206, %get3A_205 : vector<128x64xf32>
    %add3A_208 = arith.addf %add3A_197, %mul3A_207 : vector<128x64xf32>
    %get3A_209 = arith.constant 0 : index
    %get3A_210 = arith.constant 18 : index
    %get3A_211 = memref.load %arg0[%get3A_209, %get3A_210] : memref<2x30xf32, #tpu.memory_space<smem>>
    %get3A_212 = arith.constant 18 : index
    %get3A_213 = arith.constant 0 : index
    %get3A_214 = arith.constant 0 : index
    %get3A_215 = vector.load %arg2[%get3A_212, %get3A_213, %get3A_214] : memref<30x128x64xf32, #tpu.memory_space<vmem>>, vector<1x128x64xf32>
    %get3A_216 = vector.shape_cast %get3A_215 : vector<1x128x64xf32> to vector<128x64xf32>
    %mul3A_217 = vector.broadcast %get3A_211 : f32 to vector<128x64xf32>
    %mul3A_218 = arith.mulf %mul3A_217, %get3A_216 : vector<128x64xf32>
    %add3A_219 = arith.addf %add3A_208, %mul3A_218 : vector<128x64xf32>
    %get3A_220 = arith.constant 0 : index
    %get3A_221 = arith.constant 19 : index
    %get3A_222 = memref.load %arg0[%get3A_220, %get3A_221] : memref<2x30xf32, #tpu.memory_space<smem>>
    %get3A_223 = arith.constant 19 : index
    %get3A_224 = arith.constant 0 : index
    %get3A_225 = arith.constant 0 : index
    %get3A_226 = vector.load %arg2[%get3A_223, %get3A_224, %get3A_225] : memref<30x128x64xf32, #tpu.memory_space<vmem>>, vector<1x128x64xf32>
    %get3A_227 = vector.shape_cast %get3A_226 : vector<1x128x64xf32> to vector<128x64xf32>
    %mul3A_228 = vector.broadcast %get3A_222 : f32 to vector<128x64xf32>
    %mul3A_229 = arith.mulf %mul3A_228, %get3A_227 : vector<128x64xf32>
    %add3A_230 = arith.addf %add3A_219, %mul3A_229 : vector<128x64xf32>
    %get3A_231 = arith.constant 0 : index
    %get3A_232 = arith.constant 20 : index
    %get3A_233 = memref.load %arg0[%get3A_231, %get3A_232] : memref<2x30xf32, #tpu.memory_space<smem>>
    %get3A_234 = arith.constant 20 : index
    %get3A_235 = arith.constant 0 : index
    %get3A_236 = arith.constant 0 : index
    %get3A_237 = vector.load %arg2[%get3A_234, %get3A_235, %get3A_236] : memref<30x128x64xf32, #tpu.memory_space<vmem>>, vector<1x128x64xf32>
    %get3A_238 = vector.shape_cast %get3A_237 : vector<1x128x64xf32> to vector<128x64xf32>
    %mul3A_239 = vector.broadcast %get3A_233 : f32 to vector<128x64xf32>
    %mul3A_240 = arith.mulf %mul3A_239, %get3A_238 : vector<128x64xf32>
    %add3A_241 = arith.addf %add3A_230, %mul3A_240 : vector<128x64xf32>
    %get3A_242 = arith.constant 0 : index
    %get3A_243 = arith.constant 21 : index
    %get3A_244 = memref.load %arg0[%get3A_242, %get3A_243] : memref<2x30xf32, #tpu.memory_space<smem>>
    %get3A_245 = arith.constant 21 : index
    %get3A_246 = arith.constant 0 : index
    %get3A_247 = arith.constant 0 : index
    %get3A_248 = vector.load %arg2[%get3A_245, %get3A_246, %get3A_247] : memref<30x128x64xf32, #tpu.memory_space<vmem>>, vector<1x128x64xf32>
    %get3A_249 = vector.shape_cast %get3A_248 : vector<1x128x64xf32> to vector<128x64xf32>
    %mul3A_250 = vector.broadcast %get3A_244 : f32 to vector<128x64xf32>
    %mul3A_251 = arith.mulf %mul3A_250, %get3A_249 : vector<128x64xf32>
    %add3A_252 = arith.addf %add3A_241, %mul3A_251 : vector<128x64xf32>
    %get3A_253 = arith.constant 0 : index
    %get3A_254 = arith.constant 22 : index
    %get3A_255 = memref.load %arg0[%get3A_253, %get3A_254] : memref<2x30xf32, #tpu.memory_space<smem>>
    %get3A_256 = arith.constant 22 : index
    %get3A_257 = arith.constant 0 : index
    %get3A_258 = arith.constant 0 : index
    %get3A_259 = vector.load %arg2[%get3A_256, %get3A_257, %get3A_258] : memref<30x128x64xf32, #tpu.memory_space<vmem>>, vector<1x128x64xf32>
    %get3A_260 = vector.shape_cast %get3A_259 : vector<1x128x64xf32> to vector<128x64xf32>
    %mul3A_261 = vector.broadcast %get3A_255 : f32 to vector<128x64xf32>
    %mul3A_262 = arith.mulf %mul3A_261, %get3A_260 : vector<128x64xf32>
    %add3A_263 = arith.addf %add3A_252, %mul3A_262 : vector<128x64xf32>
    %get3A_264 = arith.constant 0 : index
    %get3A_265 = arith.constant 23 : index
    %get3A_266 = memref.load %arg0[%get3A_264, %get3A_265] : memref<2x30xf32, #tpu.memory_space<smem>>
    %get3A_267 = arith.constant 23 : index
    %get3A_268 = arith.constant 0 : index
    %get3A_269 = arith.constant 0 : index
    %get3A_270 = vector.load %arg2[%get3A_267, %get3A_268, %get3A_269] : memref<30x128x64xf32, #tpu.memory_space<vmem>>, vector<1x128x64xf32>
    %get3A_271 = vector.shape_cast %get3A_270 : vector<1x128x64xf32> to vector<128x64xf32>
    %mul3A_272 = vector.broadcast %get3A_266 : f32 to vector<128x64xf32>
    %mul3A_273 = arith.mulf %mul3A_272, %get3A_271 : vector<128x64xf32>
    %add3A_274 = arith.addf %add3A_263, %mul3A_273 : vector<128x64xf32>
    %get3A_275 = arith.constant 0 : index
    %get3A_276 = arith.constant 24 : index
    %get3A_277 = memref.load %arg0[%get3A_275, %get3A_276] : memref<2x30xf32, #tpu.memory_space<smem>>
    %get3A_278 = arith.constant 24 : index
    %get3A_279 = arith.constant 0 : index
    %get3A_280 = arith.constant 0 : index
    %get3A_281 = vector.load %arg2[%get3A_278, %get3A_279, %get3A_280] : memref<30x128x64xf32, #tpu.memory_space<vmem>>, vector<1x128x64xf32>
    %get3A_282 = vector.shape_cast %get3A_281 : vector<1x128x64xf32> to vector<128x64xf32>
    %mul3A_283 = vector.broadcast %get3A_277 : f32 to vector<128x64xf32>
    %mul3A_284 = arith.mulf %mul3A_283, %get3A_282 : vector<128x64xf32>
    %add3A_285 = arith.addf %add3A_274, %mul3A_284 : vector<128x64xf32>
    %get3A_286 = arith.constant 0 : index
    %get3A_287 = arith.constant 25 : index
    %get3A_288 = memref.load %arg0[%get3A_286, %get3A_287] : memref<2x30xf32, #tpu.memory_space<smem>>
    %get3A_289 = arith.constant 25 : index
    %get3A_290 = arith.constant 0 : index
    %get3A_291 = arith.constant 0 : index
    %get3A_292 = vector.load %arg2[%get3A_289, %get3A_290, %get3A_291] : memref<30x128x64xf32, #tpu.memory_space<vmem>>, vector<1x128x64xf32>
    %get3A_293 = vector.shape_cast %get3A_292 : vector<1x128x64xf32> to vector<128x64xf32>
    %mul3A_294 = vector.broadcast %get3A_288 : f32 to vector<128x64xf32>
    %mul3A_295 = arith.mulf %mul3A_294, %get3A_293 : vector<128x64xf32>
    %add3A_296 = arith.addf %add3A_285, %mul3A_295 : vector<128x64xf32>
    %get3A_297 = arith.constant 0 : index
    %get3A_298 = arith.constant 26 : index
    %get3A_299 = memref.load %arg0[%get3A_297, %get3A_298] : memref<2x30xf32, #tpu.memory_space<smem>>
    %get3A_300 = arith.constant 26 : index
    %get3A_301 = arith.constant 0 : index
    %get3A_302 = arith.constant 0 : index
    %get3A_303 = vector.load %arg2[%get3A_300, %get3A_301, %get3A_302] : memref<30x128x64xf32, #tpu.memory_space<vmem>>, vector<1x128x64xf32>
    %get3A_304 = vector.shape_cast %get3A_303 : vector<1x128x64xf32> to vector<128x64xf32>
    %mul3A_305 = vector.broadcast %get3A_299 : f32 to vector<128x64xf32>
    %mul3A_306 = arith.mulf %mul3A_305, %get3A_304 : vector<128x64xf32>
    %add3A_307 = arith.addf %add3A_296, %mul3A_306 : vector<128x64xf32>
    %get3A_308 = arith.constant 0 : index
    %get3A_309 = arith.constant 27 : index
    %get3A_310 = memref.load %arg0[%get3A_308, %get3A_309] : memref<2x30xf32, #tpu.memory_space<smem>>
    %get3A_311 = arith.constant 27 : index
    %get3A_312 = arith.constant 0 : index
    %get3A_313 = arith.constant 0 : index
    %get3A_314 = vector.load %arg2[%get3A_311, %get3A_312, %get3A_313] : memref<30x128x64xf32, #tpu.memory_space<vmem>>, vector<1x128x64xf32>
    %get3A_315 = vector.shape_cast %get3A_314 : vector<1x128x64xf32> to vector<128x64xf32>
    %mul3A_316 = vector.broadcast %get3A_310 : f32 to vector<128x64xf32>
    %mul3A_317 = arith.mulf %mul3A_316, %get3A_315 : vector<128x64xf32>
    %add3A_318 = arith.addf %add3A_307, %mul3A_317 : vector<128x64xf32>
    %get3A_319 = arith.constant 0 : index
    %get3A_320 = arith.constant 28 : index
    %get3A_321 = memref.load %arg0[%get3A_319, %get3A_320] : memref<2x30xf32, #tpu.memory_space<smem>>
    %get3A_322 = arith.constant 28 : index
    %get3A_323 = arith.constant 0 : index
    %get3A_324 = arith.constant 0 : index
    %get3A_325 = vector.load %arg2[%get3A_322, %get3A_323, %get3A_324] : memref<30x128x64xf32, #tpu.memory_space<vmem>>, vector<1x128x64xf32>
    %get3A_326 = vector.shape_cast %get3A_325 : vector<1x128x64xf32> to vector<128x64xf32>
    %mul3A_327 = vector.broadcast %get3A_321 : f32 to vector<128x64xf32>
    %mul3A_328 = arith.mulf %mul3A_327, %get3A_326 : vector<128x64xf32>
    %add3A_329 = arith.addf %add3A_318, %mul3A_328 : vector<128x64xf32>
    %get3A_330 = arith.constant 0 : index
    %get3A_331 = arith.constant 29 : index
    %get3A_332 = memref.load %arg0[%get3A_330, %get3A_331] : memref<2x30xf32, #tpu.memory_space<smem>>
    %get3A_333 = arith.constant 29 : index
    %get3A_334 = arith.constant 0 : index
    %get3A_335 = arith.constant 0 : index
    %get3A_336 = vector.load %arg2[%get3A_333, %get3A_334, %get3A_335] : memref<30x128x64xf32, #tpu.memory_space<vmem>>, vector<1x128x64xf32>
    %get3A_337 = vector.shape_cast %get3A_336 : vector<1x128x64xf32> to vector<128x64xf32>
    %mul3A_338 = vector.broadcast %get3A_332 : f32 to vector<128x64xf32>
    %mul3A_339 = arith.mulf %mul3A_338, %get3A_337 : vector<128x64xf32>
    %add3A_340 = arith.addf %add3A_329, %mul3A_339 : vector<128x64xf32>
    %dot_general3A = arith.constant dense<0.000000e+00> : vector<10000x64xf32>
    %dot_general3A_341 = tpu.matmul %get3A_11, %add3A_340, %dot_general3A {dimension_numbers = #tpu.dot_dimension_numbers<[1], [0], [0], [1], [0, 0, 1, 1], [], []>, transpose_lhs_hint = false} : vector<10000x128xf32>, vector<128x64xf32>, vector<10000x64xf32> -> vector<10000x64xf32>
    %swap3A_342 = arith.constant 0 : index
    %swap3A_343 = arith.constant 0 : index
    %swap3A_344 = vector.load %arg5[%swap3A_342, %swap3A_343] : memref<20096x64xf32, #tpu.memory_space<vmem>>, vector<10000x64xf32>
    tpu.vector_store %arg5[%swap3A_342, %swap3A_343], %dot_general3A_341 {strides = array<i32>} : memref<20096x64xf32, #tpu.memory_space<vmem>>, vector<10000x64xf32>,
    %get3A_345 = arith.constant 1 : index
    %get3A_346 = arith.constant 0 : index
    %get3A_347 = memref.load %arg0[%get3A_345, %get3A_346] : memref<2x30xf32, #tpu.memory_space<smem>>
    %get3A_348 = arith.constant 0 : index
    %get3A_349 = arith.constant 0 : index
    %get3A_350 = arith.constant 0 : index
    %get3A_351 = vector.load %arg2[%get3A_348, %get3A_349, %get3A_350] : memref<30x128x64xf32, #tpu.memory_space<vmem>>, vector<1x128x64xf32>
    %get3A_352 = vector.shape_cast %get3A_351 : vector<1x128x64xf32> to vector<128x64xf32>
    %mul3A_353 = vector.broadcast %get3A_347 : f32 to vector<128x64xf32>
    %mul3A_354 = arith.mulf %mul3A_353, %get3A_352 : vector<128x64xf32>
    %get3A_355 = arith.constant 1 : index
    %get3A_356 = arith.constant 1 : index
    %get3A_357 = memref.load %arg0[%get3A_355, %get3A_356] : memref<2x30xf32, #tpu.memory_space<smem>>
    %get3A_358 = arith.constant 1 : index
    %get3A_359 = arith.constant 0 : index
    %get3A_360 = arith.constant 0 : index
    %get3A_361 = vector.load %arg2[%get3A_358, %get3A_359, %get3A_360] : memref<30x128x64xf32, #tpu.memory_space<vmem>>, vector<1x128x64xf32>
    %get3A_362 = vector.shape_cast %get3A_361 : vector<1x128x64xf32> to vector<128x64xf32>
    %mul3A_363 = vector.broadcast %get3A_357 : f32 to vector<128x64xf32>
    %mul3A_364 = arith.mulf %mul3A_363, %get3A_362 : vector<128x64xf32>
    %add3A_365 = arith.addf %mul3A_354, %mul3A_364 : vector<128x64xf32>
    %get3A_366 = arith.constant 1 : index
    %get3A_367 = arith.constant 2 : index
    %get3A_368 = memref.load %arg0[%get3A_366, %get3A_367] : memref<2x30xf32, #tpu.memory_space<smem>>
    %get3A_369 = arith.constant 2 : index
    %get3A_370 = arith.constant 0 : index
    %get3A_371 = arith.constant 0 : index
    %get3A_372 = vector.load %arg2[%get3A_369, %get3A_370, %get3A_371] : memref<30x128x64xf32, #tpu.memory_space<vmem>>, vector<1x128x64xf32>
    %get3A_373 = vector.shape_cast %get3A_372 : vector<1x128x64xf32> to vector<128x64xf32>
    %mul3A_374 = vector.broadcast %get3A_368 : f32 to vector<128x64xf32>
    %mul3A_375 = arith.mulf %mul3A_374, %get3A_373 : vector<128x64xf32>
    %add3A_376 = arith.addf %add3A_365, %mul3A_375 : vector<128x64xf32>
    %get3A_377 = arith.constant 1 : index
    %get3A_378 = arith.constant 3 : index
    %get3A_379 = memref.load %arg0[%get3A_377, %get3A_378] : memref<2x30xf32, #tpu.memory_space<smem>>
    %get3A_380 = arith.constant 3 : index
    %get3A_381 = arith.constant 0 : index
    %get3A_382 = arith.constant 0 : index
    %get3A_383 = vector.load %arg2[%get3A_380, %get3A_381, %get3A_382] : memref<30x128x64xf32, #tpu.memory_space<vmem>>, vector<1x128x64xf32>
    %get3A_384 = vector.shape_cast %get3A_383 : vector<1x128x64xf32> to vector<128x64xf32>
    %mul3A_385 = vector.broadcast %get3A_379 : f32 to vector<128x64xf32>
    %mul3A_386 = arith.mulf %mul3A_385, %get3A_384 : vector<128x64xf32>
    %add3A_387 = arith.addf %add3A_376, %mul3A_386 : vector<128x64xf32>
    %get3A_388 = arith.constant 1 : index
    %get3A_389 = arith.constant 4 : index
    %get3A_390 = memref.load %arg0[%get3A_388, %get3A_389] : memref<2x30xf32, #tpu.memory_space<smem>>
    %get3A_391 = arith.constant 4 : index
    %get3A_392 = arith.constant 0 : index
    %get3A_393 = arith.constant 0 : index
    %get3A_394 = vector.load %arg2[%get3A_391, %get3A_392, %get3A_393] : memref<30x128x64xf32, #tpu.memory_space<vmem>>, vector<1x128x64xf32>
    %get3A_395 = vector.shape_cast %get3A_394 : vector<1x128x64xf32> to vector<128x64xf32>
    %mul3A_396 = vector.broadcast %get3A_390 : f32 to vector<128x64xf32>
    %mul3A_397 = arith.mulf %mul3A_396, %get3A_395 : vector<128x64xf32>
    %add3A_398 = arith.addf %add3A_387, %mul3A_397 : vector<128x64xf32>
    %get3A_399 = arith.constant 1 : index
    %get3A_400 = arith.constant 5 : index
    %get3A_401 = memref.load %arg0[%get3A_399, %get3A_400] : memref<2x30xf32, #tpu.memory_space<smem>>
    %get3A_402 = arith.constant 5 : index
    %get3A_403 = arith.constant 0 : index
    %get3A_404 = arith.constant 0 : index
    %get3A_405 = vector.load %arg2[%get3A_402, %get3A_403, %get3A_404] : memref<30x128x64xf32, #tpu.memory_space<vmem>>, vector<1x128x64xf32>
    %get3A_406 = vector.shape_cast %get3A_405 : vector<1x128x64xf32> to vector<128x64xf32>
    %mul3A_407 = vector.broadcast %get3A_401 : f32 to vector<128x64xf32>
    %mul3A_408 = arith.mulf %mul3A_407, %get3A_406 : vector<128x64xf32>
    %add3A_409 = arith.addf %add3A_398, %mul3A_408 : vector<128x64xf32>
    %get3A_410 = arith.constant 1 : index
    %get3A_411 = arith.constant 6 : index
    %get3A_412 = memref.load %arg0[%get3A_410, %get3A_411] : memref<2x30xf32, #tpu.memory_space<smem>>
    %get3A_413 = arith.constant 6 : index
    %get3A_414 = arith.constant 0 : index
    %get3A_415 = arith.constant 0 : index
    %get3A_416 = vector.load %arg2[%get3A_413, %get3A_414, %get3A_415] : memref<30x128x64xf32, #tpu.memory_space<vmem>>, vector<1x128x64xf32>
    %get3A_417 = vector.shape_cast %get3A_416 : vector<1x128x64xf32> to vector<128x64xf32>
    %mul3A_418 = vector.broadcast %get3A_412 : f32 to vector<128x64xf32>
    %mul3A_419 = arith.mulf %mul3A_418, %get3A_417 : vector<128x64xf32>
    %add3A_420 = arith.addf %add3A_409, %mul3A_419 : vector<128x64xf32>
    %get3A_421 = arith.constant 1 : index
    %get3A_422 = arith.constant 7 : index
    %get3A_423 = memref.load %arg0[%get3A_421, %get3A_422] : memref<2x30xf32, #tpu.memory_space<smem>>
    %get3A_424 = arith.constant 7 : index
    %get3A_425 = arith.constant 0 : index
    %get3A_426 = arith.constant 0 : index
    %get3A_427 = vector.load %arg2[%get3A_424, %get3A_425, %get3A_426] : memref<30x128x64xf32, #tpu.memory_space<vmem>>, vector<1x128x64xf32>
    %get3A_428 = vector.shape_cast %get3A_427 : vector<1x128x64xf32> to vector<128x64xf32>
    %mul3A_429 = vector.broadcast %get3A_423 : f32 to vector<128x64xf32>
    %mul3A_430 = arith.mulf %mul3A_429, %get3A_428 : vector<128x64xf32>
    %add3A_431 = arith.addf %add3A_420, %mul3A_430 : vector<128x64xf32>
    %get3A_432 = arith.constant 1 : index
    %get3A_433 = arith.constant 8 : index
    %get3A_434 = memref.load %arg0[%get3A_432, %get3A_433] : memref<2x30xf32, #tpu.memory_space<smem>>
    %get3A_435 = arith.constant 8 : index
    %get3A_436 = arith.constant 0 : index
    %get3A_437 = arith.constant 0 : index
    %get3A_438 = vector.load %arg2[%get3A_435, %get3A_436, %get3A_437] : memref<30x128x64xf32, #tpu.memory_space<vmem>>, vector<1x128x64xf32>
    %get3A_439 = vector.shape_cast %get3A_438 : vector<1x128x64xf32> to vector<128x64xf32>
    %mul3A_440 = vector.broadcast %get3A_434 : f32 to vector<128x64xf32>
    %mul3A_441 = arith.mulf %mul3A_440, %get3A_439 : vector<128x64xf32>
    %add3A_442 = arith.addf %add3A_431, %mul3A_441 : vector<128x64xf32>
    %get3A_443 = arith.constant 1 : index
    %get3A_444 = arith.constant 9 : index
    %get3A_445 = memref.load %arg0[%get3A_443, %get3A_444] : memref<2x30xf32, #tpu.memory_space<smem>>
    %get3A_446 = arith.constant 9 : index
    %get3A_447 = arith.constant 0 : index
    %get3A_448 = arith.constant 0 : index
    %get3A_449 = vector.load %arg2[%get3A_446, %get3A_447, %get3A_448] : memref<30x128x64xf32, #tpu.memory_space<vmem>>, vector<1x128x64xf32>
    %get3A_450 = vector.shape_cast %get3A_449 : vector<1x128x64xf32> to vector<128x64xf32>
    %mul3A_451 = vector.broadcast %get3A_445 : f32 to vector<128x64xf32>
    %mul3A_452 = arith.mulf %mul3A_451, %get3A_450 : vector<128x64xf32>
    %add3A_453 = arith.addf %add3A_442, %mul3A_452 : vector<128x64xf32>
    %get3A_454 = arith.constant 1 : index
    %get3A_455 = arith.constant 10 : index
    %get3A_456 = memref.load %arg0[%get3A_454, %get3A_455] : memref<2x30xf32, #tpu.memory_space<smem>>
    %get3A_457 = arith.constant 10 : index
    %get3A_458 = arith.constant 0 : index
    %get3A_459 = arith.constant 0 : index
    %get3A_460 = vector.load %arg2[%get3A_457, %get3A_458, %get3A_459] : memref<30x128x64xf32, #tpu.memory_space<vmem>>, vector<1x128x64xf32>
    %get3A_461 = vector.shape_cast %get3A_460 : vector<1x128x64xf32> to vector<128x64xf32>
    %mul3A_462 = vector.broadcast %get3A_456 : f32 to vector<128x64xf32>
    %mul3A_463 = arith.mulf %mul3A_462, %get3A_461 : vector<128x64xf32>
    %add3A_464 = arith.addf %add3A_453, %mul3A_463 : vector<128x64xf32>
    %get3A_465 = arith.constant 1 : index
    %get3A_466 = arith.constant 11 : index
    %get3A_467 = memref.load %arg0[%get3A_465, %get3A_466] : memref<2x30xf32, #tpu.memory_space<smem>>
    %get3A_468 = arith.constant 11 : index
    %get3A_469 = arith.constant 0 : index
    %get3A_470 = arith.constant 0 : index
    %get3A_471 = vector.load %arg2[%get3A_468, %get3A_469, %get3A_470] : memref<30x128x64xf32, #tpu.memory_space<vmem>>, vector<1x128x64xf32>
    %get3A_472 = vector.shape_cast %get3A_471 : vector<1x128x64xf32> to vector<128x64xf32>
    %mul3A_473 = vector.broadcast %get3A_467 : f32 to vector<128x64xf32>
    %mul3A_474 = arith.mulf %mul3A_473, %get3A_472 : vector<128x64xf32>
    %add3A_475 = arith.addf %add3A_464, %mul3A_474 : vector<128x64xf32>
    %get3A_476 = arith.constant 1 : index
    %get3A_477 = arith.constant 12 : index
    %get3A_478 = memref.load %arg0[%get3A_476, %get3A_477] : memref<2x30xf32, #tpu.memory_space<smem>>
    %get3A_479 = arith.constant 12 : index
    %get3A_480 = arith.constant 0 : index
    %get3A_481 = arith.constant 0 : index
    %get3A_482 = vector.load %arg2[%get3A_479, %get3A_480, %get3A_481] : memref<30x128x64xf32, #tpu.memory_space<vmem>>, vector<1x128x64xf32>
    %get3A_483 = vector.shape_cast %get3A_482 : vector<1x128x64xf32> to vector<128x64xf32>
    %mul3A_484 = vector.broadcast %get3A_478 : f32 to vector<128x64xf32>
    %mul3A_485 = arith.mulf %mul3A_484, %get3A_483 : vector<128x64xf32>
    %add3A_486 = arith.addf %add3A_475, %mul3A_485 : vector<128x64xf32>
    %get3A_487 = arith.constant 1 : index
    %get3A_488 = arith.constant 13 : index
    %get3A_489 = memref.load %arg0[%get3A_487, %get3A_488] : memref<2x30xf32, #tpu.memory_space<smem>>
    %get3A_490 = arith.constant 13 : index
    %get3A_491 = arith.constant 0 : index
    %get3A_492 = arith.constant 0 : index
    %get3A_493 = vector.load %arg2[%get3A_490, %get3A_491, %get3A_492] : memref<30x128x64xf32, #tpu.memory_space<vmem>>, vector<1x128x64xf32>
    %get3A_494 = vector.shape_cast %get3A_493 : vector<1x128x64xf32> to vector<128x64xf32>
    %mul3A_495 = vector.broadcast %get3A_489 : f32 to vector<128x64xf32>
    %mul3A_496 = arith.mulf %mul3A_495, %get3A_494 : vector<128x64xf32>
    %add3A_497 = arith.addf %add3A_486, %mul3A_496 : vector<128x64xf32>
    %get3A_498 = arith.constant 1 : index
    %get3A_499 = arith.constant 14 : index
    %get3A_500 = memref.load %arg0[%get3A_498, %get3A_499] : memref<2x30xf32, #tpu.memory_space<smem>>
    %get3A_501 = arith.constant 14 : index
    %get3A_502 = arith.constant 0 : index
    %get3A_503 = arith.constant 0 : index
    %get3A_504 = vector.load %arg2[%get3A_501, %get3A_502, %get3A_503] : memref<30x128x64xf32, #tpu.memory_space<vmem>>, vector<1x128x64xf32>
    %get3A_505 = vector.shape_cast %get3A_504 : vector<1x128x64xf32> to vector<128x64xf32>
    %mul3A_506 = vector.broadcast %get3A_500 : f32 to vector<128x64xf32>
    %mul3A_507 = arith.mulf %mul3A_506, %get3A_505 : vector<128x64xf32>
    %add3A_508 = arith.addf %add3A_497, %mul3A_507 : vector<128x64xf32>
    %get3A_509 = arith.constant 1 : index
    %get3A_510 = arith.constant 15 : index
    %get3A_511 = memref.load %arg0[%get3A_509, %get3A_510] : memref<2x30xf32, #tpu.memory_space<smem>>
    %get3A_512 = arith.constant 15 : index
    %get3A_513 = arith.constant 0 : index
    %get3A_514 = arith.constant 0 : index
    %get3A_515 = vector.load %arg2[%get3A_512, %get3A_513, %get3A_514] : memref<30x128x64xf32, #tpu.memory_space<vmem>>, vector<1x128x64xf32>
    %get3A_516 = vector.shape_cast %get3A_515 : vector<1x128x64xf32> to vector<128x64xf32>
    %mul3A_517 = vector.broadcast %get3A_511 : f32 to vector<128x64xf32>
    %mul3A_518 = arith.mulf %mul3A_517, %get3A_516 : vector<128x64xf32>
    %add3A_519 = arith.addf %add3A_508, %mul3A_518 : vector<128x64xf32>
    %get3A_520 = arith.constant 1 : index
    %get3A_521 = arith.constant 16 : index
    %get3A_522 = memref.load %arg0[%get3A_520, %get3A_521] : memref<2x30xf32, #tpu.memory_space<smem>>
    %get3A_523 = arith.constant 16 : index
    %get3A_524 = arith.constant 0 : index
    %get3A_525 = arith.constant 0 : index
    %get3A_526 = vector.load %arg2[%get3A_523, %get3A_524, %get3A_525] : memref<30x128x64xf32, #tpu.memory_space<vmem>>, vector<1x128x64xf32>
    %get3A_527 = vector.shape_cast %get3A_526 : vector<1x128x64xf32> to vector<128x64xf32>
    %mul3A_528 = vector.broadcast %get3A_522 : f32 to vector<128x64xf32>
    %mul3A_529 = arith.mulf %mul3A_528, %get3A_527 : vector<128x64xf32>
    %add3A_530 = arith.addf %add3A_519, %mul3A_529 : vector<128x64xf32>
    %get3A_531 = arith.constant 1 : index
    %get3A_532 = arith.constant 17 : index
    %get3A_533 = memref.load %arg0[%get3A_531, %get3A_532] : memref<2x30xf32, #tpu.memory_space<smem>>
    %get3A_534 = arith.constant 17 : index
    %get3A_535 = arith.constant 0 : index
    %get3A_536 = arith.constant 0 : index
    %get3A_537 = vector.load %arg2[%get3A_534, %get3A_535, %get3A_536] : memref<30x128x64xf32, #tpu.memory_space<vmem>>, vector<1x128x64xf32>
    %get3A_538 = vector.shape_cast %get3A_537 : vector<1x128x64xf32> to vector<128x64xf32>
    %mul3A_539 = vector.broadcast %get3A_533 : f32 to vector<128x64xf32>
    %mul3A_540 = arith.mulf %mul3A_539, %get3A_538 : vector<128x64xf32>
    %add3A_541 = arith.addf %add3A_530, %mul3A_540 : vector<128x64xf32>
    %get3A_542 = arith.constant 1 : index
    %get3A_543 = arith.constant 18 : index
    %get3A_544 = memref.load %arg0[%get3A_542, %get3A_543] : memref<2x30xf32, #tpu.memory_space<smem>>
    %get3A_545 = arith.constant 18 : index
    %get3A_546 = arith.constant 0 : index
    %get3A_547 = arith.constant 0 : index
    %get3A_548 = vector.load %arg2[%get3A_545, %get3A_546, %get3A_547] : memref<30x128x64xf32, #tpu.memory_space<vmem>>, vector<1x128x64xf32>
    %get3A_549 = vector.shape_cast %get3A_548 : vector<1x128x64xf32> to vector<128x64xf32>
    %mul3A_550 = vector.broadcast %get3A_544 : f32 to vector<128x64xf32>
    %mul3A_551 = arith.mulf %mul3A_550, %get3A_549 : vector<128x64xf32>
    %add3A_552 = arith.addf %add3A_541, %mul3A_551 : vector<128x64xf32>
    %get3A_553 = arith.constant 1 : index
    %get3A_554 = arith.constant 19 : index
    %get3A_555 = memref.load %arg0[%get3A_553, %get3A_554] : memref<2x30xf32, #tpu.memory_space<smem>>
    %get3A_556 = arith.constant 19 : index
    %get3A_557 = arith.constant 0 : index
    %get3A_558 = arith.constant 0 : index
    %get3A_559 = vector.load %arg2[%get3A_556, %get3A_557, %get3A_558] : memref<30x128x64xf32, #tpu.memory_space<vmem>>, vector<1x128x64xf32>
    %get3A_560 = vector.shape_cast %get3A_559 : vector<1x128x64xf32> to vector<128x64xf32>
    %mul3A_561 = vector.broadcast %get3A_555 : f32 to vector<128x64xf32>
    %mul3A_562 = arith.mulf %mul3A_561, %get3A_560 : vector<128x64xf32>
    %add3A_563 = arith.addf %add3A_552, %mul3A_562 : vector<128x64xf32>
    %get3A_564 = arith.constant 1 : index
    %get3A_565 = arith.constant 20 : index
    %get3A_566 = memref.load %arg0[%get3A_564, %get3A_565] : memref<2x30xf32, #tpu.memory_space<smem>>
    %get3A_567 = arith.constant 20 : index
    %get3A_568 = arith.constant 0 : index
    %get3A_569 = arith.constant 0 : index
    %get3A_570 = vector.load %arg2[%get3A_567, %get3A_568, %get3A_569] : memref<30x128x64xf32, #tpu.memory_space<vmem>>, vector<1x128x64xf32>
    %get3A_571 = vector.shape_cast %get3A_570 : vector<1x128x64xf32> to vector<128x64xf32>
    %mul3A_572 = vector.broadcast %get3A_566 : f32 to vector<128x64xf32>
    %mul3A_573 = arith.mulf %mul3A_572, %get3A_571 : vector<128x64xf32>
    %add3A_574 = arith.addf %add3A_563, %mul3A_573 : vector<128x64xf32>
    %get3A_575 = arith.constant 1 : index
    %get3A_576 = arith.constant 21 : index
    %get3A_577 = memref.load %arg0[%get3A_575, %get3A_576] : memref<2x30xf32, #tpu.memory_space<smem>>
    %get3A_578 = arith.constant 21 : index
    %get3A_579 = arith.constant 0 : index
    %get3A_580 = arith.constant 0 : index
    %get3A_581 = vector.load %arg2[%get3A_578, %get3A_579, %get3A_580] : memref<30x128x64xf32, #tpu.memory_space<vmem>>, vector<1x128x64xf32>
    %get3A_582 = vector.shape_cast %get3A_581 : vector<1x128x64xf32> to vector<128x64xf32>
    %mul3A_583 = vector.broadcast %get3A_577 : f32 to vector<128x64xf32>
    %mul3A_584 = arith.mulf %mul3A_583, %get3A_582 : vector<128x64xf32>
    %add3A_585 = arith.addf %add3A_574, %mul3A_584 : vector<128x64xf32>
    %get3A_586 = arith.constant 1 : index
    %get3A_587 = arith.constant 22 : index
    %get3A_588 = memref.load %arg0[%get3A_586, %get3A_587] : memref<2x30xf32, #tpu.memory_space<smem>>
    %get3A_589 = arith.constant 22 : index
    %get3A_590 = arith.constant 0 : index
    %get3A_591 = arith.constant 0 : index
    %get3A_592 = vector.load %arg2[%get3A_589, %get3A_590, %get3A_591] : memref<30x128x64xf32, #tpu.memory_space<vmem>>, vector<1x128x64xf32>
    %get3A_593 = vector.shape_cast %get3A_592 : vector<1x128x64xf32> to vector<128x64xf32>
    %mul3A_594 = vector.broadcast %get3A_588 : f32 to vector<128x64xf32>
    %mul3A_595 = arith.mulf %mul3A_594, %get3A_593 : vector<128x64xf32>
    %add3A_596 = arith.addf %add3A_585, %mul3A_595 : vector<128x64xf32>
    %get3A_597 = arith.constant 1 : index
    %get3A_598 = arith.constant 23 : index
    %get3A_599 = memref.load %arg0[%get3A_597, %get3A_598] : memref<2x30xf32, #tpu.memory_space<smem>>
    %get3A_600 = arith.constant 23 : index
    %get3A_601 = arith.constant 0 : index
    %get3A_602 = arith.constant 0 : index
    %get3A_603 = vector.load %arg2[%get3A_600, %get3A_601, %get3A_602] : memref<30x128x64xf32, #tpu.memory_space<vmem>>, vector<1x128x64xf32>
    %get3A_604 = vector.shape_cast %get3A_603 : vector<1x128x64xf32> to vector<128x64xf32>
    %mul3A_605 = vector.broadcast %get3A_599 : f32 to vector<128x64xf32>
    %mul3A_606 = arith.mulf %mul3A_605, %get3A_604 : vector<128x64xf32>
    %add3A_607 = arith.addf %add3A_596, %mul3A_606 : vector<128x64xf32>
    %get3A_608 = arith.constant 1 : index
    %get3A_609 = arith.constant 24 : index
    %get3A_610 = memref.load %arg0[%get3A_608, %get3A_609] : memref<2x30xf32, #tpu.memory_space<smem>>
    %get3A_611 = arith.constant 24 : index
    %get3A_612 = arith.constant 0 : index
    %get3A_613 = arith.constant 0 : index
    %get3A_614 = vector.load %arg2[%get3A_611, %get3A_612, %get3A_613] : memref<30x128x64xf32, #tpu.memory_space<vmem>>, vector<1x128x64xf32>
    %get3A_615 = vector.shape_cast %get3A_614 : vector<1x128x64xf32> to vector<128x64xf32>
    %mul3A_616 = vector.broadcast %get3A_610 : f32 to vector<128x64xf32>
    %mul3A_617 = arith.mulf %mul3A_616, %get3A_615 : vector<128x64xf32>
    %add3A_618 = arith.addf %add3A_607, %mul3A_617 : vector<128x64xf32>
    %get3A_619 = arith.constant 1 : index
    %get3A_620 = arith.constant 25 : index
    %get3A_621 = memref.load %arg0[%get3A_619, %get3A_620] : memref<2x30xf32, #tpu.memory_space<smem>>
    %get3A_622 = arith.constant 25 : index
    %get3A_623 = arith.constant 0 : index
    %get3A_624 = arith.constant 0 : index
    %get3A_625 = vector.load %arg2[%get3A_622, %get3A_623, %get3A_624] : memref<30x128x64xf32, #tpu.memory_space<vmem>>, vector<1x128x64xf32>
    %get3A_626 = vector.shape_cast %get3A_625 : vector<1x128x64xf32> to vector<128x64xf32>
    %mul3A_627 = vector.broadcast %get3A_621 : f32 to vector<128x64xf32>
    %mul3A_628 = arith.mulf %mul3A_627, %get3A_626 : vector<128x64xf32>
    %add3A_629 = arith.addf %add3A_618, %mul3A_628 : vector<128x64xf32>
    %get3A_630 = arith.constant 1 : index
    %get3A_631 = arith.constant 26 : index
    %get3A_632 = memref.load %arg0[%get3A_630, %get3A_631] : memref<2x30xf32, #tpu.memory_space<smem>>
    %get3A_633 = arith.constant 26 : index
    %get3A_634 = arith.constant 0 : index
    %get3A_635 = arith.constant 0 : index
    %get3A_636 = vector.load %arg2[%get3A_633, %get3A_634, %get3A_635] : memref<30x128x64xf32, #tpu.memory_space<vmem>>, vector<1x128x64xf32>
    %get3A_637 = vector.shape_cast %get3A_636 : vector<1x128x64xf32> to vector<128x64xf32>
    %mul3A_638 = vector.broadcast %get3A_632 : f32 to vector<128x64xf32>
    %mul3A_639 = arith.mulf %mul3A_638, %get3A_637 : vector<128x64xf32>
    %add3A_640 = arith.addf %add3A_629, %mul3A_639 : vector<128x64xf32>
    %get3A_641 = arith.constant 1 : index
    %get3A_642 = arith.constant 27 : index
    %get3A_643 = memref.load %arg0[%get3A_641, %get3A_642] : memref<2x30xf32, #tpu.memory_space<smem>>
    %get3A_644 = arith.constant 27 : index
    %get3A_645 = arith.constant 0 : index
    %get3A_646 = arith.constant 0 : index
    %get3A_647 = vector.load %arg2[%get3A_644, %get3A_645, %get3A_646] : memref<30x128x64xf32, #tpu.memory_space<vmem>>, vector<1x128x64xf32>
    %get3A_648 = vector.shape_cast %get3A_647 : vector<1x128x64xf32> to vector<128x64xf32>
    %mul3A_649 = vector.broadcast %get3A_643 : f32 to vector<128x64xf32>
    %mul3A_650 = arith.mulf %mul3A_649, %get3A_648 : vector<128x64xf32>
    %add3A_651 = arith.addf %add3A_640, %mul3A_650 : vector<128x64xf32>
    %get3A_652 = arith.constant 1 : index
    %get3A_653 = arith.constant 28 : index
    %get3A_654 = memref.load %arg0[%get3A_652, %get3A_653] : memref<2x30xf32, #tpu.memory_space<smem>>
    %get3A_655 = arith.constant 28 : index
    %get3A_656 = arith.constant 0 : index
    %get3A_657 = arith.constant 0 : index
    %get3A_658 = vector.load %arg2[%get3A_655, %get3A_656, %get3A_657] : memref<30x128x64xf32, #tpu.memory_space<vmem>>, vector<1x128x64xf32>
    %get3A_659 = vector.shape_cast %get3A_658 : vector<1x128x64xf32> to vector<128x64xf32>
    %mul3A_660 = vector.broadcast %get3A_654 : f32 to vector<128x64xf32>
    %mul3A_661 = arith.mulf %mul3A_660, %get3A_659 : vector<128x64xf32>
    %add3A_662 = arith.addf %add3A_651, %mul3A_661 : vector<128x64xf32>
    %get3A_663 = arith.constant 1 : index
    %get3A_664 = arith.constant 29 : index
    %get3A_665 = memref.load %arg0[%get3A_663, %get3A_664] : memref<2x30xf32, #tpu.memory_space<smem>>
    %get3A_666 = arith.constant 29 : index
    %get3A_667 = arith.constant 0 : index
    %get3A_668 = arith.constant 0 : index
    %get3A_669 = vector.load %arg2[%get3A_666, %get3A_667, %get3A_668] : memref<30x128x64xf32, #tpu.memory_space<vmem>>, vector<1x128x64xf32>
    %get3A_670 = vector.shape_cast %get3A_669 : vector<1x128x64xf32> to vector<128x64xf32>
    %mul3A_671 = vector.broadcast %get3A_665 : f32 to vector<128x64xf32>
    %mul3A_672 = arith.mulf %mul3A_671, %get3A_670 : vector<128x64xf32>
    %add3A_673 = arith.addf %add3A_662, %mul3A_672 : vector<128x64xf32>
    %dot_general3A_674 = arith.constant dense<0.000000e+00> : vector<10000x64xf32>
    %dot_general3A_675 = tpu.matmul %get3A_11, %add3A_673, %dot_general3A_674 {dimension_numbers = #tpu.dot_dimension_numbers<[1], [0], [0], [1], [0, 0, 1, 1], [], []>, transpose_lhs_hint = false} : vector<10000x128xf32>, vector<128x64xf32>, vector<10000x64xf32> -> vector<10000x64xf32>
    %swap3A_676 = arith.constant 10000 : index
    %swap3A_677 = arith.constant 0 : index
    %swap3A_678 = vector.load %arg5[%swap3A_676, %swap3A_677] : memref<20096x64xf32, #tpu.memory_space<vmem>>, vector<10000x64xf32>
    tpu.vector_store %arg5[%swap3A_676, %swap3A_677], %dot_general3A_675 {strides = array<i32>} : memref<20096x64xf32, #tpu.memory_space<vmem>>, vector<10000x64xf32>,
    return
  }
}

module attributes {stable_mosaic.version = 14 : i64} {
  func.func @_combine_body(%arg0: memref<2x10112x64xf32, #tpu.memory_space<vmem>>, %arg1: memref<10000x128xf32, #tpu.memory_space<vmem>>, %arg2: memref<128x64xf32, #tpu.memory_space<vmem>>, %arg3: memref<1x64xf32, #tpu.memory_space<vmem>>, %arg4: memref<10000x64xf32, #tpu.memory_space<vmem>>) attributes {dimension_semantics = [], scalar_prefetch = 0 : i64, scratch_operands = 0 : i64, tpu.core_type = #tpu.core_type<tc>} {
    %get3A = arith.constant 0 : index
    %get3A_0 = arith.constant 0 : index
    %get3A_1 = arith.constant 0 : index
    %get3A_2 = vector.load %arg0[%get3A, %get3A_0, %get3A_1] : memref<2x10112x64xf32, #tpu.memory_space<vmem>>, vector<1x10000x64xf32>
    %get3A_3 = vector.shape_cast %get3A_2 : vector<1x10000x64xf32> to vector<10000x64xf32>
    %get3A_4 = arith.constant 1 : index
    %get3A_5 = arith.constant 0 : index
    %get3A_6 = arith.constant 0 : index
    %get3A_7 = vector.load %arg0[%get3A_4, %get3A_5, %get3A_6] : memref<2x10112x64xf32, #tpu.memory_space<vmem>>, vector<1x10000x64xf32>
    %get3A_8 = vector.shape_cast %get3A_7 : vector<1x10000x64xf32> to vector<10000x64xf32>
    %add3A = arith.addf %get3A_3, %get3A_8 : vector<10000x64xf32>
    %get3A_9 = arith.constant 0 : index
    %get3A_10 = arith.constant 0 : index
    %get3A_11 = vector.load %arg1[%get3A_9, %get3A_10] : memref<10000x128xf32, #tpu.memory_space<vmem>>, vector<10000x128xf32>
    %get3A_12 = arith.constant 0 : index
    %get3A_13 = arith.constant 0 : index
    %get3A_14 = vector.load %arg2[%get3A_12, %get3A_13] : memref<128x64xf32, #tpu.memory_space<vmem>>, vector<128x64xf32>
    %dot_general3A = arith.constant dense<0.000000e+00> : vector<10000x64xf32>
    %dot_general3A_15 = tpu.matmul %get3A_11, %get3A_14, %dot_general3A {dimension_numbers = #tpu.dot_dimension_numbers<[1], [0], [0], [1], [0, 0, 1, 1], [], []>, transpose_lhs_hint = false} : vector<10000x128xf32>, vector<128x64xf32>, vector<10000x64xf32> -> vector<10000x64xf32>
    %add3A_16 = arith.addf %add3A, %dot_general3A_15 : vector<10000x64xf32>
    %get3A_17 = arith.constant 0 : index
    %get3A_18 = arith.constant 0 : index
    %get3A_19 = vector.load %arg3[%get3A_17, %get3A_18] : memref<1x64xf32, #tpu.memory_space<vmem>>, vector<1x64xf32>
    %add3A_20 = vector.broadcast %get3A_19 : vector<1x64xf32> to vector<10000x64xf32>
    %add3A_21 = arith.addf %add3A_16, %add3A_20 : vector<10000x64xf32>
    %swap3A = arith.constant 0 : index
    %swap3A_22 = arith.constant 0 : index
    %swap3A_23 = vector.load %arg4[%swap3A, %swap3A_22] : memref<10000x64xf32, #tpu.memory_space<vmem>>, vector<10000x64xf32>
    tpu.vector_store %arg4[%swap3A, %swap3A_22], %add3A_21 {strides = array<i32>} : memref<10000x64xf32, #tpu.memory_space<vmem>>, vector<10000x64xf32>,
    return
  }
}

</mosaic_0001>

<sc_bundles>
// kernel: kernel.5.cloned.1.call-start
scs
__scs_entry_jumppad:
0x0: {  	(pc) =	sbr.rel $0x88, $3  }
0x1: {  	(tag) =	ssettag $0x0;
	lr =	simm.s32 $0x1  }
0x2: {  	[smem:$0x3F9A] =	sst lr;
	_ =	strace $0xD0000000  }
0x3: {  	_ = 	snop  }
0x4: {  	_ = 	snop  }
0x5: {  	_ = 	snop  }
0x6: {  	_ = 	snop  }
0x7: {  	_ = 	snop  }
__scs_overlays_trampoline_lowered:
0x8: {  	[smem:$0x3FA9] =	sst s0  }
0x9: {  	[smem:$0x3FAA] =	sst s1  }
0xa: {  	[smem:$0x3FAB] =	sst s2  }
0xb: {  	[smem:$0x3FAC] =	sst s3  }
0xc: {  	[smem:$0x3FAD] =	sst s4  }
0xd: {  	[smem:$0x3FAE] =	sst s5  }
0xe: {  	[smem:$0x3FAF] =	sst s6  }
0xf: {  	[smem:$0x3FB0] =	sst s7  }
0x10: {  	[smem:$0x3FB1] =	sst s8  }
0x11: {  	[smem:$0x3FB2] =	sst s9;
	s0 =	simm.s32 @!p0 $0x0  }
0x12: {  	s1 =	sld [smem:$0x3F98];
	s0 =	simm.s32 @p0 $0x1  }
0x13: {  	[smem:$0x3FB3] =	sst s0;
	s0 =	simm.s32 @!p1 $0x0  }
0x14: {  	s2 =	sld [smem:$0x3F97];
	s0 =	simm.s32 @p1 $0x1  }
0x15: {  	[smem:$0x3FB4] =	sst s0;
	s0 =	simm.s32 @!p2 $0x0  }
0x16: {  	s3 =	sld [smem:$0x3FDB];
	s0 =	simm.s32 @p2 $0x1  }
0x17: {  	s4 =	simm.s32 $0x1BF5;
	[smem:$0x3FB6] =	sst s0  }
0x18: {  	s0 =	sld [smem:$0x3F99];
	_ =	swait.ge [sflag:s4], $0x0  }
0x19: {  	s7 =	sld [smem:$0x3F9A]  }
0x1a: {  	s8 =	sadd.s32 $0xFFFFE003, lr  }
0x1b: {  	s9 =	sadd.s32 $0xFFFFFEF7, lr;
	s5 =	simm.s32 $0xFFFFFFFF;
	p2 =	slt.u32 s8, $0xFFFFF086  }
0x1c: {  	p1 =	slt.u32 s9, $0xF7A;
	s5 =	simm.s32 @!p2 $0x0  }
0x1d: {  	s5 =	simm.s32 @p1 $0x1;
	p0 =	seq.s32 s7, s2  }
0x1e: {  	s7 =	smul.u32 @!p0 $0xF7A, s2;
	p2 =	seq.s32 @!p0 s5, $0x0  }
0x1f: {  	s9 =	smul.u32 $0xF7A, s1;
	s8 =	simm.s32 @!p0 $0x1BF5;
	p2 =	por !p2, p0  }
0x20: {  	[sflag:s8] =	ssyncset.s32 @!p0 $0xFFFFF086;
	s6 =	sadd.s32 @!p0 s3, s7;
	s7 =	simm.s32 @!p0 $0x108  }
0x21: {  	s3 =	sadd.s32 s3, s9;
	s6 =	sadd.s32 @!p0 $0x88, s6;
	s7 =	simm.s32 @p2 $0x1082  }
0x22: {  	[simem:s7], [sflag:s8] =	dma.local @!p0 [hbm:s6], $0xF7A  }
0x23: {  	s9 =	sor.u32 $0xD0000000, s2;
	s6 =	simm.s32 $0x108;
	_ =	swait.ge @!p0 [sflag:s8], $0x0  }
0x24: {  	s3 =	sadd.s32 $0x88, s3;
	s6 =	simm.s32 @!p1 $0x1082;
	[sflag:s4] =	ssyncset.s32 $0xFFFFF086  }
0x25: {  	[simem:s6], [sflag:s4] =	dma.local [hbm:s3], $0xF7A  }
0x26: {  	[smem:$0x3F9A] =	sst s1;
	(tag) =	ssettag s2;
	_ =	strace s9  }
0x27: {  	s1 =	sld [smem:$0x3FAA]  }
0x28: {  	s2 =	sld [smem:$0x3FAB]  }
0x29: {  	s4 =	sld [smem:$0x3FAD]  }
0x2a: {  	p0 =	seq.s32 s5, $0x0;
	s5 =	sld [smem:$0x3FAE]  }
0x2b: {  	s6 =	sld [smem:$0x3FAF]  }
0x2c: {  	s7 =	sld [smem:$0x3FB0]  }
0x2d: {  	s3 =	simm.s32 $0x108;
	s8 =	sld [smem:$0x3FB1]  }
0x2e: {  	s3 =	simm.s32 @!p0 $0x1082;
	s9 =	sld [smem:$0x3FB2]  }
0x2f: {  	lr =	sadd.s32 s0, s3;
	s0 =	sld [smem:$0x3FA9]  }
0x30: {  	s3 =	sld [smem:$0x3FAC]  }
0x31: {  	[smem:$0x3FB5] =	sst s10  }
0x32: {  	s10 =	sld [smem:$0x3FB3];
	_ =	sdelay $0x3  }
0x33: {  	p0 =	seq.s32 s10, $0x1;
	s10 =	sld [smem:$0x3FB5];
	_ =	sdelay $0x3  }
0x34: {  	[smem:$0x3FB5] =	sst s10  }
0x35: {  	s10 =	sld [smem:$0x3FB4];
	_ =	sdelay $0x3  }
0x36: {  	p1 =	seq.s32 s10, $0x1;
	s10 =	sld [smem:$0x3FB5];
	_ =	sdelay $0x3  }
0x37: {  	[smem:$0x3FB5] =	sst s10  }
0x38: {  	s10 =	sld [smem:$0x3FB6]  }
0x39: {  	_ = 	snop;
	(pc) =	sbr.ind lr, $3  }
0x3a: {  	_ = 	snop  }
0x3b: {  	_ = 	snop  }
0x3c: {  	p2 =	seq.s32 s10, $0x1;
	s10 =	sld [smem:$0x3FB5]  }
0x3d: {  	_ =	shalt  }
0x3e: {  	_ =	shalt  }
0x3f: {  	_ =	shalt  }
0x40: {  	_ =	shalt  }
0x41: {  	_ =	shalt  }
0x42: {  	_ =	shalt  }
0x43: {  	_ =	shalt  }
0x44: {  	_ =	shalt  }
0x45: {  	_ =	shalt  }
0x46: {  	_ =	shalt  }
0x47: {  	_ =	shalt  }
0x48: {  	_ =	shalt  }
0x49: {  	_ =	shalt  }
0x4a: {  	_ =	shalt  }
0x4b: {  	_ =	shalt  }
0x4c: {  	_ =	shalt  }
0x4d: {  	_ =	shalt  }
0x4e: {  	_ =	shalt  }
0x4f: {  	_ =	shalt  }
0x50: {  	_ =	shalt  }
0x51: {  	_ =	shalt  }
0x52: {  	_ =	shalt  }
0x53: {  	_ =	shalt  }
0x54: {  	_ =	shalt  }
0x55: {  	_ =	shalt  }
0x56: {  	_ =	shalt  }
0x57: {  	_ =	shalt  }
0x58: {  	_ =	shalt  }
0x59: {  	_ =	shalt  }
0x5a: {  	_ =	shalt  }
0x5b: {  	_ =	shalt  }
0x5c: {  	_ =	shalt  }
0x5d: {  	_ =	shalt  }
0x5e: {  	_ =	shalt  }
0x5f: {  	_ =	shalt  }
0x60: {  	_ =	shalt  }
0x61: {  	_ =	shalt  }
0x62: {  	_ =	shalt  }
0x63: {  	_ =	shalt  }
0x64: {  	_ =	shalt  }
0x65: {  	_ =	shalt  }
0x66: {  	_ =	shalt  }
0x67: {  	_ =	shalt  }
0x68: {  	_ =	shalt  }
0x69: {  	_ =	shalt  }
0x6a: {  	_ =	shalt  }
0x6b: {  	_ =	shalt  }
0x6c: {  	_ =	shalt  }
0x6d: {  	_ =	shalt  }
0x6e: {  	_ =	shalt  }
0x6f: {  	_ =	shalt  }
0x70: {  	_ =	shalt  }
0x71: {  	_ =	shalt  }
0x72: {  	_ =	shalt  }
0x73: {  	_ =	shalt  }
0x74: {  	_ =	shalt  }
0x75: {  	_ =	shalt  }
0x76: {  	_ =	shalt  }
0x77: {  	_ =	shalt  }
0x78: {  	_ =	shalt  }
0x79: {  	_ =	shalt  }
0x7a: {  	_ =	shalt  }
0x7b: {  	_ =	shalt  }
0x7c: {  	_ =	shalt  }
0x7d: {  	_ =	shalt  }
0x7e: {  	_ =	shalt  }
0x7f: {  	_ =	shalt  }
0x80: {  	_ =	shalt  }
0x81: {  	_ =	shalt  }
0x82: {  	_ =	shalt  }
0x83: {  	_ =	shalt  }
0x84: {  	_ =	shalt  }
0x85: {  	_ =	shalt  }
0x86: {  	_ =	shalt  }
0x87: {  	_ =	shalt  }
.Lfunc_end0:
.L_simem_size_0:
called_computation_lowered:
.L_overlay_start_0:
0x88: {  	s2 =	sld [smem:$0x3FD9]  }
0x89: {  	s3 =	sld [smem:$0x3FFE];
	_ =	sdelay $0x1  }
0x8a: {  	s1 =	srdreg.scid  }
0x8b: {  	s0 =	sand.u32 $0x1, s1  }
0x8c: {  	s17 =	sshll.u32 s0, $0xA;
	s2 =	sadd.s32 s3, s2  }
0x8d: {  	s2 =	sadd.s32 s2, s17  }
0x8e: {  	[smem:$0x3FC1] =	sst s2  }
0x8f: {  	_ = 	snop  }
0x90: {  	s2 =	sld [smem:$0x3FD0];
	(tm) =	ssettm $0x1  }
0x91: {  	s18 =	sld [smem:$0x3FFB];
	_ =	sdelay $0x3  }
0x92: {  	_ =	strace s18  }
0x93: {  	s3 =	sld [smem:$0x3FFC];
	_ =	sdelay $0x3  }
0x94: {  	_ =	strace s3  }
0x95: {  	s3 =	sld [smem:$0x3FFD];
	_ =	sdelay $0x3  }
0x96: {  	_ =	strace s3  }
0x97: {  	_ =	strace $0x8FFFFFFF  }
0x98: {  	s19 =	sld [smem:$0x3FDB];
	_ =	sdelay $0x1  }
0x99: {  	s4 =	simm.s32 $_scs_section_size  }
0x9a: {  	s5 =	simm.s32 $_size__tile_overlayer_lowered;
	s6 =	simm.s32 $_tile_overlayer_lowered  }
0x9b: {  	s22 =	simm.s32 $0x1BFF;
	s21 =	sshll.u32 s6, $0x1;
	s3 =	sadd.s32 s4, s19  }
0x9c: {  	s7 =	simm.s32 $0x0;
	s20 =	sshll.u32 s5, $0x1;
	s5 =	sadd.s32 s21, s3  }
0x9d: {  	[timem:s7], [sflag:s22] =	dma.local [hbm:s5], s20  }
0x9e: {  	_ =	swait.ge [sflag:s22], s20  }
0x9f: {  	s4 =	ssub.s32 $0x0, s20;
	[sflag:s22] =	ssyncset.done $0x0  }
0xa0: {  	[sflag:s22] =	ssyncadd.s32 s4;
	_ =	sdelay $0x1  }
0xa1: {  	s23 =	simm.s32 $0x1B8B  }
0xa2: {  	_ =	swait.ge [sflag:s23], $0x1  }
0xa3: {  	[sflag:s23] =	ssyncset.done $0x0  }
0xa4: {  	s25 =	simm.s32 $0x1B8E;
	s24 =	sld [smem:$0x3FFE];
	[sflag:s23] =	ssyncadd.s32 $0xFFFFFFFF  }
0xa5: {  	s26 =	simm.s32 $execute0_lowered;
	[smem:$0x3FD2] =	sst s25  }
0xa6: {  	s5 =	sshll.u32 s26, $0x1;
	_ =	strace $0x80000046;
	[dreg:$0x1] =	wrdreg $0xFFFFFFFF  }
0xa7: {  	s28 =	simm.s32 $_size_execute0_lowered;
	s3 =	sadd.s32 s3, s5;
	[dreg:$0x0] =	wrdreg $0x0  }
0xa8: {  	s5 =	sshll.u32 s28, $0x1;
	[dreg:$0x2] =	wrdreg s3  }
0xa9: {  	[dreg:$0x3] =	wrdreg s5  }
0xaa: {  	[dreg:$0x4] =	wrdreg $0xC0  }
0xab: {  	_ =	task [dreg:s7], $0x5FFFF  }
0xac: {  	[dreg:$0x1] =	wrdreg $0xFFFFFFFF  }
0xad: {  	[dreg:$0x0] =	wrdreg $0x60  }
0xae: {  	[dreg:$0x2] =	wrdreg s2  }
0xaf: {  	[dreg:$0x3] =	wrdreg s24  }
0xb0: {  	[dreg:$0x4] =	wrdreg $0x24000  }
0xb1: {  	[dreg:$0x5] =	wrdreg $0x15E000  }
0xb2: {  	[dreg:$0x6] =	wrdreg $0x9  }
0xb3: {  	_ =	task.clear_ibuf [dreg:s7], $0x7FFFF;
	_ =	strace $0x90000046  }
0xb4: {  	s29 =	simm.s32 $0x9;
	_ =	strace $0x80000048  }
0xb5: {  	_ =	swait.ge [sflag:s29], $0x1  }
0xb6: {  	[sflag:s29] =	ssyncadd.s32 $0xFFFFFFFF  }
0xb7: {  	_ =	strace $0x90000048  }
0xb8: {  	_ =	sfence  }
0xb9: {  	s30 =	sld [smem:$0x0];
	_ =	sdelay $0x2  }
0xba: {  	s31 =	sshll.u32 s1, $0xD;
	s1 =	sshrl.u32 s1, $0x2  }
0xbb: {  	s3 =	sand.u32 $0x4000, s31;
	s1 =	sadd.s32 s1, s30  }
0xbc: {  	s0 =	sor.u32 s3, s0;
	s1 =	sshll.u32 s1, $0x11  }
0xbd: {  	s0 =	sor.u32 s1, s0  }
0xbe: {  	s0 =	sadd.s32 $0x8F2B, s0  }
0xbf: {  	[sflag:s0] =	ssyncadd.remote.s32 $0x1  }
0xc0: {  	_ =	sfence.sel $0xFFFF  }
0xc1: {  	[dreg:$0x0] =	wrdreg $0xFFFFFFFF;
	(pc) =	sbr.abs _section_cstart, $3  }
0xc2: {  	[dreg:$0x1] =	wrdreg $0xFFFFFFFF  }
0xc3: {  	_ =	task.clear_ibuf [dreg:s7], $0x2FFFF;
	_ =	strace $0x9FFFFFFF  }
0xc4: {  	(tm) =	ssettm $0x7FFFFFFF  }
0xc5: {  	_ =	shalt  }
tec
execute0_lowered:
.L_overlay_start_1:
0x0: {  	(tag) =	ssettag $0x1  }
0x1: {  	s0 =	rddreg [dreg:$0x0]  }
0x2: {  	s2 =	rddreg [dreg:$0x1]  }
0x3: {  	s1 =	rddreg [dreg:$0x2]  }
0x4: {  	s3 =	rddreg [dreg:$0x3];
	s4 =	simm.s32 $0x0  }
0x5: {  	s14 =	stileid.u32;
	s6 =	srdreg.scid;
	s28 =	simm.s32 $0x80  }
0x6: {  	s29 =	simm.s32 $0x2;
	s30 =	simm.s32 $0x240;
	s31 =	simm.s32 $0x4  }
0x7: {  	[smem:$0x7FF] =	sst s4;
	s5 =	smul.u32 $0x13A00, s14;
	s7 =	sadd.s32 $0x1000, s2  }
0x8: {  	s6 =	sand.u32 $0x1, s6;
	s8 =	sshll.u32 s14, $0x1;
	s13 =	smul.u32 $0x140, s14  }
0x9: {  	s12 =	sadd.s32 $0xB000, s2;
	s18 =	smul.u32 $0x9E00, s14;
	s19 =	sshll.u32 s14, $0x6  }
0xa: {  	_ =	strace $0x80000047;
	s10 =	smul.u32 $0x13C00, s6;
	s8 =	sor.u32 s6, s8  }
0xb: {  	s11 =	ssub.s32 $0x2, s6;
	[dreg:$0x9] =	wrdreg s12;
	s6 =	smul.u32 $0xA0, s6  }
0xc: {  	[dreg:$0xf] =	wrdreg s19;
	s9 =	sshrl.u32 s5, $0x3;
	s8 =	smul.u32 $0x500, s8  }
0xd: {  	s26 =	sshrl.u32 s11, $0x1;
	s5 =	sadd.s32 s5, s1;
	s21 =	sadd.s32 s18, s3  }
0xe: {  	s9 =	sadd.s32 s9, s2;
	s2 =	sadd.s32 s10, s2;
	s12 =	ssub.s32 s11, s26  }
0xf: {  	s6 =	sadd.s32 s6, s13;
	s11 =	sor.u32 $0x1C07, s19;
	[dreg:$0x11] =	wrdreg s21  }
0x10: {  	s25 =	sshrl.u32 s5, $0x3;
	s21 =	simm.s32 $0x40;
	s5 =	simm.s32 $0x6  }
0x11: {  	s10 =	simm.s32 $0x1C0;
	s13 =	simm.s32 $0x380;
	s15 =	sadd.s32 s0, s8  }
0x12: {  	s16 =	sadd.s32 s7, s8;
	s8 =	sor.u32 $0x20, s8;
	[dreg:$0x10] =	wrdreg s11  }
0x13: {  	s6 =	sshll.u32 s6, $0x3;
	s9 =	sadd.s32 $0x4F800, s9;
	[dreg:$0x13] =	wrdreg s25  }
0x14: {  	s2 =	sadd.s32 $0xC400, s2;
	s24 =	smax.u32 s12, $0x1;
	[dreg:$0xa] =	wrdreg s15  }
0x15: {  	s25 =	simm.s32 $0x1;
	s11 =	simm.s32 $0x3C0;
	[dreg:$0xb] =	wrdreg s16  }
0x16: {  	s17 =	sadd.s32 s0, s8;
	s8 =	sadd.s32 s7, s8;
	[dreg:$0xe] =	wrdreg s9  }
0x17: {  	s20 =	sor.u32 $0x60, s6;
	s6 =	sor.u32 $0x40, s6;
	[dreg:$0x12] =	wrdreg s24  }
0x18: {  	s15 =	simm.s32 $0x200;
	s16 =	simm.s32 $0x100;
	[dreg:$0xc] =	wrdreg s17  }
0x19: {  	[dreg:$0xd] =	wrdreg s8;
	s22 =	sadd.s32 s20, s0;
	s9 =	sadd.s32 s20, s7  }
0x1a: {  	s0 =	sadd.s32 s6, s0;
	s8 =	sshrl.u32 s18, $0x3;
	[dreg:$0x5] =	wrdreg s22  }
0x1b: {  	s23 =	sadd.s32 s6, s7;
	s17 =	simm.s32 $0x300;
	[dreg:$0x6] =	wrdreg s9  }
0x1c: {  	s20 =	simm.s32 $0x5;
	s6 =	simm.s32 $0x2C0;
	[dreg:$0x7] =	wrdreg s0  }
0x1d: {  	s7 =	simm.s32 $0x140;
	s18 =	simm.s32 $0x0;
	[dreg:$0x8] =	wrdreg s23  }
0x1e: {  	s22 =	simm.s32 $0x400;
	s23 =	simm.s32 $0x1400;
	s26 =	sadd.s32 s8, s2  }
0x1f: {  	s0 =	simm.s32 $0xC0;
	s2 =	simm.s32 $0x280;
	s8 =	simm.s32 $0x180  }
0x20: {  	s9 =	simm.s32 $0x340;
	[dreg:$0x14] =	wrdreg s26;
	s26 =	simm.s32 $0x3  }
.LBB2_1:
0x21: {  	s12 =	rddreg [dreg:$0xa]  }
0x22: {  	s24 =	rddreg [dreg:$0xb]  }
0x23: {  	s14 =	rddreg [dreg:$0xc]  }
0x24: {  	[tilespmem:s4], [sflag:$0x5] =	stream.linear.gather [hbm4b:s12+s4], $0x100, $0x38;
	[tilespmem:$0x1FC00] =	vst v63  }
0x25: {  	s19 =	rddreg [dreg:$0xd]  }
0x26: {  	[tilespmem:s15], [sflag:$0x5] =	stream.linear.gather [hbm4b:s24+s4], $0x100, $0x38;
	[tilespmem:$0x1FC00] =	vst v63  }
0x27: {  	s24 =	rddreg [dreg:$0xe]  }
0x28: {  	[tilespmem:s16], [sflag:$0x6] =	stream.linear.gather [hbm4b:s14+s4], $0x100, $0x38;
	[tilespmem:$0x1FC00] =	vst v63  }
0x29: {  	s14 =	rddreg [dreg:$0x10]  }
0x2a: {  	[tilespmem:s17], [sflag:$0x6] =	stream.linear.gather [hbm4b:s19+s4], $0x100, $0x38;
	[tilespmem:$0x1FC00] =	vst v63  }
0x2b: {  	s19 =	rddreg [dreg:$0x13]  }
0x2c: {  	[spmem:s19], [sflag:s14] =	dma.local [hbm:s24], $0x2740  }
0x2d: {  	s12 =	rddreg [dreg:$0x11]  }
0x2e: {  	s24 =	rddreg [dreg:$0x9];
	s12 =	sshrl.u32 s12, $0x3  }
0x2f: {  	[dreg:$0x15] =	wrdreg s12  }
0x30: {  	[spmem:s12], [sflag:s14] =	dma.local [hbm:s24], $0x13C0  }
0x31: {  	s24 =	simm.s32 $0x7  }
0x32: {  	_ =	swait.ge [sflag:s24], $0x2740  }
0x33: {  	[sflag:s24] =	ssyncset.done $0x0  }
0x34: {  	[sflag:s24] =	ssyncadd.s32 $0xFFFFD8C0  }
0x35: {  	_ =	swait.ge [sflag:s24], $0x13C0  }
0x36: {  	[sflag:s24] =	ssyncset.done $0x0  }
0x37: {  	[sflag:s24] =	ssyncadd.s32 $0xFFFFEC40  }
0x38: {  	[bflag:$0x0] =	sbarrier.arrive $0xFFFF  }
0x39: {  	_ =	swait.ge [sflag:s20], $0x100  }
0x3a: {  	[sflag:s20] =	ssyncset.done $0x0  }
0x3b: {  	[sflag:s20] =	ssyncadd.s32 $0xFFFFFF00  }
0x3c: {  	_ =	swait.ge [sflag:s20], $0x100  }
0x3d: {  	[sflag:s20] =	ssyncset.done $0x0  }
0x3e: {  	[sflag:s20] =	ssyncadd.s32 $0xFFFFFF00  }
0x3f: {  	[tilespmem:s22], [sflag:$0x1] =	stream.indirect.gather [spmem:s1], $0x40, s4, s21, $0xb8;
	[tilespmem:$0x1FC00] =	vst v63  }
0x40: {  	_ = 	snop  }
0x41: {  	[tilespmem:s23], [sflag:$0x2] =	stream.indirect.gather [spmem:s1], $0x40, s21, s21, $0xb8;
	[tilespmem:$0x1FC00] =	vst v63  }
0x42: {  	_ =	swait.ge [sflag:s25], $0x1000  }
0x43: {  	[sflag:s25] =	ssyncset.done $0x0  }
0x44: {  	[sflag:s25] =	ssyncadd.s32 $0xFFFFF000  }
0x45: {  	[spmem:s3] =	stream.indirect.scatter.add.f32 [tilespmem:s22], [sflag:$0x3], $0x40, s15, s21, $0xb8;
	[tilespmem:$0x1FC00] =	vst v63  }
0x46: {  	_ =	swait.ge [sflag:s26], $0x1000  }
0x47: {  	[sflag:s26] =	ssyncset.done $0x0  }
0x48: {  	[sflag:s26] =	ssyncadd.s32 $0xFFFFF000  }
0x49: {  	[tilespmem:s22], [sflag:$0x1] =	stream.indirect.gather [spmem:s1], $0x40, s28, s21, $0xb8;
	[tilespmem:$0x1FC00] =	vst v63  }
0x4a: {  	_ =	swait.ge [sflag:s29], $0x1000  }
0x4b: {  	[sflag:s29] =	ssyncset.done $0x0  }
0x4c: {  	[sflag:s29] =	ssyncadd.s32 $0xFFFFF000  }
0x4d: {  	[spmem:s3] =	stream.indirect.scatter.add.f32 [tilespmem:s23], [sflag:$0x4], $0x40, s30, s21, $0xb8;
	[tilespmem:$0x1FC00] =	vst v63  }
0x4e: {  	_ =	swait.ge [sflag:s31], $0x1000  }
0x4f: {  	[sflag:s31] =	ssyncset.done $0x0  }
0x50: {  	[sflag:s31] =	ssyncadd.s32 $0xFFFFF000  }
0x51: {  	[tilespmem:s23], [sflag:$0x2] =	stream.indirect.gather [spmem:s1], $0x40, s0, s21, $0xb8;
	[tilespmem:$0x1FC00] =	vst v63  }
0x52: {  	_ =	swait.ge [sflag:s25], $0x1000  }
0x53: {  	[sflag:s25] =	ssyncset.done $0x0  }
0x54: {  	[sflag:s25] =	ssyncadd.s32 $0xFFFFF000  }
0x55: {  	[spmem:s3] =	stream.indirect.scatter.add.f32 [tilespmem:s22], [sflag:$0x3], $0x40, s2, s21, $0xb8;
	[tilespmem:$0x1FC00] =	vst v63  }
0x56: {  	_ =	swait.ge [sflag:s26], $0x1000  }
0x57: {  	[sflag:s26] =	ssyncset.done $0x0  }
0x58: {  	[sflag:s26] =	ssyncadd.s32 $0xFFFFF000  }
0x59: {  	_ =	swait.ge [sflag:s5], $0x100  }
0x5a: {  	[sflag:s5] =	ssyncset.done $0x0  }
0x5b: {  	[sflag:s5] =	ssyncadd.s32 $0xFFFFFF00  }
0x5c: {  	_ =	swait.ge [sflag:s5], $0x100  }
0x5d: {  	[sflag:s5] =	ssyncset.done $0x0  }
0x5e: {  	[sflag:s5] =	ssyncadd.s32 $0xFFFFFF00  }
0x5f: {  	[tilespmem:s22], [sflag:$0x1] =	stream.indirect.gather [spmem:s1], $0x40, s16, s21, $0xb8;
	[tilespmem:$0x1FC00] =	vst v63  }
0x60: {  	_ =	swait.ge [sflag:s29], $0x1000  }
0x61: {  	[sflag:s29] =	ssyncset.done $0x0  }
0x62: {  	[sflag:s29] =	ssyncadd.s32 $0xFFFFF000  }
0x63: {  	[spmem:s3] =	stream.indirect.scatter.add.f32 [tilespmem:s23], [sflag:$0x4], $0x40, s6, s21, $0xb8;
	[tilespmem:$0x1FC00] =	vst v63  }
0x64: {  	_ =	swait.ge [sflag:s31], $0x1000  }
0x65: {  	s14 =	rddreg [dreg:$0x7];
	[sflag:s31] =	ssyncset.done $0x0  }
0x66: {  	s19 =	rddreg [dreg:$0x8];
	[sflag:s31] =	ssyncadd.s32 $0xFFFFF000;
	s12 =	sadd.s32 $0x0, s14  }
0x67: {  	[tilespmem:s4], [sflag:$0x5] =	stream.linear.gather [hbm4b:s12+s4], $0x100, $0x38;
	[tilespmem:$0x1FC00] =	vst v63  }
0x68: {  	s24 =	sadd.s32 $0x0, s19  }
0x69: {  	[tilespmem:s15], [sflag:$0x5] =	stream.linear.gather [hbm4b:s24+s4], $0x100, $0x38;
	[tilespmem:$0x1FC00] =	vst v63  }
0x6a: {  	_ = 	snop  }
0x6b: {  	[tilespmem:s23], [sflag:$0x2] =	stream.indirect.gather [spmem:s1], $0x40, s7, s21, $0xb8;
	[tilespmem:$0x1FC00] =	vst v63  }
0x6c: {  	_ =	swait.ge [sflag:s25], $0x1000  }
0x6d: {  	[sflag:s25] =	ssyncset.done $0x0  }
0x6e: {  	[sflag:s25] =	ssyncadd.s32 $0xFFFFF000  }
0x6f: {  	[spmem:s3] =	stream.indirect.scatter.add.f32 [tilespmem:s22], [sflag:$0x3], $0x40, s17, s21, $0xb8;
	[tilespmem:$0x1FC00] =	vst v63  }
0x70: {  	_ =	swait.ge [sflag:s26], $0x1000  }
0x71: {  	[sflag:s26] =	ssyncset.done $0x0  }
0x72: {  	[sflag:s26] =	ssyncadd.s32 $0xFFFFF000  }
0x73: {  	[tilespmem:s22], [sflag:$0x1] =	stream.indirect.gather [spmem:s1], $0x40, s8, s21, $0xb8;
	[tilespmem:$0x1FC00] =	vst v63  }
0x74: {  	_ =	swait.ge [sflag:s29], $0x1000  }
0x75: {  	[sflag:s29] =	ssyncset.done $0x0  }
0x76: {  	[sflag:s29] =	ssyncadd.s32 $0xFFFFF000  }
0x77: {  	[spmem:s3] =	stream.indirect.scatter.add.f32 [tilespmem:s23], [sflag:$0x4], $0x40, s9, s21, $0xb8;
	[tilespmem:$0x1FC00] =	vst v63  }
0x78: {  	_ =	swait.ge [sflag:s31], $0x1000  }
0x79: {  	[sflag:s31] =	ssyncset.done $0x0  }
0x7a: {  	[sflag:s31] =	ssyncadd.s32 $0xFFFFF000  }
0x7b: {  	[tilespmem:s23], [sflag:$0x2] =	stream.indirect.gather [spmem:s1], $0x40, s10, s21, $0xb8;
	[tilespmem:$0x1FC00] =	vst v63  }
0x7c: {  	_ =	swait.ge [sflag:s25], $0x1000  }
0x7d: {  	[sflag:s25] =	ssyncset.done $0x0  }
0x7e: {  	[sflag:s25] =	ssyncadd.s32 $0xFFFFF000  }
0x7f: {  	[spmem:s3] =	stream.indirect.scatter.add.f32 [tilespmem:s22], [sflag:$0x3], $0x40, s13, s21, $0xb8;
	[tilespmem:$0x1FC00] =	vst v63  }
0x80: {  	_ =	swait.ge [sflag:s26], $0x1000  }
0x81: {  	[sflag:s26] =	ssyncset.done $0x0  }
0x82: {  	[sflag:s26] =	ssyncadd.s32 $0xFFFFF000  }
0x83: {  	_ =	swait.ge [sflag:s20], $0x100  }
0x84: {  	[sflag:s20] =	ssyncset.done $0x0  }
0x85: {  	[sflag:s20] =	ssyncadd.s32 $0xFFFFFF00  }
0x86: {  	_ =	swait.ge [sflag:s20], $0x100  }
0x87: {  	[sflag:s20] =	ssyncset.done $0x0  }
0x88: {  	[sflag:s20] =	ssyncadd.s32 $0xFFFFFF00  }
0x89: {  	[tilespmem:s22], [sflag:$0x1] =	stream.indirect.gather [spmem:s1], $0x40, s4, s21, $0xb8;
	[tilespmem:$0x1FC00] =	vst v63  }
0x8a: {  	_ =	swait.ge [sflag:s29], $0x1000  }
0x8b: {  	[sflag:s29] =	ssyncset.done $0x0  }
0x8c: {  	[sflag:s29] =	ssyncadd.s32 $0xFFFFF000  }
0x8d: {  	[spmem:s3] =	stream.indirect.scatter.add.f32 [tilespmem:s23], [sflag:$0x4], $0x40, s11, s21, $0xb8;
	[tilespmem:$0x1FC00] =	vst v63  }
0x8e: {  	_ =	swait.ge [sflag:s31], $0x1000  }
0x8f: {  	s14 =	rddreg [dreg:$0x5];
	[sflag:s31] =	ssyncset.done $0x0  }
0x90: {  	s19 =	rddreg [dreg:$0x6];
	[sflag:s31] =	ssyncadd.s32 $0xFFFFF000;
	s12 =	sadd.s32 $0x0, s14  }
0x91: {  	[tilespmem:s16], [sflag:$0x6] =	stream.linear.gather [hbm4b:s12+s4], $0x100, $0x38;
	[tilespmem:$0x1FC00] =	vst v63  }
0x92: {  	s24 =	sadd.s32 $0x0, s19  }
0x93: {  	[tilespmem:s17], [sflag:$0x6] =	stream.linear.gather [hbm4b:s24+s4], $0x100, $0x38;
	[tilespmem:$0x1FC00] =	vst v63  }
0x94: {  	_ = 	snop  }
0x95: {  	[tilespmem:s23], [sflag:$0x2] =	stream.indirect.gather [spmem:s1], $0x40, s21, s21, $0xb8;
	[tilespmem:$0x1FC00] =	vst v63  }
0x96: {  	_ =	swait.ge [sflag:s25], $0x1000  }
0x97: {  	[sflag:s25] =	ssyncset.done $0x0  }
0x98: {  	[sflag:s25] =	ssyncadd.s32 $0xFFFFF000  }
0x99: {  	[spmem:s3] =	stream.indirect.scatter.add.f32 [tilespmem:s22], [sflag:$0x3], $0x40, s15, s21, $0xb8;
	[tilespmem:$0x1FC00] =	vst v63  }
0x9a: {  	_ =	swait.ge [sflag:s26], $0x1000  }
0x9b: {  	[sflag:s26] =	ssyncset.done $0x0  }
0x9c: {  	[sflag:s26] =	ssyncadd.s32 $0xFFFFF000  }
0x9d: {  	[tilespmem:s22], [sflag:$0x1] =	stream.indirect.gather [spmem:s1], $0x40, s28, s21, $0xb8;
	[tilespmem:$0x1FC00] =	vst v63  }
0x9e: {  	_ =	swait.ge [sflag:s29], $0x1000  }
0x9f: {  	[sflag:s29] =	ssyncset.done $0x0  }
0xa0: {  	[sflag:s29] =	ssyncadd.s32 $0xFFFFF000  }
0xa1: {  	[spmem:s3] =	stream.indirect.scatter.add.f32 [tilespmem:s23], [sflag:$0x4], $0x40, s30, s21, $0xb8;
	[tilespmem:$0x1FC00] =	vst v63  }
0xa2: {  	_ =	swait.ge [sflag:s31], $0x1000  }
0xa3: {  	[sflag:s31] =	ssyncset.done $0x0  }
0xa4: {  	[sflag:s31] =	ssyncadd.s32 $0xFFFFF000  }
0xa5: {  	[tilespmem:s23], [sflag:$0x2] =	stream.indirect.gather [spmem:s1], $0x40, s0, s21, $0xb8;
	[tilespmem:$0x1FC00] =	vst v63  }
0xa6: {  	_ =	swait.ge [sflag:s25], $0x1000  }
0xa7: {  	[sflag:s25] =	ssyncset.done $0x0  }
0xa8: {  	[sflag:s25] =	ssyncadd.s32 $0xFFFFF000  }
0xa9: {  	[spmem:s3] =	stream.indirect.scatter.add.f32 [tilespmem:s22], [sflag:$0x3], $0x40, s2, s21, $0xb8;
	[tilespmem:$0x1FC00] =	vst v63  }
0xaa: {  	_ =	swait.ge [sflag:s26], $0x1000  }
0xab: {  	[sflag:s26] =	ssyncset.done $0x0  }
0xac: {  	[sflag:s26] =	ssyncadd.s32 $0xFFFFF000  }
0xad: {  	_ =	swait.ge [sflag:s5], $0x100  }
0xae: {  	[sflag:s5] =	ssyncset.done $0x0  }
0xaf: {  	[sflag:s5] =	ssyncadd.s32 $0xFFFFFF00  }
0xb0: {  	_ =	swait.ge [sflag:s5], $0x100  }
0xb1: {  	[sflag:s5] =	ssyncset.done $0x0  }
0xb2: {  	[sflag:s5] =	ssyncadd.s32 $0xFFFFFF00  }
0xb3: {  	[tilespmem:s22], [sflag:$0x1] =	stream.indirect.gather [spmem:s1], $0x40, s16, s21, $0xb8;
	[tilespmem:$0x1FC00] =	vst v63  }
0xb4: {  	_ =	swait.ge [sflag:s29], $0x1000  }
0xb5: {  	[sflag:s29] =	ssyncset.done $0x0  }
0xb6: {  	s14 =	simm.s32 $0x40;
	[sflag:s29] =	ssyncadd.s32 $0xFFFFF000  }
.LBB2_2:
0xb7: {  	[spmem:s3] =	stream.indirect.scatter.add.f32 [tilespmem:s23], [sflag:$0x4], $0x40, s6, s21, $0xb8;
	[tilespmem:$0x1FC00] =	vst v63  }
0xb8: {  	_ =	swait.ge [sflag:s31], $0x1000  }
0xb9: {  	s12 =	smov.u32 s14;
	s19 =	rddreg [dreg:$0x7];
	[sflag:s31] =	ssyncset.done $0x0  }
0xba: {  	s24 =	rddreg [dreg:$0x8];
	[sflag:s31] =	ssyncadd.s32 $0xFFFFF000;
	s19 =	sadd.s32 s12, s19  }
0xbb: {  	[tilespmem:s4], [sflag:$0x5] =	stream.linear.gather [hbm4b:s19+s4], $0x100, $0x38;
	[tilespmem:$0x1FC00] =	vst v63  }
0xbc: {  	s24 =	sadd.s32 s12, s24  }
0xbd: {  	[tilespmem:s15], [sflag:$0x5] =	stream.linear.gather [hbm4b:s24+s4], $0x100, $0x38;
	[tilespmem:$0x1FC00] =	vst v63  }
0xbe: {  	_ = 	snop  }
0xbf: {  	[tilespmem:s23], [sflag:$0x2] =	stream.indirect.gather [spmem:s1], $0x40, s7, s21, $0xb8;
	[tilespmem:$0x1FC00] =	vst v63  }
0xc0: {  	_ =	swait.ge [sflag:s25], $0x1000  }
0xc1: {  	[sflag:s25] =	ssyncset.done $0x0  }
0xc2: {  	[sflag:s25] =	ssyncadd.s32 $0xFFFFF000  }
0xc3: {  	[spmem:s3] =	stream.indirect.scatter.add.f32 [tilespmem:s22], [sflag:$0x3], $0x40, s17, s21, $0xb8;
	[tilespmem:$0x1FC00] =	vst v63  }
0xc4: {  	_ =	swait.ge [sflag:s26], $0x1000  }
0xc5: {  	[sflag:s26] =	ssyncset.done $0x0  }
0xc6: {  	[sflag:s26] =	ssyncadd.s32 $0xFFFFF000  }
0xc7: {  	[tilespmem:s22], [sflag:$0x1] =	stream.indirect.gather [spmem:s1], $0x40, s8, s21, $0xb8;
	[tilespmem:$0x1FC00] =	vst v63  }
0xc8: {  	_ =	swait.ge [sflag:s29], $0x1000  }
0xc9: {  	[sflag:s29] =	ssyncset.done $0x0  }
0xca: {  	[sflag:s29] =	ssyncadd.s32 $0xFFFFF000  }
0xcb: {  	[spmem:s3] =	stream.indirect.scatter.add.f32 [tilespmem:s23], [sflag:$0x4], $0x40, s9, s21, $0xb8;
	[tilespmem:$0x1FC00] =	vst v63  }
0xcc: {  	_ =	swait.ge [sflag:s31], $0x1000  }
0xcd: {  	[sflag:s31] =	ssyncset.done $0x0  }
0xce: {  	[sflag:s31] =	ssyncadd.s32 $0xFFFFF000  }
0xcf: {  	[tilespmem:s23], [sflag:$0x2] =	stream.indirect.gather [spmem:s1], $0x40, s10, s21, $0xb8;
	[tilespmem:$0x1FC00] =	vst v63  }
0xd0: {  	_ =	swait.ge [sflag:s25], $0x1000  }
0xd1: {  	[sflag:s25] =	ssyncset.done $0x0  }
0xd2: {  	[sflag:s25] =	ssyncadd.s32 $0xFFFFF000  }
0xd3: {  	[spmem:s3] =	stream.indirect.scatter.add.f32 [tilespmem:s22], [sflag:$0x3], $0x40, s13, s21, $0xb8;
	[tilespmem:$0x1FC00] =	vst v63  }
0xd4: {  	_ =	swait.ge [sflag:s26], $0x1000  }
0xd5: {  	[sflag:s26] =	ssyncset.done $0x0  }
0xd6: {  	[sflag:s26] =	ssyncadd.s32 $0xFFFFF000  }
0xd7: {  	_ =	swait.ge [sflag:s20], $0x100  }
0xd8: {  	[sflag:s20] =	ssyncset.done $0x0  }
0xd9: {  	[sflag:s20] =	ssyncadd.s32 $0xFFFFFF00  }
0xda: {  	_ =	swait.ge [sflag:s20], $0x100  }
0xdb: {  	[sflag:s20] =	ssyncset.done $0x0  }
0xdc: {  	[sflag:s20] =	ssyncadd.s32 $0xFFFFFF00  }
0xdd: {  	[tilespmem:s22], [sflag:$0x1] =	stream.indirect.gather [spmem:s1], $0x40, s4, s21, $0xb8;
	[tilespmem:$0x1FC00] =	vst v63  }
0xde: {  	_ =	swait.ge [sflag:s29], $0x1000  }
0xdf: {  	[sflag:s29] =	ssyncset.done $0x0  }
0xe0: {  	[sflag:s29] =	ssyncadd.s32 $0xFFFFF000  }
0xe1: {  	[spmem:s3] =	stream.indirect.scatter.add.f32 [tilespmem:s23], [sflag:$0x4], $0x40, s11, s21, $0xb8;
	[tilespmem:$0x1FC00] =	vst v63  }
0xe2: {  	_ =	swait.ge [sflag:s31], $0x1000  }
0xe3: {  	s19 =	rddreg [dreg:$0x5];
	[sflag:s31] =	ssyncset.done $0x0  }
0xe4: {  	s24 =	rddreg [dreg:$0x6];
	[sflag:s31] =	ssyncadd.s32 $0xFFFFF000;
	s19 =	sadd.s32 s12, s19  }
0xe5: {  	[tilespmem:s16], [sflag:$0x6] =	stream.linear.gather [hbm4b:s19+s4], $0x100, $0x38;
	[tilespmem:$0x1FC00] =	vst v63  }
0xe6: {  	s12 =	sadd.s32 s12, s24  }
0xe7: {  	[tilespmem:s17], [sflag:$0x6] =	stream.linear.gather [hbm4b:s12+s4], $0x100, $0x38;
	[tilespmem:$0x1FC00] =	vst v63  }
0xe8: {  	_ = 	snop  }
0xe9: {  	[tilespmem:s23], [sflag:$0x2] =	stream.indirect.gather [spmem:s1], $0x40, s21, s21, $0xb8;
	[tilespmem:$0x1FC00] =	vst v63  }
0xea: {  	_ =	swait.ge [sflag:s25], $0x1000  }
0xeb: {  	[sflag:s25] =	ssyncset.done $0x0  }
0xec: {  	[sflag:s25] =	ssyncadd.s32 $0xFFFFF000  }
0xed: {  	[spmem:s3] =	stream.indirect.scatter.add.f32 [tilespmem:s22], [sflag:$0x3], $0x40, s15, s21, $0xb8;
	[tilespmem:$0x1FC00] =	vst v63  }
0xee: {  	_ =	swait.ge [sflag:s26], $0x1000  }
0xef: {  	[sflag:s26] =	ssyncset.done $0x0  }
0xf0: {  	[sflag:s26] =	ssyncadd.s32 $0xFFFFF000  }
0xf1: {  	[tilespmem:s22], [sflag:$0x1] =	stream.indirect.gather [spmem:s1], $0x40, s28, s21, $0xb8;
	[tilespmem:$0x1FC00] =	vst v63  }
0xf2: {  	_ =	swait.ge [sflag:s29], $0x1000  }
0xf3: {  	[sflag:s29] =	ssyncset.done $0x0  }
0xf4: {  	[sflag:s29] =	ssyncadd.s32 $0xFFFFF000  }
0xf5: {  	[spmem:s3] =	stream.indirect.scatter.add.f32 [tilespmem:s23], [sflag:$0x4], $0x40, s30, s21, $0xb8;
	[tilespmem:$0x1FC00] =	vst v63  }
0xf6: {  	_ =	swait.ge [sflag:s31], $0x1000  }
0xf7: {  	[sflag:s31] =	ssyncset.done $0x0  }
0xf8: {  	[sflag:s31] =	ssyncadd.s32 $0xFFFFF000  }
0xf9: {  	[tilespmem:s23], [sflag:$0x2] =	stream.indirect.gather [spmem:s1], $0x40, s0, s21, $0xb8;
	[tilespmem:$0x1FC00] =	vst v63  }
0xfa: {  	_ =	swait.ge [sflag:s25], $0x1000  }
0xfb: {  	[sflag:s25] =	ssyncset.done $0x0  }
0xfc: {  	[sflag:s25] =	ssyncadd.s32 $0xFFFFF000  }
0xfd: {  	[spmem:s3] =	stream.indirect.scatter.add.f32 [tilespmem:s22], [sflag:$0x3], $0x40, s2, s21, $0xb8;
	[tilespmem:$0x1FC00] =	vst v63  }
0xfe: {  	_ =	swait.ge [sflag:s26], $0x1000  }
0xff: {  	[sflag:s26] =	ssyncset.done $0x0  }
0x100: {  	[sflag:s26] =	ssyncadd.s32 $0xFFFFF000  }
0x101: {  	_ =	swait.ge [sflag:s5], $0x100  }
0x102: {  	[sflag:s5] =	ssyncset.done $0x0  }
0x103: {  	[sflag:s5] =	ssyncadd.s32 $0xFFFFFF00  }
0x104: {  	_ =	swait.ge [sflag:s5], $0x100  }
0x105: {  	p0 =	sne.s32 s14, $0x480;
	[sflag:s5] =	ssyncset.done $0x0  }
.Ltmp0:
0x106: {  	[sflag:s5] =	ssyncadd.s32 $0xFFFFFF00;
	(pc) =	sbr.rel @p0 .LBB2_2-.Ltmp0, $4  }
0x107: {  	[tilespmem:s22], [sflag:$0x1] =	stream.indirect.gather [spmem:s1], $0x40, s16, s21, $0xb8;
	[tilespmem:$0x1FC00] =	vst v63  }
0x108: {  	_ =	swait.ge [sflag:s29], $0x1000  }
0x109: {  	[sflag:s29] =	ssyncset.done $0x0  }
0x10a: {  	s14 =	sadd.s32 $0x40, s14;
	[sflag:s29] =	ssyncadd.s32 $0xFFFFF000  }
0x10b: {  	[spmem:s3] =	stream.indirect.scatter.add.f32 [tilespmem:s23], [sflag:$0x4], $0x40, s6, s21, $0xb8;
	[tilespmem:$0x1FC00] =	vst v63  }
0x10c: {  	_ =	swait.ge [sflag:s31], $0x1000  }
0x10d: {  	[sflag:s31] =	ssyncset.done $0x0  }
0x10e: {  	[sflag:s31] =	ssyncadd.s32 $0xFFFFF000  }
0x10f: {  	[tilespmem:s23], [sflag:$0x2] =	stream.indirect.gather [spmem:s1], $0x40, s7, s21, $0xb8;
	[tilespmem:$0x1FC00] =	vst v63  }
0x110: {  	_ =	swait.ge [sflag:s25], $0x1000  }
0x111: {  	[sflag:s25] =	ssyncset.done $0x0  }
0x112: {  	[sflag:s25] =	ssyncadd.s32 $0xFFFFF000  }
0x113: {  	[spmem:s3] =	stream.indirect.scatter.add.f32 [tilespmem:s22], [sflag:$0x3], $0x40, s17, s21, $0xb8;
	[tilespmem:$0x1FC00] =	vst v63  }
0x114: {  	_ =	swait.ge [sflag:s26], $0x1000  }
0x115: {  	[sflag:s26] =	ssyncset.done $0x0  }
0x116: {  	[sflag:s26] =	ssyncadd.s32 $0xFFFFF000  }
0x117: {  	[tilespmem:s22], [sflag:$0x1] =	stream.indirect.gather [spmem:s1], $0x40, s8, s21, $0xb8;
	[tilespmem:$0x1FC00] =	vst v63  }
0x118: {  	_ =	swait.ge [sflag:s29], $0x1000  }
0x119: {  	[sflag:s29] =	ssyncset.done $0x0  }
0x11a: {  	[sflag:s29] =	ssyncadd.s32 $0xFFFFF000  }
0x11b: {  	[spmem:s3] =	stream.indirect.scatter.add.f32 [tilespmem:s23], [sflag:$0x4], $0x40, s9, s21, $0xb8;
	[tilespmem:$0x1FC00] =	vst v63  }
0x11c: {  	_ =	swait.ge [sflag:s31], $0x1000  }
0x11d: {  	[sflag:s31] =	ssyncset.done $0x0  }
0x11e: {  	[sflag:s31] =	ssyncadd.s32 $0xFFFFF000  }
0x11f: {  	[tilespmem:s23], [sflag:$0x2] =	stream.indirect.gather [spmem:s1], $0x40, s10, s21, $0xb8;
	[tilespmem:$0x1FC00] =	vst v63  }
0x120: {  	_ =	swait.ge [sflag:s25], $0x1000  }
0x121: {  	[sflag:s25] =	ssyncset.done $0x0  }
0x122: {  	[sflag:s25] =	ssyncadd.s32 $0xFFFFF000  }
0x123: {  	[spmem:s3] =	stream.indirect.scatter.add.f32 [tilespmem:s22], [sflag:$0x3], $0x40, s13, s21, $0xb8;
	[tilespmem:$0x1FC00] =	vst v63  }
0x124: {  	_ =	swait.ge [sflag:s26], $0x1000  }
0x125: {  	[sflag:s26] =	ssyncset.done $0x0  }
0x126: {  	[sflag:s26] =	ssyncadd.s32 $0xFFFFF000  }
0x127: {  	_ =	swait.ge [sflag:s29], $0x1000  }
0x128: {  	[sflag:s29] =	ssyncset.done $0x0  }
0x129: {  	[sflag:s29] =	ssyncadd.s32 $0xFFFFF000  }
0x12a: {  	[spmem:s3] =	stream.indirect.scatter.add.f32 [tilespmem:s23], [sflag:$0x4], $0x40, s11, s21, $0xb8;
	[tilespmem:$0x1FC00] =	vst v63  }
0x12b: {  	_ =	swait.ge [sflag:s31], $0x1000  }
0x12c: {  	[sflag:s31] =	ssyncset.done $0x0  }
0x12d: {  	[sflag:s31] =	ssyncadd.s32 $0xFFFFF000  }
0x12e: {  	[bflag:$0x0] =	sbarrier.arrive $0xFFFF  }
0x12f: {  	s12 =	rddreg [dreg:$0xf]  }
0x130: {  	s14 =	rddreg [dreg:$0x14]  }
0x131: {  	s19 =	rddreg [dreg:$0x15];
	s12 =	sor.u32 $0x1C08, s12  }
0x132: {  	[hbm:s14], [sflag:s12] =	dma.local [spmem:s19], $0x13C0  }
0x133: {  	s19 =	simm.s32 $0x8  }
0x134: {  	_ =	swait.ge [sflag:s19], $0x13C0  }
0x135: {  	s18 =	sadd.s32 $0x1, s18;
	s24 =	rddreg [dreg:$0x12]  }
0x136: {  	p0 =	sne.s32 s18, s24  }
.Ltmp1:
0x137: {  	_ = 	snop;
	(pc) =	sbr.rel @p0 .LBB2_1-.Ltmp1, $3  }
0x138: {  	_ =	sdelay $0x1  }
0x139: {  	[sflag:s19] =	ssyncset.done $0x0  }
0x13a: {  	[sflag:s19] =	ssyncadd.s32 $0xFFFFEC40  }
0x13b: {  	_ =	sfence.sel $0x180000  }
0x13c: {  	[bflag:$0x0] =	sbarrier.arrive $0xFFFF  }
0x13d: {  	_ =	strace $0x90000047  }
0x13e: {  	s0 =	stileid.u32;
	[bflag:$0x2] =	sbarrier.arrive $0xFFFF  }
0x13f: {  	p0 =	sne.s32 s0, $0x0;
	s0 =	rddreg [dreg:$0x4]  }
0x140: {  	s0 =	sadd.s32 @!p0 $0x100000, s0  }
0x141: {  	[sflag:s0] =	ssyncadd.tile.s32 @!p0 $0x1;
	_ =	shalt  }
.Lfunc_end2:
_tile_overlayer_lowered:
.L_overlay_start_2:
0x142: {  	(tag) =	ssettag $0x2  }
0x143: {  	s0 =	rddreg [dreg:$0x0];
	s2 =	stileid.u32  }
0x144: {  	s1 =	rddreg [dreg:$0x1];
	p0 =	sne.s32 s2, $0x0  }
0x145: {  	s3 =	rddreg [dreg:$0x2];
	[bflag:$0x3] =	sbarrier.arrive $0xFFFF;
	s2 =	simm.s32 @!p0 $0x1C08  }
0x146: {  	[timem:s3], [sflag:s2] =	dma.local @!p0 [hbm:s0], s1  }
0x147: {  	s0 =	simm.s32 @!p0 $0x8  }
0x148: {  	_ =	swait.ge @!p0 [sflag:s0], s1  }
0x149: {  	s1 =	ssub.s32 @!p0 $0x0, s1;
	[sflag:s0] =	ssyncset.done @!p0 $0x0  }
0x14a: {  	[sflag:s0] =	ssyncadd.s32 @!p0 s1  }
0x14b: {  	[bflag:$0x3] =	sbarrier.arrive $0xFFFF  }
0x14c: {  	_ =	shalt  }

</sc_bundles>
